<compile_context>
chip_gen: v7x
topology: tpu7x:2x2x1
jax: 0.10.2.dev20260603
libtpu: 0.0.44.dev20260713+nightly
codegen_flags: <defaults>
</compile_context>

<pallas_src>
import functools

import jax
import jax.numpy as jnp
from jax import lax
from jax.experimental import pallas as pl
from jax.experimental.pallas import tpu as pltpu
from jax.experimental.pallas import tpu_sc as plsc

F32 = jnp.float32
N = 10000
E = 320000
D = 128
NG = 16
LAMBD = 0.005

NP = 10240
EP = 327680
EPW = EP // 32
CH = 128
NCHUNK = EPW // CH
NROW = EP // CH
STRIPE = NP // 16

_MESH = dict(core_axis_name="c", subcore_axis_name="s", num_cores=2,
             num_subcores=16)



def _worker(cid, sid):
    return cid * 16 + sid


_LINEAR = pltpu.CompilerParams(use_tc_tiling_on_sc=False)


def _sc_counts(idx0, idx1, idx2, idx3, table16, zeros16, onehots):
    mesh = plsc.VectorSubcoreMesh(**_MESH)
    out_ty = [jax.ShapeDtypeStruct((2, NP, 16), F32)]
    scratch = (
        [pltpu.VMEM((CH,), jnp.int32) for _ in range(2)]
        + [pltpu.VMEM((CH, 16), F32) for _ in range(4)]
        + [pltpu.VMEM((CH, 16), F32),
           pltpu.VMEM_SHARED((NP, 16), F32),
           pltpu.SemaphoreType.DMA]
    )

    @functools.partial(pl.kernel, out_type=out_ty, mesh=mesh,
                       scratch_types=scratch, compiler_params=_LINEAR)
    def body(i0, i1, i2, i3, t16, z16, oh, out0,
             iva, ivb, oh0, oh1, oh2, oh3, rows, a0, sem):
        ones = (oh0, oh1, oh2, oh3)
        cid = lax.axis_index("c")
        sid = lax.axis_index("s")
        r0 = pl.multiple_of(sid * STRIPE, 8)
        pltpu.sync_copy(z16.at[pl.ds(r0, STRIPE)], a0.at[pl.ds(r0, STRIPE)])
        for j in range(4):
            pltpu.sync_copy(oh.at[j], ones[j])
        plsc.subcore_barrier()
        base = _worker(cid, sid) * EPW

        def chunk(i, _):
            off = pl.multiple_of(base + i * CH, 8)
            pltpu.sync_copy(i0.at[pl.ds(off, CH)], iva)
            pltpu.sync_copy(ones[0], a0.at[iva], add=True)
            pltpu.sync_copy(i1.at[pl.ds(off, CH)], ivb)
            pltpu.sync_copy(ones[1], a0.at[ivb], add=True)
            pltpu.async_copy(t16.at[ivb], rows, sem).wait()
            pltpu.sync_copy(rows, a0.at[iva], add=True)
            pltpu.sync_copy(i2.at[pl.ds(off, CH)], iva)
            pltpu.sync_copy(ones[2], a0.at[iva], add=True)
            pltpu.sync_copy(i3.at[pl.ds(off, CH)], iva)
            pltpu.sync_copy(ones[3], a0.at[iva], add=True)
            return 0

        lax.fori_loop(0, NCHUNK, chunk, 0)
        plsc.subcore_barrier()
        pltpu.sync_copy(a0.at[pl.ds(r0, STRIPE)],
                        out0.at[cid, pl.ds(r0, STRIPE)])

    return body(idx0, idx1, idx2, idx3, table16, zeros16, onehots)


def _sc_narrow(table16, src_idx, dst_idx, zeros16):
    mesh = plsc.VectorSubcoreMesh(**_MESH)
    out_ty = [jax.ShapeDtypeStruct((2, NP, 16), F32)]
    scratch = [
        pltpu.VMEM((CH,), jnp.int32),
        pltpu.VMEM((CH,), jnp.int32),
        pltpu.VMEM((CH, 16), F32),
        pltpu.VMEM_SHARED((NP, 16), F32),
        pltpu.SemaphoreType.DMA,
    ]

    @functools.partial(pl.kernel, out_type=out_ty, mesh=mesh,
                       scratch_types=scratch, compiler_params=_LINEAR)
    def body(tab, si, di, z16, out, si_v, di_v, rows, acc, sem):
        cid = lax.axis_index("c")
        sid = lax.axis_index("s")
        r0 = pl.multiple_of(sid * STRIPE, 8)
        pltpu.sync_copy(z16.at[pl.ds(r0, STRIPE)], acc.at[pl.ds(r0, STRIPE)])
        plsc.subcore_barrier()
        base = _worker(cid, sid) * EPW

        def chunk(i, _):
            off = pl.multiple_of(base + i * CH, 8)
            pltpu.sync_copy(si.at[pl.ds(off, CH)], si_v)
            pltpu.sync_copy(di.at[pl.ds(off, CH)], di_v)
            pltpu.async_copy(tab.at[si_v], rows, sem).wait()
            pltpu.sync_copy(rows, acc.at[di_v], add=True)
            return 0

        lax.fori_loop(0, NCHUNK, chunk, 0)
        plsc.subcore_barrier()
        pltpu.sync_copy(acc.at[pl.ds(r0, STRIPE)],
                        out.at[cid, pl.ds(r0, STRIPE)])

    return body(table16, src_idx, dst_idx, zeros16)[0]


def _sc_gather_scatter(table, src_idx, dst_idx, zeros128):
    mesh = plsc.VectorSubcoreMesh(**_MESH)
    out_ty = [jax.ShapeDtypeStruct((2, NP, D), F32)]
    scratch = [
        pltpu.VMEM((CH,), jnp.int32),
        pltpu.VMEM((CH,), jnp.int32),
        pltpu.VMEM((CH, D), F32),
        pltpu.VMEM_SHARED((NP, D), F32),
        pltpu.SemaphoreType.DMA,
    ]

    @functools.partial(pl.kernel, out_type=out_ty, mesh=mesh,
                       scratch_types=scratch)
    def body(tab, si, di, z128, out, si_v, di_v, rows, acc, sem):
        cid = lax.axis_index("c")
        sid = lax.axis_index("s")
        r0 = pl.multiple_of(sid * STRIPE, 8)
        pltpu.sync_copy(z128.at[pl.ds(r0, STRIPE)], acc.at[pl.ds(r0, STRIPE)])
        plsc.subcore_barrier()
        base = _worker(cid, sid) * EPW

        def chunk(i, _):
            off = pl.multiple_of(base + i * CH, 8)
            pltpu.sync_copy(si.at[pl.ds(off, CH)], si_v)
            pltpu.sync_copy(di.at[pl.ds(off, CH)], di_v)
            pltpu.async_copy(tab.at[si_v], rows, sem).wait()
            pltpu.sync_copy(rows, acc.at[di_v], add=True)
            return 0

        lax.fori_loop(0, NCHUNK, chunk, 0)
        plsc.subcore_barrier()
        pltpu.sync_copy(acc.at[pl.ds(r0, STRIPE)],
                        out.at[cid, pl.ds(r0, STRIPE)])

    return body(table, src_idx, dst_idx, zeros128)[0]


def _sc_wide_pair(tab0, si0, di0, tab1, si1, di1, zeros128):
    mesh = plsc.VectorSubcoreMesh(**_MESH)
    out_ty = [jax.ShapeDtypeStruct((2, NP, D), F32)]
    epw = EP // 16
    nchunk = epw // CH
    scratch = [
        pltpu.VMEM((CH,), jnp.int32),
        pltpu.VMEM((CH,), jnp.int32),
        pltpu.VMEM((CH, D), F32),
        pltpu.VMEM_SHARED((NP, D), F32),
        pltpu.SemaphoreType.DMA,
    ]

    @functools.partial(pl.kernel, out_type=out_ty, mesh=mesh,
                       scratch_types=scratch)
    def body(t0, s0, d0, t1, s1, d1, z128, out, si_v, di_v, rows, acc, sem):
        cid = lax.axis_index("c")
        sid = lax.axis_index("s")
        r0 = pl.multiple_of(sid * STRIPE, 8)
        pltpu.sync_copy(z128.at[pl.ds(r0, STRIPE)], acc.at[pl.ds(r0, STRIPE)])
        plsc.subcore_barrier()
        base = sid * epw

        def run(tab, si, di):
            def chunk(i, _):
                off = pl.multiple_of(base + i * CH, 8)
                pltpu.sync_copy(si.at[pl.ds(off, CH)], si_v)
                pltpu.sync_copy(di.at[pl.ds(off, CH)], di_v)
                pltpu.async_copy(tab.at[si_v], rows, sem).wait()
                pltpu.sync_copy(rows, acc.at[di_v], add=True)
                return 0
            lax.fori_loop(0, nchunk, chunk, 0)

        @pl.when(cid == 0)
        def _():
            run(t0, s0, d0)

        @pl.when(cid == 1)
        def _():
            run(t1, s1, d1)

        plsc.subcore_barrier()
        pltpu.sync_copy(acc.at[pl.ds(r0, STRIPE)],
                        out.at[cid, pl.ds(r0, STRIPE)])

    return body(tab0, si0, di0, tab1, si1, di1, zeros128)[0]



_BM = 256
_GP = NP // _BM
_BR = 200
_GR = N // _BR


def _mm4_body(a_ref, w_ref, o_ref):
    o_ref[...] = jnp.dot(a_ref[0], w_ref[0], preferred_element_type=F32)[None]


def _mm4(a_stack, w_stack):
    return pl.pallas_call(
        _mm4_body,
        grid=(4, _GP),
        in_specs=[pl.BlockSpec((1, _BM, D), lambda b, i: (b, i, 0)),
                  pl.BlockSpec((1, D, D), lambda b, i: (b, 0, 0))],
        out_specs=pl.BlockSpec((1, _BM, D), lambda b, i: (b, i, 0)),
        out_shape=jax.ShapeDtypeStruct((4, NP, D), F32),
    )(a_stack, w_stack)


def _deg_body(ca, cb, xwx, xwe, rde, rdn, dvx, dve, yx, ye):
    c = ca[...] + cb[...]
    rde[...] = jnp.broadcast_to(1.0 / jnp.maximum(c[:, 0:1], 1.0), (_BM, 16))
    rdn[...] = jnp.broadcast_to(1.0 / jnp.maximum(c[:, 1:2], 1.0), (_BM, 16))
    dx = lax.rsqrt(c[:, 2:3] + 1.0)
    dg = lax.rsqrt(c[:, 3:4] + 1.0)
    dvx[...] = jnp.broadcast_to(dx, (_BM, 16))
    dve[...] = jnp.broadcast_to(dg, (_BM, 16))
    yx[...] = xwx[...] * dx
    ye[...] = xwe[...] * dg


def _deg(cnt, xwx, xwe):
    s16 = pl.BlockSpec((_BM, 16), lambda i: (i, 0))
    s128 = pl.BlockSpec((_BM, D), lambda i: (i, 0))
    return pl.pallas_call(
        _deg_body,
        grid=(_GP,),
        in_specs=[s16, s16, s128, s128],
        out_specs=[s16, s16, s16, s16, s128, s128],
        out_shape=[jax.ShapeDtypeStruct((NP, 16), F32)] * 4
        + [jax.ShapeDtypeStruct((NP, D), F32)] * 2,
    )(cnt[0], cnt[1], xwx, xwe)


def _enew_body(ew, a1a, a1b, aAa, aAb, rde, cw, e_new, hedge16):
    en = ew[...] + (a1a[...] + a1b[...]) * rde[:, :1]
    e_new[...] = en
    ce = (aAa[...] + aAb[...]) * rde[...]
    p = jnp.dot(en, cw[...], preferred_element_type=F32)
    col = lax.broadcasted_iota(jnp.int32, (_BM, 16), 1)
    hedge16[...] = jnp.where(
        col == 0, p, jnp.where((col >= 4) & (col < 7), ce * p, 0.0))


def _enew(ew, acc1, accA, rde, cw):
    s16 = pl.BlockSpec((_BM, 16), lambda i: (i, 0))
    s128 = pl.BlockSpec((_BM, D), lambda i: (i, 0))
    scw = pl.BlockSpec((D, 1), lambda i: (0, 0))
    return pl.pallas_call(
        _enew_body,
        grid=(_GP,),
        in_specs=[s128, s128, s128, s16, s16, s16, scw],
        out_specs=[s128, s16],
        out_shape=[jax.ShapeDtypeStruct((NP, D), F32),
                   jax.ShapeDtypeStruct((NP, 16), F32)],
    )(ew, acc1[0], acc1[1], accA[0], accA[1], rde, cw)


def _imp_body(gx, ge, yx, ye, dvx, dve, bx, be, zi, ei):
    zi[...] = (gx[...] + yx[...]) * dvx[:, :1] + bx[...]
    ei[...] = (ge[...] + ye[...]) * dve[:, :1] + be[...]


def _imp(gx, ge, yx, ye, dvx, dve, bx, be):
    s16 = pl.BlockSpec((_BM, 16), lambda i: (i, 0))
    s128 = pl.BlockSpec((_BM, D), lambda i: (i, 0))
    sb = pl.BlockSpec((1, D), lambda i: (0, 0))
    return pl.pallas_call(
        _imp_body,
        grid=(_GP,),
        in_specs=[s128, s128, s128, s128, s16, s16, sb, sb],
        out_specs=[s128, s128],
        out_shape=[jax.ShapeDtypeStruct((NP, D), F32)] * 2,
    )(gx, ge, yx, ye, dvx, dve, bx, be)


def _post_body(x, xl, a2a, a2b, tba, tbb, rdn, c16, en, hef, g, b,
               z, z_out, e_out, uc16):
    zv = xl[...] + (a2a[...] + a2b[...]) * rdn[:, :1]
    z[...] = zv
    t = (tba[...] + tbb[...]) * rdn[...]
    uc16[...] = c16[...] * (1.0 + t[:, :1]) - t

    def lngelu(v):
        m = jnp.mean(v, axis=-1, keepdims=True)
        vc = v - m
        var = jnp.mean(vc * vc, axis=-1, keepdims=True)
        h = vc * lax.rsqrt(var + 1e-5) * g[...] + b[...]
        return 0.5 * h * (1.0 + lax.erf(h * 0.7071067811865476))

    z_out[...] = lngelu(zv) + x[...]
    e_out[...] = lngelu(en[...]) + hef[...]


def _post(x, xl, acc2, t16, rdn, c16, en, hef, g, b):
    s16 = pl.BlockSpec((_BR, 16), lambda i: (i, 0))
    s128 = pl.BlockSpec((_BR, D), lambda i: (i, 0))
    sb = pl.BlockSpec((1, D), lambda i: (0, 0))
    return pl.pallas_call(
        _post_body,
        grid=(_GR,),
        in_specs=[s128, s128, s128, s128, s16, s16, s16, s16, s128, s128,
                  sb, sb],
        out_specs=[s128, s128, s128, s16],
        out_shape=[jax.ShapeDtypeStruct((N, D), F32)] * 3
        + [jax.ShapeDtypeStruct((N, 16), F32)],
    )(x, xl, acc2[0], acc2[1], t16[0], t16[1], rdn, c16, en, hef, g, b)


def _pair_stats(z1, z2, S, G, first):
    s1 = jnp.sum(z1, axis=0, keepdims=True)
    q1 = jnp.sum(z1 * z1, axis=0, keepdims=True)
    s2 = jnp.sum(z2, axis=0, keepdims=True)
    q2 = jnp.sum(z2 * z2, axis=0, keepdims=True)
    st = jnp.concatenate([s1, q1, s2, q2], axis=0)
    g = lax.dot_general(z1, z2, (((0,), (0,)), ((), ())),
                        preferred_element_type=F32)
    S[...] = jnp.where(first, st, S[...] + st)
    G[...] = jnp.where(first, g, G[...] + g)


def _pair_loss(S, G):
    bsz = float(N)
    m1 = S[0:1] / bsz
    m2 = S[2:3] / bsz
    v10 = S[1:2] / bsz - m1 * m1
    v11 = (S[1:2] - bsz * m1 * m1) / (bsz - 1.0)
    v20 = S[3:4] / bsz - m2 * m2
    v21 = (S[3:4] - bsz * m2 * m2) / (bsz - 1.0)
    d1 = jnp.sqrt(v10 + 1e-5 * v11)
    d2 = jnp.sqrt(v20 + 1e-5 * v21)
    outer_m = lax.dot_general(m1, m2, (((0,), (0,)), ((), ())),
                              preferred_element_type=F32)
    outer_d = lax.dot_general(d1, d2, (((0,), (0,)), ((), ())),
                              preferred_element_type=F32)
    c = (G[...] - bsz * outer_m) / (bsz * outer_d)
    eye = (lax.broadcasted_iota(jnp.int32, (D, D), 0)
           == lax.broadcasted_iota(jnp.int32, (D, D), 1)).astype(F32)
    c2 = c * c
    diag_term = jnp.sum(eye * (c - 1.0) ** 2)
    return diag_term + LAMBD * (jnp.sum(c2) - jnp.sum(eye * c2))


def _gram_body(z1, z2, z3, z4, o, S1, G1, S2, G2):
    i = pl.program_id(0)
    first = i == 0
    _pair_stats(z1[...], z2[...], S1, G1, first)
    _pair_stats(z3[...], z4[...], S2, G2, first)

    @pl.when(i == _GR - 1)
    def _():
        bt = _pair_loss(S1, G1) + _pair_loss(S2, G2)
        o[...] = bt * jnp.ones((1, 1), F32)


def _gram(z1, z2, z3, z4):
    s128 = pl.BlockSpec((_BR, D), lambda i: (i, 0))
    return pl.pallas_call(
        _gram_body,
        grid=(_GR,),
        in_specs=[s128] * 4,
        out_specs=pl.BlockSpec((1, 1), lambda i: (0, 0)),
        out_shape=jax.ShapeDtypeStruct((1, 1), F32),
        scratch_shapes=[pltpu.VMEM((4, D), F32), pltpu.VMEM((D, D), F32),
                        pltpu.VMEM((4, D), F32), pltpu.VMEM((D, D), F32)],
    )(z1, z2, z3, z4)


def _pool_body(zo, eo, nb, hb, wf, bf, o, zacc, eacc, zcnt, ecnt):
    i = pl.program_id(0)
    first = i == 0
    gio = lax.broadcasted_iota(jnp.int32, (NG, _BR), 0)
    mz = (gio == nb[0]).astype(F32)
    me = (gio == hb[0]).astype(F32)
    zs = jnp.dot(mz, zo[...], preferred_element_type=F32)
    es = jnp.dot(me, eo[...], preferred_element_type=F32)
    zc = jnp.sum(mz, axis=1, keepdims=True) * jnp.ones((NG, D), F32)
    ec = jnp.sum(me, axis=1, keepdims=True) * jnp.ones((NG, D), F32)
    zacc[...] = jnp.where(first, zs, zacc[...] + zs)
    eacc[...] = jnp.where(first, es, eacc[...] + es)
    zcnt[...] = jnp.where(first, zc, zcnt[...] + zc)
    ecnt[...] = jnp.where(first, ec, ecnt[...] + ec)

    @pl.when(i == _GR - 1)
    def _():
        zg = zacc[...] / jnp.maximum(zcnt[...], 1.0)
        eg = eacc[...] / jnp.maximum(ecnt[...], 1.0)
        o[...] = (jnp.dot(zg, wf[0], preferred_element_type=F32)
                  + jnp.dot(eg, wf[1], preferred_element_type=F32) + bf[...])


def _pool(z_out, e_out, nb3, hb3, wf2, bf):
    s128 = pl.BlockSpec((_BR, D), lambda i: (i, 0))
    sidx = pl.BlockSpec((1, 1, _BR), lambda i: (i, 0, 0))
    return pl.pallas_call(
        _pool_body,
        grid=(_GR,),
        in_specs=[s128, s128, sidx, sidx,
                  pl.BlockSpec((2, D, D), lambda i: (0, 0, 0)),
                  pl.BlockSpec((1, D), lambda i: (0, 0))],
        out_specs=pl.BlockSpec((NG, D), lambda i: (0, 0)),
        out_shape=jax.ShapeDtypeStruct((NG, D), F32),
        scratch_shapes=[pltpu.VMEM((NG, D), F32)] * 4,
    )(z_out, e_out, nb3, hb3, wf2, bf)



def kernel(x, hyperedge_feature, hyperedge_index, node_coord, node_batch_idx,
           hyperedge_batch_idx, X_X, E_E, W_hg_node, W_hg_edge, coord_w,
           W_x, b_x, W_e, b_e, ln_g, ln_b, W_f, b_f):
    i32 = jnp.int32
    padrows = NP - N
    pad_e = jnp.full((EP - E,), N, i32)

    def pad_idx(a):
        return jnp.concatenate([a.astype(i32), pad_e])

    ni = pad_idx(hyperedge_index[0])
    ei = pad_idx(hyperedge_index[1])
    xx_s = pad_idx(X_X[0])
    xx_d = pad_idx(X_X[1])
    ee_s = pad_idx(E_E[0])
    ee_d = pad_idx(E_E[1])

    xp = jnp.pad(x, ((0, padrows), (0, 0)))
    hefp = jnp.pad(hyperedge_feature, ((0, padrows), (0, 0)))
    coord16 = jnp.pad(node_coord, ((0, padrows), (4, 9)))
    z128 = jnp.zeros((NP, D), F32)
    z16 = jnp.zeros((NP, 16), F32)
    lane = lax.broadcasted_iota(i32, (4, CH, 16), 0)
    col = lax.broadcasted_iota(i32, (4, CH, 16), 2)
    o16 = jnp.where(lane == col, 1.0, 0.0).astype(F32)

    a_stack = jnp.stack([xp, xp, hefp, hefp])
    w_stack = jnp.stack([W_hg_node, W_x, W_e, W_hg_edge])
    mm = _mm4(a_stack, w_stack)
    xl, xwx, xwe, ew = mm[0], mm[1], mm[2], mm[3]

    cnt = _sc_counts(ei, ni, xx_d, ee_d, coord16, z16, o16)[0]
    accA = cnt

    rde, rdn, dvx, dve, yx, ye = _deg(cnt, xwx, xwe)

    acc1 = _sc_gather_scatter(xl, ni, ei, z128)

    gcn = _sc_wide_pair(yx, xx_s, xx_d, ye, ee_s, ee_d, z128)

    e_new, hedge16 = _enew(ew, acc1, accA, rde, coord_w)

    acc2 = _sc_gather_scatter(e_new, ei, ni, z128)

    t16 = _sc_narrow(hedge16, ei, ni, z16)

    z_imp, e_imp = _imp(gcn[0], gcn[1], yx, ye, dvx, dve,
                        b_x[None], b_e[None])

    z, z_out, e_out, uc16 = _post(
        x, xl[:N], acc2[:, :N], t16[:, :N], rdn[:N], coord16[:N],
        e_new[:N], hyperedge_feature, ln_g[None], ln_b[None])

    bt = _gram(z_imp[:N], z, e_imp[:N], e_new[:N])

    nb3 = node_batch_idx.astype(i32).reshape(_GR, 1, _BR)
    hb3 = hyperedge_batch_idx.astype(i32).reshape(_GR, 1, _BR)
    wf2 = W_f.reshape(2, D, D)
    graph = _pool(z_out, e_out, nb3, hb3, wf2, b_f[None])

    uc = uc16[:, 4:7]
    return (z_out, e_out, hyperedge_index, uc, node_batch_idx,
            hyperedge_batch_idx, graph, bt[0, 0])

# --- scband reference (transcript-rebuilt; emitter-appended) ---
"""Pipeline reference for scband-hyper-gcnblock-51196010168978 (READ-ONLY COPY).

The authoritative reference and input builder live on the scoring server;
editing this copy changes nothing except your own understanding.
"""

import jax, jax.numpy as jnp
import numpy as np

N_NODES = 10000
N_HEDGES = 10000
E_INC = 320000
EMB = 128
N_GRAPHS = 16
BATCH = 10000
LAMBD = 0.005

def _seg_sum(d, i, n):
    return jax.ops.segment_sum(d, i, num_segments=n)

def _seg_mean(d, i, n):
    s = jax.ops.segment_sum(d, i, num_segments=n)
    c = jax.ops.segment_sum(jnp.ones((d.shape[0],), d.dtype), i, num_segments=n)
    return s / jnp.maximum(c, 1.0)[:, None]

def setup_inputs(seed: int = 0):
    key = jax.random.key(seed)
    ks = [jax.random.fold_in(key, i) for i in range(20)]
    sc = 1.0 / np.sqrt(EMB)
    return {
        "x": jax.random.normal(ks[0], (N_NODES, EMB), jnp.float32),
        "hyperedge_feature": jax.random.normal(ks[1], (N_HEDGES, EMB), jnp.float32),
        "hyperedge_index": jax.random.randint(ks[2], (2, E_INC), 0, N_NODES),
        "node_coord": jax.random.normal(ks[3], (N_NODES, 3), jnp.float32),
        "node_batch_idx": jnp.sort(jax.random.randint(ks[4], (N_NODES,), 0, N_GRAPHS)),
        "hyperedge_batch_idx": jnp.sort(jax.random.randint(ks[5], (N_HEDGES,), 0, N_GRAPHS)),
        "X_X": jax.random.randint(ks[6], (2, E_INC), 0, N_NODES),
        "E_E": jax.random.randint(ks[7], (2, E_INC), 0, N_HEDGES),
        "W_hg_node": jax.random.normal(ks[8], (EMB, EMB), jnp.float32) * sc,
        "W_hg_edge": jax.random.normal(ks[9], (EMB, EMB), jnp.float32) * sc,
        "coord_w": jax.random.normal(ks[10], (EMB, 1), jnp.float32) * sc,
        "W_x": jax.random.normal(ks[11], (EMB, EMB), jnp.float32) * sc,
        "b_x": jnp.zeros((EMB,), jnp.float32),
        "W_e": jax.random.normal(ks[12], (EMB, EMB), jnp.float32) * sc,
        "b_e": jnp.zeros((EMB,), jnp.float32),
        "ln_g": jnp.ones((EMB,), jnp.float32),
        "ln_b": jnp.zeros((EMB,), jnp.float32),
        "W_f": jax.random.normal(ks[13], (2 * EMB, EMB), jnp.float32) * (1.0 / np.sqrt(2 * EMB)),
        "b_f": jnp.zeros((EMB,), jnp.float32),
    }

def _gcn(x, ei, W, b, n):
    src, dst = ei[0], ei[1]
    loops = jnp.arange(n, dtype=src.dtype)
    src = jnp.concatenate([src, loops])
    dst = jnp.concatenate([dst, loops])
    deg = _seg_sum(jnp.ones(src.shape, jnp.float32), dst, n)
    dinv = jnp.where(deg > 0, 1.0 / jnp.sqrt(deg), 0.0)
    norm = dinv[src] * dinv[dst]
    xw = x @ W
    out = _seg_sum(xw[src] * norm[:, None], dst, n)
    return out + b

def _hyperconv(x, e_feat, he, coord, Wn, We, cw):
    ni, ei = he[0], he[1]
    xl = x @ Wn
    a_n2e = _seg_mean(xl[ni], ei, e_feat.shape[0])
    e_new = e_feat @ We + a_n2e
    a_e2n = _seg_mean(e_new[ei], ni, x.shape[0])
    z = xl + a_e2n
    ce = _seg_mean(coord[ni], ei, e_feat.shape[0])
    rel = coord[ni] - ce[ei]
    cmsg = rel * (e_new[ei] @ cw)
    uc = coord + _seg_mean(cmsg, ni, x.shape[0])
    return z, e_new, uc

def _barlow(z1, z2):
    z1 = (z1 - z1.mean(0)) / jnp.std(z1, axis=0, ddof=1)
    z2 = (z2 - z2.mean(0)) / jnp.std(z2, axis=0, ddof=1)
    def bn(z):
        return (z - z.mean(0)) / jnp.sqrt(z.var(0) + 1e-5)
    c = (bn(z1).T @ bn(z2)) / BATCH
    d = jnp.diag(c)
    return jnp.sum((d - 1.0) ** 2) + LAMBD * (jnp.sum(c ** 2) - jnp.sum(d ** 2))

def _ln(x, g, b):
    m = x.mean(-1, keepdims=True)
    v = x.var(-1, keepdims=True)
    return (x - m) / jnp.sqrt(v + 1e-5) * g + b

def reference(x, hyperedge_feature, hyperedge_index, node_coord, node_batch_idx, hyperedge_batch_idx, X_X, E_E, W_hg_node, W_hg_edge, coord_w, W_x, b_x, W_e, b_e, ln_g, ln_b, W_f, b_f):
    z, e, uc = _hyperconv(x, hyperedge_feature, hyperedge_index, node_coord, W_hg_node, W_hg_edge, coord_w)
    z_imp = _gcn(x, X_X, W_x, b_x, N_NODES)
    e_imp = _gcn(hyperedge_feature, E_E, W_e, b_e, N_HEDGES)
    bt = _barlow(z_imp, z) + _barlow(e_imp, e)
    z = jax.nn.gelu(_ln(z, ln_g, ln_b), approximate=False)
    e = jax.nn.gelu(_ln(e, ln_g, ln_b), approximate=False)
    z = z + x
    e = e + hyperedge_feature
    zg = _seg_mean(z, node_batch_idx, N_GRAPHS)
    eg = _seg_mean(e, hyperedge_batch_idx, N_GRAPHS)
    graph = jnp.concatenate([zg, eg], axis=1) @ W_f + b_f
    return (z, e, hyperedge_index, uc, node_batch_idx, hyperedge_batch_idx, graph, bt)

if __name__ == "__main__":
    import jax
    _d = setup_inputs()
    print(jax.jit(kernel)(*tuple(_d.values())))

</pallas_src>

<mosaic_0001>
#map = affine_map<(d0, d1) -> (0, 0)>
#map1 = affine_map<(d0, d1) -> (0)>
#map2 = affine_map<(d0, d1) -> (0, 0, 0)>
module attributes {stable_mosaic.version = 14 : i64} {
  func.func @body(%arg0: i32, %arg1: i32, %arg2: memref<10240x128xf32, #tpu.memory_space<hbm>>, %arg3: memref<327680xi32, #tpu.memory_space<hbm>>, %arg4: memref<327680xi32, #tpu.memory_space<hbm>>, %arg5: memref<10240x128xf32, #tpu.memory_space<hbm>>, %arg6: memref<2x10240x128xf32, #tpu.memory_space<hbm>>, %arg7: memref<128xi32, #tpu.memory_space<vmem>>, %arg8: memref<128xi32, #tpu.memory_space<vmem>>, %arg9: memref<128x128xf32, #tpu.memory_space<vmem>>, %arg10: memref<10240x128xf32, #tpu.memory_space<vmem_shared>>, %arg11: memref<!tpu.dma_semaphore, #tpu.memory_space<semaphore_mem>>) attributes {dimension_semantics = [#tpu.dimension_semantics<core_parallel>, #tpu.dimension_semantics<subcore_parallel>], iteration_bounds = array<i64: 2, 16>, scalar_prefetch = 0 : i64, scratch_operands = 5 : i64, tpu.core_type = #tpu.core_type<sc_vector_subcore>, window_params = [{transform_indices = #map}, {transform_indices = #map1}, {transform_indices = #map1}, {transform_indices = #map}, {transform_indices = #map2}]} {
    %mul3A = arith.constant 640 : i32
    %mul3A_0 = arith.muli %arg1, %mul3A : i32
    %multiple_of3A = tpu.assume_multiple %mul3A_0, 8 : i32
    "tpu.region"() ({
      %run_scoped3A = tpu.sem_alloc : memref<!tpu.dma_semaphore, #tpu.memory_space<semaphore_mem>>
      %dma_start3A = arith.constant 0 : i32
      %dma_start3A_12 = tpu.memref_slice %arg10[%multiple_of3A, %dma_start3A] : memref<10240x128xf32, #tpu.memory_space<vmem_shared>> -> memref<640x128xf32, #tpu.memory_space<vmem_shared>>
      %dma_start3A_13 = arith.constant 0 : i32
      %dma_start3A_14 = tpu.memref_slice %arg5[%multiple_of3A, %dma_start3A_13] : memref<10240x128xf32, #tpu.memory_space<hbm>> -> memref<640x128xf32, #tpu.memory_space<hbm>>
      tpu.enqueue_dma source(%dma_start3A_14 : memref<640x128xf32, #tpu.memory_space<hbm>>) target(%dma_start3A_12 : memref<640x128xf32, #tpu.memory_space<vmem_shared>>) target_semaphore(%run_scoped3A : memref<!tpu.dma_semaphore, #tpu.memory_space<semaphore_mem>>)
      %dma_wait3A = arith.constant 0 : i32
      %dma_wait3A_15 = tpu.memref_slice %arg10[%multiple_of3A, %dma_wait3A] : memref<10240x128xf32, #tpu.memory_space<vmem_shared>> -> memref<640x128xf32, #tpu.memory_space<vmem_shared>>
      %dma_wait3A_16 = arith.constant 0 : i32
      %dma_wait3A_17 = tpu.memref_slice %arg5[%multiple_of3A, %dma_wait3A_16] : memref<10240x128xf32, #tpu.memory_space<hbm>> -> memref<640x128xf32, #tpu.memory_space<hbm>>
      tpu.wait_dma2 semaphore(%run_scoped3A : memref<!tpu.dma_semaphore, #tpu.memory_space<semaphore_mem>>) src(%dma_wait3A_17 : memref<640x128xf32, #tpu.memory_space<hbm>>) dst(%dma_wait3A_15 : memref<640x128xf32, #tpu.memory_space<vmem_shared>>)
      tpu.yield
    }) : () -> ()
    %barrier3A = arith.constant 0 : index
    tpu.barrier barrier_id(%barrier3A)
    %mul3A_1 = arith.constant 16 : i32
    %mul3A_2 = arith.muli %arg0, %mul3A_1 : i32
    %add3A = arith.addi %mul3A_2, %arg1 : i32
    %mul3A_3 = arith.constant 10240 : i32
    %mul3A_4 = arith.muli %add3A, %mul3A_3 : i32
    %scan3A = arith.constant 0 : i32
    %scan3A_5 = arith.constant 0 : i32
    %scan3A_6 = arith.constant 80 : i32
    %scan3A_7 = arith.addi %scan3A_5, %scan3A_6 : i32
    %scan3A_8 = arith.constant 1 : i32
    %scan3A_9 = scf.for %scan3A_12 = %scan3A_5 to %scan3A_7 step %scan3A_8 iter_args(%scan3A_13 = %scan3A) -> (i32)  : i32 {
      %mul3A_14 = arith.constant 128 : i32
      %mul3A_15 = arith.muli %scan3A_12, %mul3A_14 : i32
      %add3A_16 = arith.addi %mul3A_4, %mul3A_15 : i32
      %multiple_of3A_17 = tpu.assume_multiple %add3A_16, 8 : i32
      "tpu.region"() ({
        %run_scoped3A = tpu.sem_alloc : memref<!tpu.dma_semaphore, #tpu.memory_space<semaphore_mem>>
        %dma_start3A_23 = tpu.memref_slice %arg3[%multiple_of3A_17] : memref<327680xi32, #tpu.memory_space<hbm>> -> memref<128xi32, #tpu.memory_space<hbm>>
        %dma_start3A_24 = tpu.memref_slice %arg3[%multiple_of3A_17] : memref<327680xi32, #tpu.memory_space<hbm>> -> memref<128xi32, #tpu.memory_space<hbm>>
        tpu.enqueue_dma source(%dma_start3A_24 : memref<128xi32, #tpu.memory_space<hbm>>) target(%arg7 : memref<128xi32, #tpu.memory_space<vmem>>) target_semaphore(%run_scoped3A : memref<!tpu.dma_semaphore, #tpu.memory_space<semaphore_mem>>)
        %dma_wait3A_25 = tpu.memref_slice %arg3[%multiple_of3A_17] : memref<327680xi32, #tpu.memory_space<hbm>> -> memref<128xi32, #tpu.memory_space<hbm>>
        %dma_wait3A_26 = tpu.memref_slice %arg3[%multiple_of3A_17] : memref<327680xi32, #tpu.memory_space<hbm>> -> memref<128xi32, #tpu.memory_space<hbm>>
        tpu.wait_dma2 semaphore(%run_scoped3A : memref<!tpu.dma_semaphore, #tpu.memory_space<semaphore_mem>>) src(%dma_wait3A_26 : memref<128xi32, #tpu.memory_space<hbm>>) dst(%arg7 : memref<128xi32, #tpu.memory_space<vmem>>)
        tpu.yield
      }) : () -> ()
      "tpu.region"() ({
        %run_scoped3A = tpu.sem_alloc : memref<!tpu.dma_semaphore, #tpu.memory_space<semaphore_mem>>
        %dma_start3A_23 = tpu.memref_slice %arg4[%multiple_of3A_17] : memref<327680xi32, #tpu.memory_space<hbm>> -> memref<128xi32, #tpu.memory_space<hbm>>
        %dma_start3A_24 = tpu.memref_slice %arg4[%multiple_of3A_17] : memref<327680xi32, #tpu.memory_space<hbm>> -> memref<128xi32, #tpu.memory_space<hbm>>
        tpu.enqueue_dma source(%dma_start3A_24 : memref<128xi32, #tpu.memory_space<hbm>>) target(%arg8 : memref<128xi32, #tpu.memory_space<vmem>>) target_semaphore(%run_scoped3A : memref<!tpu.dma_semaphore, #tpu.memory_space<semaphore_mem>>)
        %dma_wait3A_25 = tpu.memref_slice %arg4[%multiple_of3A_17] : memref<327680xi32, #tpu.memory_space<hbm>> -> memref<128xi32, #tpu.memory_space<hbm>>
        %dma_wait3A_26 = tpu.memref_slice %arg4[%multiple_of3A_17] : memref<327680xi32, #tpu.memory_space<hbm>> -> memref<128xi32, #tpu.memory_space<hbm>>
        tpu.wait_dma2 semaphore(%run_scoped3A : memref<!tpu.dma_semaphore, #tpu.memory_space<semaphore_mem>>) src(%dma_wait3A_26 : memref<128xi32, #tpu.memory_space<hbm>>) dst(%arg8 : memref<128xi32, #tpu.memory_space<vmem>>)
        tpu.yield
      }) : () -> ()
      %dma_start3A = arith.constant 0 : i32
      %dma_start3A_18 = arith.constant 0 : i32
      %dma_start3A_19 = tpu.memref_slice %arg2[%dma_start3A, %dma_start3A_18] : memref<10240x128xf32, #tpu.memory_space<hbm>> -> memref<10240x128xf32, #tpu.memory_space<hbm>>
      tpu.enqueue_indirect_dma source(%dma_start3A_19 : memref<10240x128xf32, #tpu.memory_space<hbm>>) target(%arg9 : memref<128x128xf32, #tpu.memory_space<vmem>>) offsets(%arg7 : memref<128xi32, #tpu.memory_space<vmem>>) semaphore(%arg11 : memref<!tpu.dma_semaphore, #tpu.memory_space<semaphore_mem>>)
      %dma_wait3A = arith.constant 0 : i32
      %dma_wait3A_20 = arith.constant 0 : i32
      %dma_wait3A_21 = tpu.memref_slice %arg2[%dma_wait3A, %dma_wait3A_20] : memref<10240x128xf32, #tpu.memory_space<hbm>> -> memref<10240x128xf32, #tpu.memory_space<hbm>>
      tpu.wait_indirect_dma semaphore(%arg11 : memref<!tpu.dma_semaphore, #tpu.memory_space<semaphore_mem>>) src(%dma_wait3A_21 : memref<10240x128xf32, #tpu.memory_space<hbm>>) dst(%arg9 : memref<128x128xf32, #tpu.memory_space<vmem>>)
      "tpu.region"() ({
        %run_scoped3A = tpu.sem_alloc : memref<!tpu.dma_semaphore, #tpu.memory_space<semaphore_mem>>
        %dma_start3A_23 = arith.constant 0 : i32
        %dma_start3A_24 = arith.constant 0 : i32
        %dma_start3A_25 = tpu.memref_slice %arg10[%dma_start3A_23, %dma_start3A_24] : memref<10240x128xf32, #tpu.memory_space<vmem_shared>> -> memref<10240x128xf32, #tpu.memory_space<vmem_shared>>
        tpu.enqueue_indirect_dma source(%arg9 : memref<128x128xf32, #tpu.memory_space<vmem>>) target(%dma_start3A_25 : memref<10240x128xf32, #tpu.memory_space<vmem_shared>>) offsets(%arg8 : memref<128xi32, #tpu.memory_space<vmem>>) semaphore(%run_scoped3A : memref<!tpu.dma_semaphore, #tpu.memory_space<semaphore_mem>>) {add = true}
        %dma_wait3A_26 = arith.constant 0 : i32
        %dma_wait3A_27 = arith.constant 0 : i32
        %dma_wait3A_28 = tpu.memref_slice %arg10[%dma_wait3A_26, %dma_wait3A_27] : memref<10240x128xf32, #tpu.memory_space<vmem_shared>> -> memref<10240x128xf32, #tpu.memory_space<vmem_shared>>
        tpu.wait_indirect_dma semaphore(%run_scoped3A : memref<!tpu.dma_semaphore, #tpu.memory_space<semaphore_mem>>) src(%arg9 : memref<128x128xf32, #tpu.memory_space<vmem>>) dst(%dma_wait3A_28 : memref<10240x128xf32, #tpu.memory_space<vmem_shared>>)
        tpu.yield
      }) : () -> ()
      %scan3A_22 = arith.constant 0 : i32
      scf.yield %scan3A_22 : i32
    }
    %scan3A_10 = arith.constant 80 : i32
    %barrier3A_11 = arith.constant 0 : index
    tpu.barrier barrier_id(%barrier3A_11)
    "tpu.region"() ({
      %run_scoped3A = tpu.sem_alloc : memref<!tpu.dma_semaphore, #tpu.memory_space<semaphore_mem>>
      %dma_start3A = arith.constant 0 : i32
      %dma_start3A_12 = tpu.memref_slice %arg6[%arg0, %multiple_of3A, %dma_start3A] : memref<2x10240x128xf32, #tpu.memory_space<hbm>> -> memref<1x640x128xf32, #tpu.memory_space<hbm>>
      %dma_start3A_13 = tpu.memref_squeeze %dma_start3A_12 : memref<1x640x128xf32, #tpu.memory_space<hbm>> -> memref<640x128xf32, #tpu.memory_space<hbm>>
      %dma_start3A_14 = arith.constant 0 : i32
      %dma_start3A_15 = tpu.memref_slice %arg10[%multiple_of3A, %dma_start3A_14] : memref<10240x128xf32, #tpu.memory_space<vmem_shared>> -> memref<640x128xf32, #tpu.memory_space<vmem_shared>>
      tpu.enqueue_dma source(%dma_start3A_15 : memref<640x128xf32, #tpu.memory_space<vmem_shared>>) target(%dma_start3A_13 : memref<640x128xf32, #tpu.memory_space<hbm>>) target_semaphore(%run_scoped3A : memref<!tpu.dma_semaphore, #tpu.memory_space<semaphore_mem>>)
      %dma_wait3A = arith.constant 0 : i32
      %dma_wait3A_16 = tpu.memref_slice %arg6[%arg0, %multiple_of3A, %dma_wait3A] : memref<2x10240x128xf32, #tpu.memory_space<hbm>> -> memref<1x640x128xf32, #tpu.memory_space<hbm>>
      %dma_wait3A_17 = tpu.memref_squeeze %dma_wait3A_16 : memref<1x640x128xf32, #tpu.memory_space<hbm>> -> memref<640x128xf32, #tpu.memory_space<hbm>>
      %dma_wait3A_18 = arith.constant 0 : i32
      %dma_wait3A_19 = tpu.memref_slice %arg10[%multiple_of3A, %dma_wait3A_18] : memref<10240x128xf32, #tpu.memory_space<vmem_shared>> -> memref<640x128xf32, #tpu.memory_space<vmem_shared>>
      tpu.wait_dma2 semaphore(%run_scoped3A : memref<!tpu.dma_semaphore, #tpu.memory_space<semaphore_mem>>) src(%dma_wait3A_19 : memref<640x128xf32, #tpu.memory_space<vmem_shared>>) dst(%dma_wait3A_17 : memref<640x128xf32, #tpu.memory_space<hbm>>)
      tpu.yield
    }) : () -> ()
    return
  }
}

#map = affine_map<(d0, d1) -> (0)>
#map1 = affine_map<(d0, d1) -> (0, 0)>
#map2 = affine_map<(d0, d1) -> (0, 0, 0)>
module attributes {stable_mosaic.version = 14 : i64} {
  func.func @body(%arg0: i32, %arg1: i32, %arg2: memref<327680xi32, #tpu.memory_space<hbm>>, %arg3: memref<327680xi32, #tpu.memory_space<hbm>>, %arg4: memref<327680xi32, #tpu.memory_space<hbm>>, %arg5: memref<327680xi32, #tpu.memory_space<hbm>>, %arg6: memref<10240x16xf32, #tpu.memory_space<hbm>>, %arg7: memref<10240x16xf32, #tpu.memory_space<hbm>>, %arg8: memref<4x128x16xf32, #tpu.memory_space<hbm>>, %arg9: memref<2x10240x16xf32, #tpu.memory_space<hbm>>, %arg10: memref<128xi32, #tpu.memory_space<vmem>>, %arg11: memref<128xi32, #tpu.memory_space<vmem>>, %arg12: memref<128x16xf32, #tpu.memory_space<vmem>>, %arg13: memref<128x16xf32, #tpu.memory_space<vmem>>, %arg14: memref<128x16xf32, #tpu.memory_space<vmem>>, %arg15: memref<128x16xf32, #tpu.memory_space<vmem>>, %arg16: memref<128x16xf32, #tpu.memory_space<vmem>>, %arg17: memref<10240x16xf32, #tpu.memory_space<vmem_shared>>, %arg18: memref<!tpu.dma_semaphore, #tpu.memory_space<semaphore_mem>>) attributes {dimension_semantics = [#tpu.dimension_semantics<core_parallel>, #tpu.dimension_semantics<subcore_parallel>], iteration_bounds = array<i64: 2, 16>, scalar_prefetch = 0 : i64, scratch_operands = 9 : i64, tpu.core_type = #tpu.core_type<sc_vector_subcore>, window_params = [{transform_indices = #map}, {transform_indices = #map}, {transform_indices = #map}, {transform_indices = #map}, {transform_indices = #map1}, {transform_indices = #map1}, {transform_indices = #map2}, {transform_indices = #map2}]} {
    %mul3A = arith.constant 640 : i32
    %mul3A_0 = arith.muli %arg1, %mul3A : i32
    %multiple_of3A = tpu.assume_multiple %mul3A_0, 8 : i32
    "tpu.region"() ({
      %run_scoped3A_15 = tpu.sem_alloc : memref<!tpu.dma_semaphore, #tpu.memory_space<semaphore_mem>>
      %dma_start3A = arith.constant 0 : i32
      %dma_start3A_16 = tpu.memref_slice %arg17[%multiple_of3A, %dma_start3A] : memref<10240x16xf32, #tpu.memory_space<vmem_shared>> -> memref<640x16xf32, #tpu.memory_space<vmem_shared>>
      %dma_start3A_17 = arith.constant 0 : i32
      %dma_start3A_18 = tpu.memref_slice %arg7[%multiple_of3A, %dma_start3A_17] : memref<10240x16xf32, #tpu.memory_space<hbm>> -> memref<640x16xf32, #tpu.memory_space<hbm>>
      tpu.enqueue_dma source(%dma_start3A_18 : memref<640x16xf32, #tpu.memory_space<hbm>>) target(%dma_start3A_16 : memref<640x16xf32, #tpu.memory_space<vmem_shared>>) target_semaphore(%run_scoped3A_15 : memref<!tpu.dma_semaphore, #tpu.memory_space<semaphore_mem>>)
      %dma_wait3A = arith.constant 0 : i32
      %dma_wait3A_19 = tpu.memref_slice %arg17[%multiple_of3A, %dma_wait3A] : memref<10240x16xf32, #tpu.memory_space<vmem_shared>> -> memref<640x16xf32, #tpu.memory_space<vmem_shared>>
      %dma_wait3A_20 = arith.constant 0 : i32
      %dma_wait3A_21 = tpu.memref_slice %arg7[%multiple_of3A, %dma_wait3A_20] : memref<10240x16xf32, #tpu.memory_space<hbm>> -> memref<640x16xf32, #tpu.memory_space<hbm>>
      tpu.wait_dma2 semaphore(%run_scoped3A_15 : memref<!tpu.dma_semaphore, #tpu.memory_space<semaphore_mem>>) src(%dma_wait3A_21 : memref<640x16xf32, #tpu.memory_space<hbm>>) dst(%dma_wait3A_19 : memref<640x16xf32, #tpu.memory_space<vmem_shared>>)
      tpu.yield
    }) : () -> ()
    %run_scoped3A = arith.constant 0 : i32
    "tpu.region"() ({
      %run_scoped3A_15 = tpu.sem_alloc : memref<!tpu.dma_semaphore, #tpu.memory_space<semaphore_mem>>
      %dma_start3A = arith.constant 0 : i32
      %dma_start3A_16 = arith.constant 0 : i32
      %dma_start3A_17 = tpu.memref_slice %arg8[%run_scoped3A, %dma_start3A, %dma_start3A_16] : memref<4x128x16xf32, #tpu.memory_space<hbm>> -> memref<1x128x16xf32, #tpu.memory_space<hbm>>
      %dma_start3A_18 = tpu.memref_squeeze %dma_start3A_17 : memref<1x128x16xf32, #tpu.memory_space<hbm>> -> memref<128x16xf32, #tpu.memory_space<hbm>>
      %dma_start3A_19 = arith.constant 0 : i32
      %dma_start3A_20 = arith.constant 0 : i32
      %dma_start3A_21 = tpu.memref_slice %arg8[%run_scoped3A, %dma_start3A_19, %dma_start3A_20] : memref<4x128x16xf32, #tpu.memory_space<hbm>> -> memref<1x128x16xf32, #tpu.memory_space<hbm>>
      %dma_start3A_22 = tpu.memref_squeeze %dma_start3A_21 : memref<1x128x16xf32, #tpu.memory_space<hbm>> -> memref<128x16xf32, #tpu.memory_space<hbm>>
      tpu.enqueue_dma source(%dma_start3A_22 : memref<128x16xf32, #tpu.memory_space<hbm>>) target(%arg12 : memref<128x16xf32, #tpu.memory_space<vmem>>) target_semaphore(%run_scoped3A_15 : memref<!tpu.dma_semaphore, #tpu.memory_space<semaphore_mem>>)
      %dma_wait3A = arith.constant 0 : i32
      %dma_wait3A_23 = arith.constant 0 : i32
      %dma_wait3A_24 = tpu.memref_slice %arg8[%run_scoped3A, %dma_wait3A, %dma_wait3A_23] : memref<4x128x16xf32, #tpu.memory_space<hbm>> -> memref<1x128x16xf32, #tpu.memory_space<hbm>>
      %dma_wait3A_25 = tpu.memref_squeeze %dma_wait3A_24 : memref<1x128x16xf32, #tpu.memory_space<hbm>> -> memref<128x16xf32, #tpu.memory_space<hbm>>
      %dma_wait3A_26 = arith.constant 0 : i32
      %dma_wait3A_27 = arith.constant 0 : i32
      %dma_wait3A_28 = tpu.memref_slice %arg8[%run_scoped3A, %dma_wait3A_26, %dma_wait3A_27] : memref<4x128x16xf32, #tpu.memory_space<hbm>> -> memref<1x128x16xf32, #tpu.memory_space<hbm>>
      %dma_wait3A_29 = tpu.memref_squeeze %dma_wait3A_28 : memref<1x128x16xf32, #tpu.memory_space<hbm>> -> memref<128x16xf32, #tpu.memory_space<hbm>>
      tpu.wait_dma2 semaphore(%run_scoped3A_15 : memref<!tpu.dma_semaphore, #tpu.memory_space<semaphore_mem>>) src(%dma_wait3A_29 : memref<128x16xf32, #tpu.memory_space<hbm>>) dst(%arg12 : memref<128x16xf32, #tpu.memory_space<vmem>>)
      tpu.yield
    }) : () -> ()
    %run_scoped3A_1 = arith.constant 1 : i32
    "tpu.region"() ({
      %run_scoped3A_15 = tpu.sem_alloc : memref<!tpu.dma_semaphore, #tpu.memory_space<semaphore_mem>>
      %dma_start3A = arith.constant 0 : i32
      %dma_start3A_16 = arith.constant 0 : i32
      %dma_start3A_17 = tpu.memref_slice %arg8[%run_scoped3A_1, %dma_start3A, %dma_start3A_16] : memref<4x128x16xf32, #tpu.memory_space<hbm>> -> memref<1x128x16xf32, #tpu.memory_space<hbm>>
      %dma_start3A_18 = tpu.memref_squeeze %dma_start3A_17 : memref<1x128x16xf32, #tpu.memory_space<hbm>> -> memref<128x16xf32, #tpu.memory_space<hbm>>
      %dma_start3A_19 = arith.constant 0 : i32
      %dma_start3A_20 = arith.constant 0 : i32
      %dma_start3A_21 = tpu.memref_slice %arg8[%run_scoped3A_1, %dma_start3A_19, %dma_start3A_20] : memref<4x128x16xf32, #tpu.memory_space<hbm>> -> memref<1x128x16xf32, #tpu.memory_space<hbm>>
      %dma_start3A_22 = tpu.memref_squeeze %dma_start3A_21 : memref<1x128x16xf32, #tpu.memory_space<hbm>> -> memref<128x16xf32, #tpu.memory_space<hbm>>
      tpu.enqueue_dma source(%dma_start3A_22 : memref<128x16xf32, #tpu.memory_space<hbm>>) target(%arg13 : memref<128x16xf32, #tpu.memory_space<vmem>>) target_semaphore(%run_scoped3A_15 : memref<!tpu.dma_semaphore, #tpu.memory_space<semaphore_mem>>)
      %dma_wait3A = arith.constant 0 : i32
      %dma_wait3A_23 = arith.constant 0 : i32
      %dma_wait3A_24 = tpu.memref_slice %arg8[%run_scoped3A_1, %dma_wait3A, %dma_wait3A_23] : memref<4x128x16xf32, #tpu.memory_space<hbm>> -> memref<1x128x16xf32, #tpu.memory_space<hbm>>
      %dma_wait3A_25 = tpu.memref_squeeze %dma_wait3A_24 : memref<1x128x16xf32, #tpu.memory_space<hbm>> -> memref<128x16xf32, #tpu.memory_space<hbm>>
      %dma_wait3A_26 = arith.constant 0 : i32
      %dma_wait3A_27 = arith.constant 0 : i32
      %dma_wait3A_28 = tpu.memref_slice %arg8[%run_scoped3A_1, %dma_wait3A_26, %dma_wait3A_27] : memref<4x128x16xf32, #tpu.memory_space<hbm>> -> memref<1x128x16xf32, #tpu.memory_space<hbm>>
      %dma_wait3A_29 = tpu.memref_squeeze %dma_wait3A_28 : memref<1x128x16xf32, #tpu.memory_space<hbm>> -> memref<128x16xf32, #tpu.memory_space<hbm>>
      tpu.wait_dma2 semaphore(%run_scoped3A_15 : memref<!tpu.dma_semaphore, #tpu.memory_space<semaphore_mem>>) src(%dma_wait3A_29 : memref<128x16xf32, #tpu.memory_space<hbm>>) dst(%arg13 : memref<128x16xf32, #tpu.memory_space<vmem>>)
      tpu.yield
    }) : () -> ()
    %run_scoped3A_2 = arith.constant 2 : i32
    "tpu.region"() ({
      %run_scoped3A_15 = tpu.sem_alloc : memref<!tpu.dma_semaphore, #tpu.memory_space<semaphore_mem>>
      %dma_start3A = arith.constant 0 : i32
      %dma_start3A_16 = arith.constant 0 : i32
      %dma_start3A_17 = tpu.memref_slice %arg8[%run_scoped3A_2, %dma_start3A, %dma_start3A_16] : memref<4x128x16xf32, #tpu.memory_space<hbm>> -> memref<1x128x16xf32, #tpu.memory_space<hbm>>
      %dma_start3A_18 = tpu.memref_squeeze %dma_start3A_17 : memref<1x128x16xf32, #tpu.memory_space<hbm>> -> memref<128x16xf32, #tpu.memory_space<hbm>>
      %dma_start3A_19 = arith.constant 0 : i32
      %dma_start3A_20 = arith.constant 0 : i32
      %dma_start3A_21 = tpu.memref_slice %arg8[%run_scoped3A_2, %dma_start3A_19, %dma_start3A_20] : memref<4x128x16xf32, #tpu.memory_space<hbm>> -> memref<1x128x16xf32, #tpu.memory_space<hbm>>
      %dma_start3A_22 = tpu.memref_squeeze %dma_start3A_21 : memref<1x128x16xf32, #tpu.memory_space<hbm>> -> memref<128x16xf32, #tpu.memory_space<hbm>>
      tpu.enqueue_dma source(%dma_start3A_22 : memref<128x16xf32, #tpu.memory_space<hbm>>) target(%arg14 : memref<128x16xf32, #tpu.memory_space<vmem>>) target_semaphore(%run_scoped3A_15 : memref<!tpu.dma_semaphore, #tpu.memory_space<semaphore_mem>>)
      %dma_wait3A = arith.constant 0 : i32
      %dma_wait3A_23 = arith.constant 0 : i32
      %dma_wait3A_24 = tpu.memref_slice %arg8[%run_scoped3A_2, %dma_wait3A, %dma_wait3A_23] : memref<4x128x16xf32, #tpu.memory_space<hbm>> -> memref<1x128x16xf32, #tpu.memory_space<hbm>>
      %dma_wait3A_25 = tpu.memref_squeeze %dma_wait3A_24 : memref<1x128x16xf32, #tpu.memory_space<hbm>> -> memref<128x16xf32, #tpu.memory_space<hbm>>
      %dma_wait3A_26 = arith.constant 0 : i32
      %dma_wait3A_27 = arith.constant 0 : i32
      %dma_wait3A_28 = tpu.memref_slice %arg8[%run_scoped3A_2, %dma_wait3A_26, %dma_wait3A_27] : memref<4x128x16xf32, #tpu.memory_space<hbm>> -> memref<1x128x16xf32, #tpu.memory_space<hbm>>
      %dma_wait3A_29 = tpu.memref_squeeze %dma_wait3A_28 : memref<1x128x16xf32, #tpu.memory_space<hbm>> -> memref<128x16xf32, #tpu.memory_space<hbm>>
      tpu.wait_dma2 semaphore(%run_scoped3A_15 : memref<!tpu.dma_semaphore, #tpu.memory_space<semaphore_mem>>) src(%dma_wait3A_29 : memref<128x16xf32, #tpu.memory_space<hbm>>) dst(%arg14 : memref<128x16xf32, #tpu.memory_space<vmem>>)
      tpu.yield
    }) : () -> ()
    %run_scoped3A_3 = arith.constant 3 : i32
    "tpu.region"() ({
      %run_scoped3A_15 = tpu.sem_alloc : memref<!tpu.dma_semaphore, #tpu.memory_space<semaphore_mem>>
      %dma_start3A = arith.constant 0 : i32
      %dma_start3A_16 = arith.constant 0 : i32
      %dma_start3A_17 = tpu.memref_slice %arg8[%run_scoped3A_3, %dma_start3A, %dma_start3A_16] : memref<4x128x16xf32, #tpu.memory_space<hbm>> -> memref<1x128x16xf32, #tpu.memory_space<hbm>>
      %dma_start3A_18 = tpu.memref_squeeze %dma_start3A_17 : memref<1x128x16xf32, #tpu.memory_space<hbm>> -> memref<128x16xf32, #tpu.memory_space<hbm>>
      %dma_start3A_19 = arith.constant 0 : i32
      %dma_start3A_20 = arith.constant 0 : i32
      %dma_start3A_21 = tpu.memref_slice %arg8[%run_scoped3A_3, %dma_start3A_19, %dma_start3A_20] : memref<4x128x16xf32, #tpu.memory_space<hbm>> -> memref<1x128x16xf32, #tpu.memory_space<hbm>>
      %dma_start3A_22 = tpu.memref_squeeze %dma_start3A_21 : memref<1x128x16xf32, #tpu.memory_space<hbm>> -> memref<128x16xf32, #tpu.memory_space<hbm>>
      tpu.enqueue_dma source(%dma_start3A_22 : memref<128x16xf32, #tpu.memory_space<hbm>>) target(%arg15 : memref<128x16xf32, #tpu.memory_space<vmem>>) target_semaphore(%run_scoped3A_15 : memref<!tpu.dma_semaphore, #tpu.memory_space<semaphore_mem>>)
      %dma_wait3A = arith.constant 0 : i32
      %dma_wait3A_23 = arith.constant 0 : i32
      %dma_wait3A_24 = tpu.memref_slice %arg8[%run_scoped3A_3, %dma_wait3A, %dma_wait3A_23] : memref<4x128x16xf32, #tpu.memory_space<hbm>> -> memref<1x128x16xf32, #tpu.memory_space<hbm>>
      %dma_wait3A_25 = tpu.memref_squeeze %dma_wait3A_24 : memref<1x128x16xf32, #tpu.memory_space<hbm>> -> memref<128x16xf32, #tpu.memory_space<hbm>>
      %dma_wait3A_26 = arith.constant 0 : i32
      %dma_wait3A_27 = arith.constant 0 : i32
      %dma_wait3A_28 = tpu.memref_slice %arg8[%run_scoped3A_3, %dma_wait3A_26, %dma_wait3A_27] : memref<4x128x16xf32, #tpu.memory_space<hbm>> -> memref<1x128x16xf32, #tpu.memory_space<hbm>>
      %dma_wait3A_29 = tpu.memref_squeeze %dma_wait3A_28 : memref<1x128x16xf32, #tpu.memory_space<hbm>> -> memref<128x16xf32, #tpu.memory_space<hbm>>
      tpu.wait_dma2 semaphore(%run_scoped3A_15 : memref<!tpu.dma_semaphore, #tpu.memory_space<semaphore_mem>>) src(%dma_wait3A_29 : memref<128x16xf32, #tpu.memory_space<hbm>>) dst(%arg15 : memref<128x16xf32, #tpu.memory_space<vmem>>)
      tpu.yield
    }) : () -> ()
    %barrier3A = arith.constant 0 : index
    tpu.barrier barrier_id(%barrier3A)
    %mul3A_4 = arith.constant 16 : i32
    %mul3A_5 = arith.muli %arg0, %mul3A_4 : i32
    %add3A = arith.addi %mul3A_5, %arg1 : i32
    %mul3A_6 = arith.constant 10240 : i32
    %mul3A_7 = arith.muli %add3A, %mul3A_6 : i32
    %scan3A = arith.constant 0 : i32
    %scan3A_8 = arith.constant 0 : i32
    %scan3A_9 = arith.constant 80 : i32
    %scan3A_10 = arith.addi %scan3A_8, %scan3A_9 : i32
    %scan3A_11 = arith.constant 1 : i32
    %scan3A_12 = scf.for %scan3A_15 = %scan3A_8 to %scan3A_10 step %scan3A_11 iter_args(%scan3A_16 = %scan3A) -> (i32)  : i32 {
      %mul3A_17 = arith.constant 128 : i32
      %mul3A_18 = arith.muli %scan3A_15, %mul3A_17 : i32
      %add3A_19 = arith.addi %mul3A_7, %mul3A_18 : i32
      %multiple_of3A_20 = tpu.assume_multiple %add3A_19, 8 : i32
      "tpu.region"() ({
        %run_scoped3A_26 = tpu.sem_alloc : memref<!tpu.dma_semaphore, #tpu.memory_space<semaphore_mem>>
        %dma_start3A_27 = tpu.memref_slice %arg2[%multiple_of3A_20] : memref<327680xi32, #tpu.memory_space<hbm>> -> memref<128xi32, #tpu.memory_space<hbm>>
        %dma_start3A_28 = tpu.memref_slice %arg2[%multiple_of3A_20] : memref<327680xi32, #tpu.memory_space<hbm>> -> memref<128xi32, #tpu.memory_space<hbm>>
        tpu.enqueue_dma source(%dma_start3A_28 : memref<128xi32, #tpu.memory_space<hbm>>) target(%arg10 : memref<128xi32, #tpu.memory_space<vmem>>) target_semaphore(%run_scoped3A_26 : memref<!tpu.dma_semaphore, #tpu.memory_space<semaphore_mem>>)
        %dma_wait3A_29 = tpu.memref_slice %arg2[%multiple_of3A_20] : memref<327680xi32, #tpu.memory_space<hbm>> -> memref<128xi32, #tpu.memory_space<hbm>>
        %dma_wait3A_30 = tpu.memref_slice %arg2[%multiple_of3A_20] : memref<327680xi32, #tpu.memory_space<hbm>> -> memref<128xi32, #tpu.memory_space<hbm>>
        tpu.wait_dma2 semaphore(%run_scoped3A_26 : memref<!tpu.dma_semaphore, #tpu.memory_space<semaphore_mem>>) src(%dma_wait3A_30 : memref<128xi32, #tpu.memory_space<hbm>>) dst(%arg10 : memref<128xi32, #tpu.memory_space<vmem>>)
        tpu.yield
      }) : () -> ()
      "tpu.region"() ({
        %run_scoped3A_26 = tpu.sem_alloc : memref<!tpu.dma_semaphore, #tpu.memory_space<semaphore_mem>>
        %dma_start3A_27 = arith.constant 0 : i32
        %dma_start3A_28 = arith.constant 0 : i32
        %dma_start3A_29 = tpu.memref_slice %arg17[%dma_start3A_27, %dma_start3A_28] : memref<10240x16xf32, #tpu.memory_space<vmem_shared>> -> memref<10240x16xf32, #tpu.memory_space<vmem_shared>>
        tpu.enqueue_indirect_dma source(%arg12 : memref<128x16xf32, #tpu.memory_space<vmem>>) target(%dma_start3A_29 : memref<10240x16xf32, #tpu.memory_space<vmem_shared>>) offsets(%arg10 : memref<128xi32, #tpu.memory_space<vmem>>) semaphore(%run_scoped3A_26 : memref<!tpu.dma_semaphore, #tpu.memory_space<semaphore_mem>>) {add = true}
        %dma_wait3A_30 = arith.constant 0 : i32
        %dma_wait3A_31 = arith.constant 0 : i32
        %dma_wait3A_32 = tpu.memref_slice %arg17[%dma_wait3A_30, %dma_wait3A_31] : memref<10240x16xf32, #tpu.memory_space<vmem_shared>> -> memref<10240x16xf32, #tpu.memory_space<vmem_shared>>
        tpu.wait_indirect_dma semaphore(%run_scoped3A_26 : memref<!tpu.dma_semaphore, #tpu.memory_space<semaphore_mem>>) src(%arg12 : memref<128x16xf32, #tpu.memory_space<vmem>>) dst(%dma_wait3A_32 : memref<10240x16xf32, #tpu.memory_space<vmem_shared>>)
        tpu.yield
      }) : () -> ()
      "tpu.region"() ({
        %run_scoped3A_26 = tpu.sem_alloc : memref<!tpu.dma_semaphore, #tpu.memory_space<semaphore_mem>>
        %dma_start3A_27 = tpu.memref_slice %arg3[%multiple_of3A_20] : memref<327680xi32, #tpu.memory_space<hbm>> -> memref<128xi32, #tpu.memory_space<hbm>>
        %dma_start3A_28 = tpu.memref_slice %arg3[%multiple_of3A_20] : memref<327680xi32, #tpu.memory_space<hbm>> -> memref<128xi32, #tpu.memory_space<hbm>>
        tpu.enqueue_dma source(%dma_start3A_28 : memref<128xi32, #tpu.memory_space<hbm>>) target(%arg11 : memref<128xi32, #tpu.memory_space<vmem>>) target_semaphore(%run_scoped3A_26 : memref<!tpu.dma_semaphore, #tpu.memory_space<semaphore_mem>>)
        %dma_wait3A_29 = tpu.memref_slice %arg3[%multiple_of3A_20] : memref<327680xi32, #tpu.memory_space<hbm>> -> memref<128xi32, #tpu.memory_space<hbm>>
        %dma_wait3A_30 = tpu.memref_slice %arg3[%multiple_of3A_20] : memref<327680xi32, #tpu.memory_space<hbm>> -> memref<128xi32, #tpu.memory_space<hbm>>
        tpu.wait_dma2 semaphore(%run_scoped3A_26 : memref<!tpu.dma_semaphore, #tpu.memory_space<semaphore_mem>>) src(%dma_wait3A_30 : memref<128xi32, #tpu.memory_space<hbm>>) dst(%arg11 : memref<128xi32, #tpu.memory_space<vmem>>)
        tpu.yield
      }) : () -> ()
      "tpu.region"() ({
        %run_scoped3A_26 = tpu.sem_alloc : memref<!tpu.dma_semaphore, #tpu.memory_space<semaphore_mem>>
        %dma_start3A_27 = arith.constant 0 : i32
        %dma_start3A_28 = arith.constant 0 : i32
        %dma_start3A_29 = tpu.memref_slice %arg17[%dma_start3A_27, %dma_start3A_28] : memref<10240x16xf32, #tpu.memory_space<vmem_shared>> -> memref<10240x16xf32, #tpu.memory_space<vmem_shared>>
        tpu.enqueue_indirect_dma source(%arg13 : memref<128x16xf32, #tpu.memory_space<vmem>>) target(%dma_start3A_29 : memref<10240x16xf32, #tpu.memory_space<vmem_shared>>) offsets(%arg11 : memref<128xi32, #tpu.memory_space<vmem>>) semaphore(%run_scoped3A_26 : memref<!tpu.dma_semaphore, #tpu.memory_space<semaphore_mem>>) {add = true}
        %dma_wait3A_30 = arith.constant 0 : i32
        %dma_wait3A_31 = arith.constant 0 : i32
        %dma_wait3A_32 = tpu.memref_slice %arg17[%dma_wait3A_30, %dma_wait3A_31] : memref<10240x16xf32, #tpu.memory_space<vmem_shared>> -> memref<10240x16xf32, #tpu.memory_space<vmem_shared>>
        tpu.wait_indirect_dma semaphore(%run_scoped3A_26 : memref<!tpu.dma_semaphore, #tpu.memory_space<semaphore_mem>>) src(%arg13 : memref<128x16xf32, #tpu.memory_space<vmem>>) dst(%dma_wait3A_32 : memref<10240x16xf32, #tpu.memory_space<vmem_shared>>)
        tpu.yield
      }) : () -> ()
      %dma_start3A = arith.constant 0 : i32
      %dma_start3A_21 = arith.constant 0 : i32
      %dma_start3A_22 = tpu.memref_slice %arg6[%dma_start3A, %dma_start3A_21] : memref<10240x16xf32, #tpu.memory_space<hbm>> -> memref<10240x16xf32, #tpu.memory_space<hbm>>
      tpu.enqueue_indirect_dma source(%dma_start3A_22 : memref<10240x16xf32, #tpu.memory_space<hbm>>) target(%arg16 : memref<128x16xf32, #tpu.memory_space<vmem>>) offsets(%arg11 : memref<128xi32, #tpu.memory_space<vmem>>) semaphore(%arg18 : memref<!tpu.dma_semaphore, #tpu.memory_space<semaphore_mem>>)
      %dma_wait3A = arith.constant 0 : i32
      %dma_wait3A_23 = arith.constant 0 : i32
      %dma_wait3A_24 = tpu.memref_slice %arg6[%dma_wait3A, %dma_wait3A_23] : memref<10240x16xf32, #tpu.memory_space<hbm>> -> memref<10240x16xf32, #tpu.memory_space<hbm>>
      tpu.wait_indirect_dma semaphore(%arg18 : memref<!tpu.dma_semaphore, #tpu.memory_space<semaphore_mem>>) src(%dma_wait3A_24 : memref<10240x16xf32, #tpu.memory_space<hbm>>) dst(%arg16 : memref<128x16xf32, #tpu.memory_space<vmem>>)
      "tpu.region"() ({
        %run_scoped3A_26 = tpu.sem_alloc : memref<!tpu.dma_semaphore, #tpu.memory_space<semaphore_mem>>
        %dma_start3A_27 = arith.constant 0 : i32
        %dma_start3A_28 = arith.constant 0 : i32
        %dma_start3A_29 = tpu.memref_slice %arg17[%dma_start3A_27, %dma_start3A_28] : memref<10240x16xf32, #tpu.memory_space<vmem_shared>> -> memref<10240x16xf32, #tpu.memory_space<vmem_shared>>
        tpu.enqueue_indirect_dma source(%arg16 : memref<128x16xf32, #tpu.memory_space<vmem>>) target(%dma_start3A_29 : memref<10240x16xf32, #tpu.memory_space<vmem_shared>>) offsets(%arg10 : memref<128xi32, #tpu.memory_space<vmem>>) semaphore(%run_scoped3A_26 : memref<!tpu.dma_semaphore, #tpu.memory_space<semaphore_mem>>) {add = true}
        %dma_wait3A_30 = arith.constant 0 : i32
        %dma_wait3A_31 = arith.constant 0 : i32
        %dma_wait3A_32 = tpu.memref_slice %arg17[%dma_wait3A_30, %dma_wait3A_31] : memref<10240x16xf32, #tpu.memory_space<vmem_shared>> -> memref<10240x16xf32, #tpu.memory_space<vmem_shared>>
        tpu.wait_indirect_dma semaphore(%run_scoped3A_26 : memref<!tpu.dma_semaphore, #tpu.memory_space<semaphore_mem>>) src(%arg16 : memref<128x16xf32, #tpu.memory_space<vmem>>) dst(%dma_wait3A_32 : memref<10240x16xf32, #tpu.memory_space<vmem_shared>>)
        tpu.yield
      }) : () -> ()
      "tpu.region"() ({
        %run_scoped3A_26 = tpu.sem_alloc : memref<!tpu.dma_semaphore, #tpu.memory_space<semaphore_mem>>
        %dma_start3A_27 = tpu.memref_slice %arg4[%multiple_of3A_20] : memref<327680xi32, #tpu.memory_space<hbm>> -> memref<128xi32, #tpu.memory_space<hbm>>
        %dma_start3A_28 = tpu.memref_slice %arg4[%multiple_of3A_20] : memref<327680xi32, #tpu.memory_space<hbm>> -> memref<128xi32, #tpu.memory_space<hbm>>
        tpu.enqueue_dma source(%dma_start3A_28 : memref<128xi32, #tpu.memory_space<hbm>>) target(%arg10 : memref<128xi32, #tpu.memory_space<vmem>>) target_semaphore(%run_scoped3A_26 : memref<!tpu.dma_semaphore, #tpu.memory_space<semaphore_mem>>)
        %dma_wait3A_29 = tpu.memref_slice %arg4[%multiple_of3A_20] : memref<327680xi32, #tpu.memory_space<hbm>> -> memref<128xi32, #tpu.memory_space<hbm>>
        %dma_wait3A_30 = tpu.memref_slice %arg4[%multiple_of3A_20] : memref<327680xi32, #tpu.memory_space<hbm>> -> memref<128xi32, #tpu.memory_space<hbm>>
        tpu.wait_dma2 semaphore(%run_scoped3A_26 : memref<!tpu.dma_semaphore, #tpu.memory_space<semaphore_mem>>) src(%dma_wait3A_30 : memref<128xi32, #tpu.memory_space<hbm>>) dst(%arg10 : memref<128xi32, #tpu.memory_space<vmem>>)
        tpu.yield
      }) : () -> ()
      "tpu.region"() ({
        %run_scoped3A_26 = tpu.sem_alloc : memref<!tpu.dma_semaphore, #tpu.memory_space<semaphore_mem>>
        %dma_start3A_27 = arith.constant 0 : i32
        %dma_start3A_28 = arith.constant 0 : i32
        %dma_start3A_29 = tpu.memref_slice %arg17[%dma_start3A_27, %dma_start3A_28] : memref<10240x16xf32, #tpu.memory_space<vmem_shared>> -> memref<10240x16xf32, #tpu.memory_space<vmem_shared>>
        tpu.enqueue_indirect_dma source(%arg14 : memref<128x16xf32, #tpu.memory_space<vmem>>) target(%dma_start3A_29 : memref<10240x16xf32, #tpu.memory_space<vmem_shared>>) offsets(%arg10 : memref<128xi32, #tpu.memory_space<vmem>>) semaphore(%run_scoped3A_26 : memref<!tpu.dma_semaphore, #tpu.memory_space<semaphore_mem>>) {add = true}
        %dma_wait3A_30 = arith.constant 0 : i32
        %dma_wait3A_31 = arith.constant 0 : i32
        %dma_wait3A_32 = tpu.memref_slice %arg17[%dma_wait3A_30, %dma_wait3A_31] : memref<10240x16xf32, #tpu.memory_space<vmem_shared>> -> memref<10240x16xf32, #tpu.memory_space<vmem_shared>>
        tpu.wait_indirect_dma semaphore(%run_scoped3A_26 : memref<!tpu.dma_semaphore, #tpu.memory_space<semaphore_mem>>) src(%arg14 : memref<128x16xf32, #tpu.memory_space<vmem>>) dst(%dma_wait3A_32 : memref<10240x16xf32, #tpu.memory_space<vmem_shared>>)
        tpu.yield
      }) : () -> ()
      "tpu.region"() ({
        %run_scoped3A_26 = tpu.sem_alloc : memref<!tpu.dma_semaphore, #tpu.memory_space<semaphore_mem>>
        %dma_start3A_27 = tpu.memref_slice %arg5[%multiple_of3A_20] : memref<327680xi32, #tpu.memory_space<hbm>> -> memref<128xi32, #tpu.memory_space<hbm>>
        %dma_start3A_28 = tpu.memref_slice %arg5[%multiple_of3A_20] : memref<327680xi32, #tpu.memory_space<hbm>> -> memref<128xi32, #tpu.memory_space<hbm>>
        tpu.enqueue_dma source(%dma_start3A_28 : memref<128xi32, #tpu.memory_space<hbm>>) target(%arg10 : memref<128xi32, #tpu.memory_space<vmem>>) target_semaphore(%run_scoped3A_26 : memref<!tpu.dma_semaphore, #tpu.memory_space<semaphore_mem>>)
        %dma_wait3A_29 = tpu.memref_slice %arg5[%multiple_of3A_20] : memref<327680xi32, #tpu.memory_space<hbm>> -> memref<128xi32, #tpu.memory_space<hbm>>
        %dma_wait3A_30 = tpu.memref_slice %arg5[%multiple_of3A_20] : memref<327680xi32, #tpu.memory_space<hbm>> -> memref<128xi32, #tpu.memory_space<hbm>>
        tpu.wait_dma2 semaphore(%run_scoped3A_26 : memref<!tpu.dma_semaphore, #tpu.memory_space<semaphore_mem>>) src(%dma_wait3A_30 : memref<128xi32, #tpu.memory_space<hbm>>) dst(%arg10 : memref<128xi32, #tpu.memory_space<vmem>>)
        tpu.yield
      }) : () -> ()
      "tpu.region"() ({
        %run_scoped3A_26 = tpu.sem_alloc : memref<!tpu.dma_semaphore, #tpu.memory_space<semaphore_mem>>
        %dma_start3A_27 = arith.constant 0 : i32
        %dma_start3A_28 = arith.constant 0 : i32
        %dma_start3A_29 = tpu.memref_slice %arg17[%dma_start3A_27, %dma_start3A_28] : memref<10240x16xf32, #tpu.memory_space<vmem_shared>> -> memref<10240x16xf32, #tpu.memory_space<vmem_shared>>
        tpu.enqueue_indirect_dma source(%arg15 : memref<128x16xf32, #tpu.memory_space<vmem>>) target(%dma_start3A_29 : memref<10240x16xf32, #tpu.memory_space<vmem_shared>>) offsets(%arg10 : memref<128xi32, #tpu.memory_space<vmem>>) semaphore(%run_scoped3A_26 : memref<!tpu.dma_semaphore, #tpu.memory_space<semaphore_mem>>) {add = true}
        %dma_wait3A_30 = arith.constant 0 : i32
        %dma_wait3A_31 = arith.constant 0 : i32
        %dma_wait3A_32 = tpu.memref_slice %arg17[%dma_wait3A_30, %dma_wait3A_31] : memref<10240x16xf32, #tpu.memory_space<vmem_shared>> -> memref<10240x16xf32, #tpu.memory_space<vmem_shared>>
        tpu.wait_indirect_dma semaphore(%run_scoped3A_26 : memref<!tpu.dma_semaphore, #tpu.memory_space<semaphore_mem>>) src(%arg15 : memref<128x16xf32, #tpu.memory_space<vmem>>) dst(%dma_wait3A_32 : memref<10240x16xf32, #tpu.memory_space<vmem_shared>>)
        tpu.yield
      }) : () -> ()
      %scan3A_25 = arith.constant 0 : i32
      scf.yield %scan3A_25 : i32
    }
    %scan3A_13 = arith.constant 80 : i32
    %barrier3A_14 = arith.constant 0 : index
    tpu.barrier barrier_id(%barrier3A_14)
    "tpu.region"() ({
      %run_scoped3A_15 = tpu.sem_alloc : memref<!tpu.dma_semaphore, #tpu.memory_space<semaphore_mem>>
      %dma_start3A = arith.constant 0 : i32
      %dma_start3A_16 = tpu.memref_slice %arg9[%arg0, %multiple_of3A, %dma_start3A] : memref<2x10240x16xf32, #tpu.memory_space<hbm>> -> memref<1x640x16xf32, #tpu.memory_space<hbm>>
      %dma_start3A_17 = tpu.memref_squeeze %dma_start3A_16 : memref<1x640x16xf32, #tpu.memory_space<hbm>> -> memref<640x16xf32, #tpu.memory_space<hbm>>
      %dma_start3A_18 = arith.constant 0 : i32
      %dma_start3A_19 = tpu.memref_slice %arg17[%multiple_of3A, %dma_start3A_18] : memref<10240x16xf32, #tpu.memory_space<vmem_shared>> -> memref<640x16xf32, #tpu.memory_space<vmem_shared>>
      tpu.enqueue_dma source(%dma_start3A_19 : memref<640x16xf32, #tpu.memory_space<vmem_shared>>) target(%dma_start3A_17 : memref<640x16xf32, #tpu.memory_space<hbm>>) target_semaphore(%run_scoped3A_15 : memref<!tpu.dma_semaphore, #tpu.memory_space<semaphore_mem>>)
      %dma_wait3A = arith.constant 0 : i32
      %dma_wait3A_20 = tpu.memref_slice %arg9[%arg0, %multiple_of3A, %dma_wait3A] : memref<2x10240x16xf32, #tpu.memory_space<hbm>> -> memref<1x640x16xf32, #tpu.memory_space<hbm>>
      %dma_wait3A_21 = tpu.memref_squeeze %dma_wait3A_20 : memref<1x640x16xf32, #tpu.memory_space<hbm>> -> memref<640x16xf32, #tpu.memory_space<hbm>>
      %dma_wait3A_22 = arith.constant 0 : i32
      %dma_wait3A_23 = tpu.memref_slice %arg17[%multiple_of3A, %dma_wait3A_22] : memref<10240x16xf32, #tpu.memory_space<vmem_shared>> -> memref<640x16xf32, #tpu.memory_space<vmem_shared>>
      tpu.wait_dma2 semaphore(%run_scoped3A_15 : memref<!tpu.dma_semaphore, #tpu.memory_space<semaphore_mem>>) src(%dma_wait3A_23 : memref<640x16xf32, #tpu.memory_space<vmem_shared>>) dst(%dma_wait3A_21 : memref<640x16xf32, #tpu.memory_space<hbm>>)
      tpu.yield
    }) : () -> ()
    return
  }
}

#map = affine_map<(d0, d1) -> (0, 0)>
#map1 = affine_map<(d0, d1) -> (0)>
#map2 = affine_map<(d0, d1) -> (0, 0, 0)>
module attributes {stable_mosaic.version = 14 : i64} {
  func.func @body(%arg0: i32, %arg1: i32, %arg2: memref<10240x128xf32, #tpu.memory_space<hbm>>, %arg3: memref<327680xi32, #tpu.memory_space<hbm>>, %arg4: memref<327680xi32, #tpu.memory_space<hbm>>, %arg5: memref<10240x128xf32, #tpu.memory_space<hbm>>, %arg6: memref<2x10240x128xf32, #tpu.memory_space<hbm>>, %arg7: memref<128xi32, #tpu.memory_space<vmem>>, %arg8: memref<128xi32, #tpu.memory_space<vmem>>, %arg9: memref<128x128xf32, #tpu.memory_space<vmem>>, %arg10: memref<10240x128xf32, #tpu.memory_space<vmem_shared>>, %arg11: memref<!tpu.dma_semaphore, #tpu.memory_space<semaphore_mem>>) attributes {dimension_semantics = [#tpu.dimension_semantics<core_parallel>, #tpu.dimension_semantics<subcore_parallel>], iteration_bounds = array<i64: 2, 16>, scalar_prefetch = 0 : i64, scratch_operands = 5 : i64, tpu.core_type = #tpu.core_type<sc_vector_subcore>, window_params = [{transform_indices = #map}, {transform_indices = #map1}, {transform_indices = #map1}, {transform_indices = #map}, {transform_indices = #map2}]} {
    %mul3A = arith.constant 640 : i32
    %mul3A_0 = arith.muli %arg1, %mul3A : i32
    %multiple_of3A = tpu.assume_multiple %mul3A_0, 8 : i32
    "tpu.region"() ({
      %run_scoped3A = tpu.sem_alloc : memref<!tpu.dma_semaphore, #tpu.memory_space<semaphore_mem>>
      %dma_start3A = arith.constant 0 : i32
      %dma_start3A_12 = tpu.memref_slice %arg10[%multiple_of3A, %dma_start3A] : memref<10240x128xf32, #tpu.memory_space<vmem_shared>> -> memref<640x128xf32, #tpu.memory_space<vmem_shared>>
      %dma_start3A_13 = arith.constant 0 : i32
      %dma_start3A_14 = tpu.memref_slice %arg5[%multiple_of3A, %dma_start3A_13] : memref<10240x128xf32, #tpu.memory_space<hbm>> -> memref<640x128xf32, #tpu.memory_space<hbm>>
      tpu.enqueue_dma source(%dma_start3A_14 : memref<640x128xf32, #tpu.memory_space<hbm>>) target(%dma_start3A_12 : memref<640x128xf32, #tpu.memory_space<vmem_shared>>) target_semaphore(%run_scoped3A : memref<!tpu.dma_semaphore, #tpu.memory_space<semaphore_mem>>)
      %dma_wait3A = arith.constant 0 : i32
      %dma_wait3A_15 = tpu.memref_slice %arg10[%multiple_of3A, %dma_wait3A] : memref<10240x128xf32, #tpu.memory_space<vmem_shared>> -> memref<640x128xf32, #tpu.memory_space<vmem_shared>>
      %dma_wait3A_16 = arith.constant 0 : i32
      %dma_wait3A_17 = tpu.memref_slice %arg5[%multiple_of3A, %dma_wait3A_16] : memref<10240x128xf32, #tpu.memory_space<hbm>> -> memref<640x128xf32, #tpu.memory_space<hbm>>
      tpu.wait_dma2 semaphore(%run_scoped3A : memref<!tpu.dma_semaphore, #tpu.memory_space<semaphore_mem>>) src(%dma_wait3A_17 : memref<640x128xf32, #tpu.memory_space<hbm>>) dst(%dma_wait3A_15 : memref<640x128xf32, #tpu.memory_space<vmem_shared>>)
      tpu.yield
    }) : () -> ()
    %barrier3A = arith.constant 0 : index
    tpu.barrier barrier_id(%barrier3A)
    %mul3A_1 = arith.constant 16 : i32
    %mul3A_2 = arith.muli %arg0, %mul3A_1 : i32
    %add3A = arith.addi %mul3A_2, %arg1 : i32
    %mul3A_3 = arith.constant 10240 : i32
    %mul3A_4 = arith.muli %add3A, %mul3A_3 : i32
    %scan3A = arith.constant 0 : i32
    %scan3A_5 = arith.constant 0 : i32
    %scan3A_6 = arith.constant 80 : i32
    %scan3A_7 = arith.addi %scan3A_5, %scan3A_6 : i32
    %scan3A_8 = arith.constant 1 : i32
    %scan3A_9 = scf.for %scan3A_12 = %scan3A_5 to %scan3A_7 step %scan3A_8 iter_args(%scan3A_13 = %scan3A) -> (i32)  : i32 {
      %mul3A_14 = arith.constant 128 : i32
      %mul3A_15 = arith.muli %scan3A_12, %mul3A_14 : i32
      %add3A_16 = arith.addi %mul3A_4, %mul3A_15 : i32
      %multiple_of3A_17 = tpu.assume_multiple %add3A_16, 8 : i32
      "tpu.region"() ({
        %run_scoped3A = tpu.sem_alloc : memref<!tpu.dma_semaphore, #tpu.memory_space<semaphore_mem>>
        %dma_start3A_23 = tpu.memref_slice %arg3[%multiple_of3A_17] : memref<327680xi32, #tpu.memory_space<hbm>> -> memref<128xi32, #tpu.memory_space<hbm>>
        %dma_start3A_24 = tpu.memref_slice %arg3[%multiple_of3A_17] : memref<327680xi32, #tpu.memory_space<hbm>> -> memref<128xi32, #tpu.memory_space<hbm>>
        tpu.enqueue_dma source(%dma_start3A_24 : memref<128xi32, #tpu.memory_space<hbm>>) target(%arg7 : memref<128xi32, #tpu.memory_space<vmem>>) target_semaphore(%run_scoped3A : memref<!tpu.dma_semaphore, #tpu.memory_space<semaphore_mem>>)
        %dma_wait3A_25 = tpu.memref_slice %arg3[%multiple_of3A_17] : memref<327680xi32, #tpu.memory_space<hbm>> -> memref<128xi32, #tpu.memory_space<hbm>>
        %dma_wait3A_26 = tpu.memref_slice %arg3[%multiple_of3A_17] : memref<327680xi32, #tpu.memory_space<hbm>> -> memref<128xi32, #tpu.memory_space<hbm>>
        tpu.wait_dma2 semaphore(%run_scoped3A : memref<!tpu.dma_semaphore, #tpu.memory_space<semaphore_mem>>) src(%dma_wait3A_26 : memref<128xi32, #tpu.memory_space<hbm>>) dst(%arg7 : memref<128xi32, #tpu.memory_space<vmem>>)
        tpu.yield
      }) : () -> ()
      "tpu.region"() ({
        %run_scoped3A = tpu.sem_alloc : memref<!tpu.dma_semaphore, #tpu.memory_space<semaphore_mem>>
        %dma_start3A_23 = tpu.memref_slice %arg4[%multiple_of3A_17] : memref<327680xi32, #tpu.memory_space<hbm>> -> memref<128xi32, #tpu.memory_space<hbm>>
        %dma_start3A_24 = tpu.memref_slice %arg4[%multiple_of3A_17] : memref<327680xi32, #tpu.memory_space<hbm>> -> memref<128xi32, #tpu.memory_space<hbm>>
        tpu.enqueue_dma source(%dma_start3A_24 : memref<128xi32, #tpu.memory_space<hbm>>) target(%arg8 : memref<128xi32, #tpu.memory_space<vmem>>) target_semaphore(%run_scoped3A : memref<!tpu.dma_semaphore, #tpu.memory_space<semaphore_mem>>)
        %dma_wait3A_25 = tpu.memref_slice %arg4[%multiple_of3A_17] : memref<327680xi32, #tpu.memory_space<hbm>> -> memref<128xi32, #tpu.memory_space<hbm>>
        %dma_wait3A_26 = tpu.memref_slice %arg4[%multiple_of3A_17] : memref<327680xi32, #tpu.memory_space<hbm>> -> memref<128xi32, #tpu.memory_space<hbm>>
        tpu.wait_dma2 semaphore(%run_scoped3A : memref<!tpu.dma_semaphore, #tpu.memory_space<semaphore_mem>>) src(%dma_wait3A_26 : memref<128xi32, #tpu.memory_space<hbm>>) dst(%arg8 : memref<128xi32, #tpu.memory_space<vmem>>)
        tpu.yield
      }) : () -> ()
      %dma_start3A = arith.constant 0 : i32
      %dma_start3A_18 = arith.constant 0 : i32
      %dma_start3A_19 = tpu.memref_slice %arg2[%dma_start3A, %dma_start3A_18] : memref<10240x128xf32, #tpu.memory_space<hbm>> -> memref<10240x128xf32, #tpu.memory_space<hbm>>
      tpu.enqueue_indirect_dma source(%dma_start3A_19 : memref<10240x128xf32, #tpu.memory_space<hbm>>) target(%arg9 : memref<128x128xf32, #tpu.memory_space<vmem>>) offsets(%arg7 : memref<128xi32, #tpu.memory_space<vmem>>) semaphore(%arg11 : memref<!tpu.dma_semaphore, #tpu.memory_space<semaphore_mem>>)
      %dma_wait3A = arith.constant 0 : i32
      %dma_wait3A_20 = arith.constant 0 : i32
      %dma_wait3A_21 = tpu.memref_slice %arg2[%dma_wait3A, %dma_wait3A_20] : memref<10240x128xf32, #tpu.memory_space<hbm>> -> memref<10240x128xf32, #tpu.memory_space<hbm>>
      tpu.wait_indirect_dma semaphore(%arg11 : memref<!tpu.dma_semaphore, #tpu.memory_space<semaphore_mem>>) src(%dma_wait3A_21 : memref<10240x128xf32, #tpu.memory_space<hbm>>) dst(%arg9 : memref<128x128xf32, #tpu.memory_space<vmem>>)
      "tpu.region"() ({
        %run_scoped3A = tpu.sem_alloc : memref<!tpu.dma_semaphore, #tpu.memory_space<semaphore_mem>>
        %dma_start3A_23 = arith.constant 0 : i32
        %dma_start3A_24 = arith.constant 0 : i32
        %dma_start3A_25 = tpu.memref_slice %arg10[%dma_start3A_23, %dma_start3A_24] : memref<10240x128xf32, #tpu.memory_space<vmem_shared>> -> memref<10240x128xf32, #tpu.memory_space<vmem_shared>>
        tpu.enqueue_indirect_dma source(%arg9 : memref<128x128xf32, #tpu.memory_space<vmem>>) target(%dma_start3A_25 : memref<10240x128xf32, #tpu.memory_space<vmem_shared>>) offsets(%arg8 : memref<128xi32, #tpu.memory_space<vmem>>) semaphore(%run_scoped3A : memref<!tpu.dma_semaphore, #tpu.memory_space<semaphore_mem>>) {add = true}
        %dma_wait3A_26 = arith.constant 0 : i32
        %dma_wait3A_27 = arith.constant 0 : i32
        %dma_wait3A_28 = tpu.memref_slice %arg10[%dma_wait3A_26, %dma_wait3A_27] : memref<10240x128xf32, #tpu.memory_space<vmem_shared>> -> memref<10240x128xf32, #tpu.memory_space<vmem_shared>>
        tpu.wait_indirect_dma semaphore(%run_scoped3A : memref<!tpu.dma_semaphore, #tpu.memory_space<semaphore_mem>>) src(%arg9 : memref<128x128xf32, #tpu.memory_space<vmem>>) dst(%dma_wait3A_28 : memref<10240x128xf32, #tpu.memory_space<vmem_shared>>)
        tpu.yield
      }) : () -> ()
      %scan3A_22 = arith.constant 0 : i32
      scf.yield %scan3A_22 : i32
    }
    %scan3A_10 = arith.constant 80 : i32
    %barrier3A_11 = arith.constant 0 : index
    tpu.barrier barrier_id(%barrier3A_11)
    "tpu.region"() ({
      %run_scoped3A = tpu.sem_alloc : memref<!tpu.dma_semaphore, #tpu.memory_space<semaphore_mem>>
      %dma_start3A = arith.constant 0 : i32
      %dma_start3A_12 = tpu.memref_slice %arg6[%arg0, %multiple_of3A, %dma_start3A] : memref<2x10240x128xf32, #tpu.memory_space<hbm>> -> memref<1x640x128xf32, #tpu.memory_space<hbm>>
      %dma_start3A_13 = tpu.memref_squeeze %dma_start3A_12 : memref<1x640x128xf32, #tpu.memory_space<hbm>> -> memref<640x128xf32, #tpu.memory_space<hbm>>
      %dma_start3A_14 = arith.constant 0 : i32
      %dma_start3A_15 = tpu.memref_slice %arg10[%multiple_of3A, %dma_start3A_14] : memref<10240x128xf32, #tpu.memory_space<vmem_shared>> -> memref<640x128xf32, #tpu.memory_space<vmem_shared>>
      tpu.enqueue_dma source(%dma_start3A_15 : memref<640x128xf32, #tpu.memory_space<vmem_shared>>) target(%dma_start3A_13 : memref<640x128xf32, #tpu.memory_space<hbm>>) target_semaphore(%run_scoped3A : memref<!tpu.dma_semaphore, #tpu.memory_space<semaphore_mem>>)
      %dma_wait3A = arith.constant 0 : i32
      %dma_wait3A_16 = tpu.memref_slice %arg6[%arg0, %multiple_of3A, %dma_wait3A] : memref<2x10240x128xf32, #tpu.memory_space<hbm>> -> memref<1x640x128xf32, #tpu.memory_space<hbm>>
      %dma_wait3A_17 = tpu.memref_squeeze %dma_wait3A_16 : memref<1x640x128xf32, #tpu.memory_space<hbm>> -> memref<640x128xf32, #tpu.memory_space<hbm>>
      %dma_wait3A_18 = arith.constant 0 : i32
      %dma_wait3A_19 = tpu.memref_slice %arg10[%multiple_of3A, %dma_wait3A_18] : memref<10240x128xf32, #tpu.memory_space<vmem_shared>> -> memref<640x128xf32, #tpu.memory_space<vmem_shared>>
      tpu.wait_dma2 semaphore(%run_scoped3A : memref<!tpu.dma_semaphore, #tpu.memory_space<semaphore_mem>>) src(%dma_wait3A_19 : memref<640x128xf32, #tpu.memory_space<vmem_shared>>) dst(%dma_wait3A_17 : memref<640x128xf32, #tpu.memory_space<hbm>>)
      tpu.yield
    }) : () -> ()
    return
  }
}

#map = affine_map<(d0, d1) -> (0, 0)>
#map1 = affine_map<(d0, d1) -> (0)>
#map2 = affine_map<(d0, d1) -> (0, 0, 0)>
module attributes {stable_mosaic.version = 14 : i64} {
  func.func @body(%arg0: i32, %arg1: i32, %arg2: memref<10240x16xf32, #tpu.memory_space<hbm>>, %arg3: memref<327680xi32, #tpu.memory_space<hbm>>, %arg4: memref<327680xi32, #tpu.memory_space<hbm>>, %arg5: memref<10240x16xf32, #tpu.memory_space<hbm>>, %arg6: memref<2x10240x16xf32, #tpu.memory_space<hbm>>, %arg7: memref<128xi32, #tpu.memory_space<vmem>>, %arg8: memref<128xi32, #tpu.memory_space<vmem>>, %arg9: memref<128x16xf32, #tpu.memory_space<vmem>>, %arg10: memref<10240x16xf32, #tpu.memory_space<vmem_shared>>, %arg11: memref<!tpu.dma_semaphore, #tpu.memory_space<semaphore_mem>>) attributes {dimension_semantics = [#tpu.dimension_semantics<core_parallel>, #tpu.dimension_semantics<subcore_parallel>], iteration_bounds = array<i64: 2, 16>, scalar_prefetch = 0 : i64, scratch_operands = 5 : i64, tpu.core_type = #tpu.core_type<sc_vector_subcore>, window_params = [{transform_indices = #map}, {transform_indices = #map1}, {transform_indices = #map1}, {transform_indices = #map}, {transform_indices = #map2}]} {
    %mul3A = arith.constant 640 : i32
    %mul3A_0 = arith.muli %arg1, %mul3A : i32
    %multiple_of3A = tpu.assume_multiple %mul3A_0, 8 : i32
    "tpu.region"() ({
      %run_scoped3A = tpu.sem_alloc : memref<!tpu.dma_semaphore, #tpu.memory_space<semaphore_mem>>
      %dma_start3A = arith.constant 0 : i32
      %dma_start3A_12 = tpu.memref_slice %arg10[%multiple_of3A, %dma_start3A] : memref<10240x16xf32, #tpu.memory_space<vmem_shared>> -> memref<640x16xf32, #tpu.memory_space<vmem_shared>>
      %dma_start3A_13 = arith.constant 0 : i32
      %dma_start3A_14 = tpu.memref_slice %arg5[%multiple_of3A, %dma_start3A_13] : memref<10240x16xf32, #tpu.memory_space<hbm>> -> memref<640x16xf32, #tpu.memory_space<hbm>>
      tpu.enqueue_dma source(%dma_start3A_14 : memref<640x16xf32, #tpu.memory_space<hbm>>) target(%dma_start3A_12 : memref<640x16xf32, #tpu.memory_space<vmem_shared>>) target_semaphore(%run_scoped3A : memref<!tpu.dma_semaphore, #tpu.memory_space<semaphore_mem>>)
      %dma_wait3A = arith.constant 0 : i32
      %dma_wait3A_15 = tpu.memref_slice %arg10[%multiple_of3A, %dma_wait3A] : memref<10240x16xf32, #tpu.memory_space<vmem_shared>> -> memref<640x16xf32, #tpu.memory_space<vmem_shared>>
      %dma_wait3A_16 = arith.constant 0 : i32
      %dma_wait3A_17 = tpu.memref_slice %arg5[%multiple_of3A, %dma_wait3A_16] : memref<10240x16xf32, #tpu.memory_space<hbm>> -> memref<640x16xf32, #tpu.memory_space<hbm>>
      tpu.wait_dma2 semaphore(%run_scoped3A : memref<!tpu.dma_semaphore, #tpu.memory_space<semaphore_mem>>) src(%dma_wait3A_17 : memref<640x16xf32, #tpu.memory_space<hbm>>) dst(%dma_wait3A_15 : memref<640x16xf32, #tpu.memory_space<vmem_shared>>)
      tpu.yield
    }) : () -> ()
    %barrier3A = arith.constant 0 : index
    tpu.barrier barrier_id(%barrier3A)
    %mul3A_1 = arith.constant 16 : i32
    %mul3A_2 = arith.muli %arg0, %mul3A_1 : i32
    %add3A = arith.addi %mul3A_2, %arg1 : i32
    %mul3A_3 = arith.constant 10240 : i32
    %mul3A_4 = arith.muli %add3A, %mul3A_3 : i32
    %scan3A = arith.constant 0 : i32
    %scan3A_5 = arith.constant 0 : i32
    %scan3A_6 = arith.constant 80 : i32
    %scan3A_7 = arith.addi %scan3A_5, %scan3A_6 : i32
    %scan3A_8 = arith.constant 1 : i32
    %scan3A_9 = scf.for %scan3A_12 = %scan3A_5 to %scan3A_7 step %scan3A_8 iter_args(%scan3A_13 = %scan3A) -> (i32)  : i32 {
      %mul3A_14 = arith.constant 128 : i32
      %mul3A_15 = arith.muli %scan3A_12, %mul3A_14 : i32
      %add3A_16 = arith.addi %mul3A_4, %mul3A_15 : i32
      %multiple_of3A_17 = tpu.assume_multiple %add3A_16, 8 : i32
      "tpu.region"() ({
        %run_scoped3A = tpu.sem_alloc : memref<!tpu.dma_semaphore, #tpu.memory_space<semaphore_mem>>
        %dma_start3A_23 = tpu.memref_slice %arg3[%multiple_of3A_17] : memref<327680xi32, #tpu.memory_space<hbm>> -> memref<128xi32, #tpu.memory_space<hbm>>
        %dma_start3A_24 = tpu.memref_slice %arg3[%multiple_of3A_17] : memref<327680xi32, #tpu.memory_space<hbm>> -> memref<128xi32, #tpu.memory_space<hbm>>
        tpu.enqueue_dma source(%dma_start3A_24 : memref<128xi32, #tpu.memory_space<hbm>>) target(%arg7 : memref<128xi32, #tpu.memory_space<vmem>>) target_semaphore(%run_scoped3A : memref<!tpu.dma_semaphore, #tpu.memory_space<semaphore_mem>>)
        %dma_wait3A_25 = tpu.memref_slice %arg3[%multiple_of3A_17] : memref<327680xi32, #tpu.memory_space<hbm>> -> memref<128xi32, #tpu.memory_space<hbm>>
        %dma_wait3A_26 = tpu.memref_slice %arg3[%multiple_of3A_17] : memref<327680xi32, #tpu.memory_space<hbm>> -> memref<128xi32, #tpu.memory_space<hbm>>
        tpu.wait_dma2 semaphore(%run_scoped3A : memref<!tpu.dma_semaphore, #tpu.memory_space<semaphore_mem>>) src(%dma_wait3A_26 : memref<128xi32, #tpu.memory_space<hbm>>) dst(%arg7 : memref<128xi32, #tpu.memory_space<vmem>>)
        tpu.yield
      }) : () -> ()
      "tpu.region"() ({
        %run_scoped3A = tpu.sem_alloc : memref<!tpu.dma_semaphore, #tpu.memory_space<semaphore_mem>>
        %dma_start3A_23 = tpu.memref_slice %arg4[%multiple_of3A_17] : memref<327680xi32, #tpu.memory_space<hbm>> -> memref<128xi32, #tpu.memory_space<hbm>>
        %dma_start3A_24 = tpu.memref_slice %arg4[%multiple_of3A_17] : memref<327680xi32, #tpu.memory_space<hbm>> -> memref<128xi32, #tpu.memory_space<hbm>>
        tpu.enqueue_dma source(%dma_start3A_24 : memref<128xi32, #tpu.memory_space<hbm>>) target(%arg8 : memref<128xi32, #tpu.memory_space<vmem>>) target_semaphore(%run_scoped3A : memref<!tpu.dma_semaphore, #tpu.memory_space<semaphore_mem>>)
        %dma_wait3A_25 = tpu.memref_slice %arg4[%multiple_of3A_17] : memref<327680xi32, #tpu.memory_space<hbm>> -> memref<128xi32, #tpu.memory_space<hbm>>
        %dma_wait3A_26 = tpu.memref_slice %arg4[%multiple_of3A_17] : memref<327680xi32, #tpu.memory_space<hbm>> -> memref<128xi32, #tpu.memory_space<hbm>>
        tpu.wait_dma2 semaphore(%run_scoped3A : memref<!tpu.dma_semaphore, #tpu.memory_space<semaphore_mem>>) src(%dma_wait3A_26 : memref<128xi32, #tpu.memory_space<hbm>>) dst(%arg8 : memref<128xi32, #tpu.memory_space<vmem>>)
        tpu.yield
      }) : () -> ()
      %dma_start3A = arith.constant 0 : i32
      %dma_start3A_18 = arith.constant 0 : i32
      %dma_start3A_19 = tpu.memref_slice %arg2[%dma_start3A, %dma_start3A_18] : memref<10240x16xf32, #tpu.memory_space<hbm>> -> memref<10240x16xf32, #tpu.memory_space<hbm>>
      tpu.enqueue_indirect_dma source(%dma_start3A_19 : memref<10240x16xf32, #tpu.memory_space<hbm>>) target(%arg9 : memref<128x16xf32, #tpu.memory_space<vmem>>) offsets(%arg7 : memref<128xi32, #tpu.memory_space<vmem>>) semaphore(%arg11 : memref<!tpu.dma_semaphore, #tpu.memory_space<semaphore_mem>>)
      %dma_wait3A = arith.constant 0 : i32
      %dma_wait3A_20 = arith.constant 0 : i32
      %dma_wait3A_21 = tpu.memref_slice %arg2[%dma_wait3A, %dma_wait3A_20] : memref<10240x16xf32, #tpu.memory_space<hbm>> -> memref<10240x16xf32, #tpu.memory_space<hbm>>
      tpu.wait_indirect_dma semaphore(%arg11 : memref<!tpu.dma_semaphore, #tpu.memory_space<semaphore_mem>>) src(%dma_wait3A_21 : memref<10240x16xf32, #tpu.memory_space<hbm>>) dst(%arg9 : memref<128x16xf32, #tpu.memory_space<vmem>>)
      "tpu.region"() ({
        %run_scoped3A = tpu.sem_alloc : memref<!tpu.dma_semaphore, #tpu.memory_space<semaphore_mem>>
        %dma_start3A_23 = arith.constant 0 : i32
        %dma_start3A_24 = arith.constant 0 : i32
        %dma_start3A_25 = tpu.memref_slice %arg10[%dma_start3A_23, %dma_start3A_24] : memref<10240x16xf32, #tpu.memory_space<vmem_shared>> -> memref<10240x16xf32, #tpu.memory_space<vmem_shared>>
        tpu.enqueue_indirect_dma source(%arg9 : memref<128x16xf32, #tpu.memory_space<vmem>>) target(%dma_start3A_25 : memref<10240x16xf32, #tpu.memory_space<vmem_shared>>) offsets(%arg8 : memref<128xi32, #tpu.memory_space<vmem>>) semaphore(%run_scoped3A : memref<!tpu.dma_semaphore, #tpu.memory_space<semaphore_mem>>) {add = true}
        %dma_wait3A_26 = arith.constant 0 : i32
        %dma_wait3A_27 = arith.constant 0 : i32
        %dma_wait3A_28 = tpu.memref_slice %arg10[%dma_wait3A_26, %dma_wait3A_27] : memref<10240x16xf32, #tpu.memory_space<vmem_shared>> -> memref<10240x16xf32, #tpu.memory_space<vmem_shared>>
        tpu.wait_indirect_dma semaphore(%run_scoped3A : memref<!tpu.dma_semaphore, #tpu.memory_space<semaphore_mem>>) src(%arg9 : memref<128x16xf32, #tpu.memory_space<vmem>>) dst(%dma_wait3A_28 : memref<10240x16xf32, #tpu.memory_space<vmem_shared>>)
        tpu.yield
      }) : () -> ()
      %scan3A_22 = arith.constant 0 : i32
      scf.yield %scan3A_22 : i32
    }
    %scan3A_10 = arith.constant 80 : i32
    %barrier3A_11 = arith.constant 0 : index
    tpu.barrier barrier_id(%barrier3A_11)
    "tpu.region"() ({
      %run_scoped3A = tpu.sem_alloc : memref<!tpu.dma_semaphore, #tpu.memory_space<semaphore_mem>>
      %dma_start3A = arith.constant 0 : i32
      %dma_start3A_12 = tpu.memref_slice %arg6[%arg0, %multiple_of3A, %dma_start3A] : memref<2x10240x16xf32, #tpu.memory_space<hbm>> -> memref<1x640x16xf32, #tpu.memory_space<hbm>>
      %dma_start3A_13 = tpu.memref_squeeze %dma_start3A_12 : memref<1x640x16xf32, #tpu.memory_space<hbm>> -> memref<640x16xf32, #tpu.memory_space<hbm>>
      %dma_start3A_14 = arith.constant 0 : i32
      %dma_start3A_15 = tpu.memref_slice %arg10[%multiple_of3A, %dma_start3A_14] : memref<10240x16xf32, #tpu.memory_space<vmem_shared>> -> memref<640x16xf32, #tpu.memory_space<vmem_shared>>
      tpu.enqueue_dma source(%dma_start3A_15 : memref<640x16xf32, #tpu.memory_space<vmem_shared>>) target(%dma_start3A_13 : memref<640x16xf32, #tpu.memory_space<hbm>>) target_semaphore(%run_scoped3A : memref<!tpu.dma_semaphore, #tpu.memory_space<semaphore_mem>>)
      %dma_wait3A = arith.constant 0 : i32
      %dma_wait3A_16 = tpu.memref_slice %arg6[%arg0, %multiple_of3A, %dma_wait3A] : memref<2x10240x16xf32, #tpu.memory_space<hbm>> -> memref<1x640x16xf32, #tpu.memory_space<hbm>>
      %dma_wait3A_17 = tpu.memref_squeeze %dma_wait3A_16 : memref<1x640x16xf32, #tpu.memory_space<hbm>> -> memref<640x16xf32, #tpu.memory_space<hbm>>
      %dma_wait3A_18 = arith.constant 0 : i32
      %dma_wait3A_19 = tpu.memref_slice %arg10[%multiple_of3A, %dma_wait3A_18] : memref<10240x16xf32, #tpu.memory_space<vmem_shared>> -> memref<640x16xf32, #tpu.memory_space<vmem_shared>>
      tpu.wait_dma2 semaphore(%run_scoped3A : memref<!tpu.dma_semaphore, #tpu.memory_space<semaphore_mem>>) src(%dma_wait3A_19 : memref<640x16xf32, #tpu.memory_space<vmem_shared>>) dst(%dma_wait3A_17 : memref<640x16xf32, #tpu.memory_space<hbm>>)
      tpu.yield
    }) : () -> ()
    return
  }
}

#map = affine_map<(d0, d1) -> (0, 0)>
#map1 = affine_map<(d0, d1) -> (0)>
#map2 = affine_map<(d0, d1) -> (0, 0, 0)>
module attributes {stable_mosaic.version = 14 : i64} {
  func.func @body(%arg0: i32, %arg1: i32, %arg2: memref<10240x128xf32, #tpu.memory_space<hbm>>, %arg3: memref<327680xi32, #tpu.memory_space<hbm>>, %arg4: memref<327680xi32, #tpu.memory_space<hbm>>, %arg5: memref<10240x128xf32, #tpu.memory_space<hbm>>, %arg6: memref<327680xi32, #tpu.memory_space<hbm>>, %arg7: memref<327680xi32, #tpu.memory_space<hbm>>, %arg8: memref<10240x128xf32, #tpu.memory_space<hbm>>, %arg9: memref<2x10240x128xf32, #tpu.memory_space<hbm>>, %arg10: memref<128xi32, #tpu.memory_space<vmem>>, %arg11: memref<128xi32, #tpu.memory_space<vmem>>, %arg12: memref<128x128xf32, #tpu.memory_space<vmem>>, %arg13: memref<10240x128xf32, #tpu.memory_space<vmem_shared>>, %arg14: memref<!tpu.dma_semaphore, #tpu.memory_space<semaphore_mem>>) attributes {dimension_semantics = [#tpu.dimension_semantics<core_parallel>, #tpu.dimension_semantics<subcore_parallel>], iteration_bounds = array<i64: 2, 16>, scalar_prefetch = 0 : i64, scratch_operands = 5 : i64, tpu.core_type = #tpu.core_type<sc_vector_subcore>, window_params = [{transform_indices = #map}, {transform_indices = #map1}, {transform_indices = #map1}, {transform_indices = #map}, {transform_indices = #map1}, {transform_indices = #map1}, {transform_indices = #map}, {transform_indices = #map2}]} {
    %mul3A = arith.constant 640 : i32
    %mul3A_0 = arith.muli %arg1, %mul3A : i32
    %multiple_of3A = tpu.assume_multiple %mul3A_0, 8 : i32
    "tpu.region"() ({
      %run_scoped3A = tpu.sem_alloc : memref<!tpu.dma_semaphore, #tpu.memory_space<semaphore_mem>>
      %dma_start3A = arith.constant 0 : i32
      %dma_start3A_11 = tpu.memref_slice %arg13[%multiple_of3A, %dma_start3A] : memref<10240x128xf32, #tpu.memory_space<vmem_shared>> -> memref<640x128xf32, #tpu.memory_space<vmem_shared>>
      %dma_start3A_12 = arith.constant 0 : i32
      %dma_start3A_13 = tpu.memref_slice %arg8[%multiple_of3A, %dma_start3A_12] : memref<10240x128xf32, #tpu.memory_space<hbm>> -> memref<640x128xf32, #tpu.memory_space<hbm>>
      tpu.enqueue_dma source(%dma_start3A_13 : memref<640x128xf32, #tpu.memory_space<hbm>>) target(%dma_start3A_11 : memref<640x128xf32, #tpu.memory_space<vmem_shared>>) target_semaphore(%run_scoped3A : memref<!tpu.dma_semaphore, #tpu.memory_space<semaphore_mem>>)
      %dma_wait3A = arith.constant 0 : i32
      %dma_wait3A_14 = tpu.memref_slice %arg13[%multiple_of3A, %dma_wait3A] : memref<10240x128xf32, #tpu.memory_space<vmem_shared>> -> memref<640x128xf32, #tpu.memory_space<vmem_shared>>
      %dma_wait3A_15 = arith.constant 0 : i32
      %dma_wait3A_16 = tpu.memref_slice %arg8[%multiple_of3A, %dma_wait3A_15] : memref<10240x128xf32, #tpu.memory_space<hbm>> -> memref<640x128xf32, #tpu.memory_space<hbm>>
      tpu.wait_dma2 semaphore(%run_scoped3A : memref<!tpu.dma_semaphore, #tpu.memory_space<semaphore_mem>>) src(%dma_wait3A_16 : memref<640x128xf32, #tpu.memory_space<hbm>>) dst(%dma_wait3A_14 : memref<640x128xf32, #tpu.memory_space<vmem_shared>>)
      tpu.yield
    }) : () -> ()
    %barrier3A = arith.constant 0 : index
    tpu.barrier barrier_id(%barrier3A)
    %mul3A_1 = arith.constant 20480 : i32
    %mul3A_2 = arith.muli %arg1, %mul3A_1 : i32
    %eq3A = arith.constant 0 : i32
    %eq3A_3 = arith.cmpi eq, %arg0, %eq3A : i32
    %convert_element_type3A = arith.extui %eq3A_3 : i1 to i32
    %cond3A = arith.constant 0 : i32
    %cond3A_4 = arith.cmpi ne, %convert_element_type3A, %cond3A : i32
    scf.if %cond3A_4 {
      %scan3A = arith.constant 0 : i32
      %scan3A_11 = arith.constant 0 : i32
      %scan3A_12 = arith.constant 160 : i32
      %scan3A_13 = arith.addi %scan3A_11, %scan3A_12 : i32
      %scan3A_14 = arith.constant 1 : i32
      %scan3A_15 = scf.for %scan3A_17 = %scan3A_11 to %scan3A_13 step %scan3A_14 iter_args(%scan3A_18 = %scan3A) -> (i32)  : i32 {
        %mul3A_19 = arith.constant 128 : i32
        %mul3A_20 = arith.muli %scan3A_17, %mul3A_19 : i32
        %add3A = arith.addi %mul3A_2, %mul3A_20 : i32
        %multiple_of3A_21 = tpu.assume_multiple %add3A, 8 : i32
        "tpu.region"() ({
          %run_scoped3A = tpu.sem_alloc : memref<!tpu.dma_semaphore, #tpu.memory_space<semaphore_mem>>
          %dma_start3A_27 = tpu.memref_slice %arg3[%multiple_of3A_21] : memref<327680xi32, #tpu.memory_space<hbm>> -> memref<128xi32, #tpu.memory_space<hbm>>
          %dma_start3A_28 = tpu.memref_slice %arg3[%multiple_of3A_21] : memref<327680xi32, #tpu.memory_space<hbm>> -> memref<128xi32, #tpu.memory_space<hbm>>
          tpu.enqueue_dma source(%dma_start3A_28 : memref<128xi32, #tpu.memory_space<hbm>>) target(%arg10 : memref<128xi32, #tpu.memory_space<vmem>>) target_semaphore(%run_scoped3A : memref<!tpu.dma_semaphore, #tpu.memory_space<semaphore_mem>>)
          %dma_wait3A_29 = tpu.memref_slice %arg3[%multiple_of3A_21] : memref<327680xi32, #tpu.memory_space<hbm>> -> memref<128xi32, #tpu.memory_space<hbm>>
          %dma_wait3A_30 = tpu.memref_slice %arg3[%multiple_of3A_21] : memref<327680xi32, #tpu.memory_space<hbm>> -> memref<128xi32, #tpu.memory_space<hbm>>
          tpu.wait_dma2 semaphore(%run_scoped3A : memref<!tpu.dma_semaphore, #tpu.memory_space<semaphore_mem>>) src(%dma_wait3A_30 : memref<128xi32, #tpu.memory_space<hbm>>) dst(%arg10 : memref<128xi32, #tpu.memory_space<vmem>>)
          tpu.yield
        }) : () -> ()
        "tpu.region"() ({
          %run_scoped3A = tpu.sem_alloc : memref<!tpu.dma_semaphore, #tpu.memory_space<semaphore_mem>>
          %dma_start3A_27 = tpu.memref_slice %arg4[%multiple_of3A_21] : memref<327680xi32, #tpu.memory_space<hbm>> -> memref<128xi32, #tpu.memory_space<hbm>>
          %dma_start3A_28 = tpu.memref_slice %arg4[%multiple_of3A_21] : memref<327680xi32, #tpu.memory_space<hbm>> -> memref<128xi32, #tpu.memory_space<hbm>>
          tpu.enqueue_dma source(%dma_start3A_28 : memref<128xi32, #tpu.memory_space<hbm>>) target(%arg11 : memref<128xi32, #tpu.memory_space<vmem>>) target_semaphore(%run_scoped3A : memref<!tpu.dma_semaphore, #tpu.memory_space<semaphore_mem>>)
          %dma_wait3A_29 = tpu.memref_slice %arg4[%multiple_of3A_21] : memref<327680xi32, #tpu.memory_space<hbm>> -> memref<128xi32, #tpu.memory_space<hbm>>
          %dma_wait3A_30 = tpu.memref_slice %arg4[%multiple_of3A_21] : memref<327680xi32, #tpu.memory_space<hbm>> -> memref<128xi32, #tpu.memory_space<hbm>>
          tpu.wait_dma2 semaphore(%run_scoped3A : memref<!tpu.dma_semaphore, #tpu.memory_space<semaphore_mem>>) src(%dma_wait3A_30 : memref<128xi32, #tpu.memory_space<hbm>>) dst(%arg11 : memref<128xi32, #tpu.memory_space<vmem>>)
          tpu.yield
        }) : () -> ()
        %dma_start3A = arith.constant 0 : i32
        %dma_start3A_22 = arith.constant 0 : i32
        %dma_start3A_23 = tpu.memref_slice %arg2[%dma_start3A, %dma_start3A_22] : memref<10240x128xf32, #tpu.memory_space<hbm>> -> memref<10240x128xf32, #tpu.memory_space<hbm>>
        tpu.enqueue_indirect_dma source(%dma_start3A_23 : memref<10240x128xf32, #tpu.memory_space<hbm>>) target(%arg12 : memref<128x128xf32, #tpu.memory_space<vmem>>) offsets(%arg10 : memref<128xi32, #tpu.memory_space<vmem>>) semaphore(%arg14 : memref<!tpu.dma_semaphore, #tpu.memory_space<semaphore_mem>>)
        %dma_wait3A = arith.constant 0 : i32
        %dma_wait3A_24 = arith.constant 0 : i32
        %dma_wait3A_25 = tpu.memref_slice %arg2[%dma_wait3A, %dma_wait3A_24] : memref<10240x128xf32, #tpu.memory_space<hbm>> -> memref<10240x128xf32, #tpu.memory_space<hbm>>
        tpu.wait_indirect_dma semaphore(%arg14 : memref<!tpu.dma_semaphore, #tpu.memory_space<semaphore_mem>>) src(%dma_wait3A_25 : memref<10240x128xf32, #tpu.memory_space<hbm>>) dst(%arg12 : memref<128x128xf32, #tpu.memory_space<vmem>>)
        "tpu.region"() ({
          %run_scoped3A = tpu.sem_alloc : memref<!tpu.dma_semaphore, #tpu.memory_space<semaphore_mem>>
          %dma_start3A_27 = arith.constant 0 : i32
          %dma_start3A_28 = arith.constant 0 : i32
          %dma_start3A_29 = tpu.memref_slice %arg13[%dma_start3A_27, %dma_start3A_28] : memref<10240x128xf32, #tpu.memory_space<vmem_shared>> -> memref<10240x128xf32, #tpu.memory_space<vmem_shared>>
          tpu.enqueue_indirect_dma source(%arg12 : memref<128x128xf32, #tpu.memory_space<vmem>>) target(%dma_start3A_29 : memref<10240x128xf32, #tpu.memory_space<vmem_shared>>) offsets(%arg11 : memref<128xi32, #tpu.memory_space<vmem>>) semaphore(%run_scoped3A : memref<!tpu.dma_semaphore, #tpu.memory_space<semaphore_mem>>) {add = true}
          %dma_wait3A_30 = arith.constant 0 : i32
          %dma_wait3A_31 = arith.constant 0 : i32
          %dma_wait3A_32 = tpu.memref_slice %arg13[%dma_wait3A_30, %dma_wait3A_31] : memref<10240x128xf32, #tpu.memory_space<vmem_shared>> -> memref<10240x128xf32, #tpu.memory_space<vmem_shared>>
          tpu.wait_indirect_dma semaphore(%run_scoped3A : memref<!tpu.dma_semaphore, #tpu.memory_space<semaphore_mem>>) src(%arg12 : memref<128x128xf32, #tpu.memory_space<vmem>>) dst(%dma_wait3A_32 : memref<10240x128xf32, #tpu.memory_space<vmem_shared>>)
          tpu.yield
        }) : () -> ()
        %scan3A_26 = arith.constant 0 : i32
        scf.yield %scan3A_26 : i32
      }
      %scan3A_16 = arith.constant 160 : i32
    } else {
    }
    %eq3A_5 = arith.constant 1 : i32
    %eq3A_6 = arith.cmpi eq, %arg0, %eq3A_5 : i32
    %convert_element_type3A_7 = arith.extui %eq3A_6 : i1 to i32
    %cond3A_8 = arith.constant 0 : i32
    %cond3A_9 = arith.cmpi ne, %convert_element_type3A_7, %cond3A_8 : i32
    scf.if %cond3A_9 {
      %scan3A = arith.constant 0 : i32
      %scan3A_11 = arith.constant 0 : i32
      %scan3A_12 = arith.constant 160 : i32
      %scan3A_13 = arith.addi %scan3A_11, %scan3A_12 : i32
      %scan3A_14 = arith.constant 1 : i32
      %scan3A_15 = scf.for %scan3A_17 = %scan3A_11 to %scan3A_13 step %scan3A_14 iter_args(%scan3A_18 = %scan3A) -> (i32)  : i32 {
        %mul3A_19 = arith.constant 128 : i32
        %mul3A_20 = arith.muli %scan3A_17, %mul3A_19 : i32
        %add3A = arith.addi %mul3A_2, %mul3A_20 : i32
        %multiple_of3A_21 = tpu.assume_multiple %add3A, 8 : i32
        "tpu.region"() ({
          %run_scoped3A = tpu.sem_alloc : memref<!tpu.dma_semaphore, #tpu.memory_space<semaphore_mem>>
          %dma_start3A_27 = tpu.memref_slice %arg6[%multiple_of3A_21] : memref<327680xi32, #tpu.memory_space<hbm>> -> memref<128xi32, #tpu.memory_space<hbm>>
          %dma_start3A_28 = tpu.memref_slice %arg6[%multiple_of3A_21] : memref<327680xi32, #tpu.memory_space<hbm>> -> memref<128xi32, #tpu.memory_space<hbm>>
          tpu.enqueue_dma source(%dma_start3A_28 : memref<128xi32, #tpu.memory_space<hbm>>) target(%arg10 : memref<128xi32, #tpu.memory_space<vmem>>) target_semaphore(%run_scoped3A : memref<!tpu.dma_semaphore, #tpu.memory_space<semaphore_mem>>)
          %dma_wait3A_29 = tpu.memref_slice %arg6[%multiple_of3A_21] : memref<327680xi32, #tpu.memory_space<hbm>> -> memref<128xi32, #tpu.memory_space<hbm>>
          %dma_wait3A_30 = tpu.memref_slice %arg6[%multiple_of3A_21] : memref<327680xi32, #tpu.memory_space<hbm>> -> memref<128xi32, #tpu.memory_space<hbm>>
          tpu.wait_dma2 semaphore(%run_scoped3A : memref<!tpu.dma_semaphore, #tpu.memory_space<semaphore_mem>>) src(%dma_wait3A_30 : memref<128xi32, #tpu.memory_space<hbm>>) dst(%arg10 : memref<128xi32, #tpu.memory_space<vmem>>)
          tpu.yield
        }) : () -> ()
        "tpu.region"() ({
          %run_scoped3A = tpu.sem_alloc : memref<!tpu.dma_semaphore, #tpu.memory_space<semaphore_mem>>
          %dma_start3A_27 = tpu.memref_slice %arg7[%multiple_of3A_21] : memref<327680xi32, #tpu.memory_space<hbm>> -> memref<128xi32, #tpu.memory_space<hbm>>
          %dma_start3A_28 = tpu.memref_slice %arg7[%multiple_of3A_21] : memref<327680xi32, #tpu.memory_space<hbm>> -> memref<128xi32, #tpu.memory_space<hbm>>
          tpu.enqueue_dma source(%dma_start3A_28 : memref<128xi32, #tpu.memory_space<hbm>>) target(%arg11 : memref<128xi32, #tpu.memory_space<vmem>>) target_semaphore(%run_scoped3A : memref<!tpu.dma_semaphore, #tpu.memory_space<semaphore_mem>>)
          %dma_wait3A_29 = tpu.memref_slice %arg7[%multiple_of3A_21] : memref<327680xi32, #tpu.memory_space<hbm>> -> memref<128xi32, #tpu.memory_space<hbm>>
          %dma_wait3A_30 = tpu.memref_slice %arg7[%multiple_of3A_21] : memref<327680xi32, #tpu.memory_space<hbm>> -> memref<128xi32, #tpu.memory_space<hbm>>
          tpu.wait_dma2 semaphore(%run_scoped3A : memref<!tpu.dma_semaphore, #tpu.memory_space<semaphore_mem>>) src(%dma_wait3A_30 : memref<128xi32, #tpu.memory_space<hbm>>) dst(%arg11 : memref<128xi32, #tpu.memory_space<vmem>>)
          tpu.yield
        }) : () -> ()
        %dma_start3A = arith.constant 0 : i32
        %dma_start3A_22 = arith.constant 0 : i32
        %dma_start3A_23 = tpu.memref_slice %arg5[%dma_start3A, %dma_start3A_22] : memref<10240x128xf32, #tpu.memory_space<hbm>> -> memref<10240x128xf32, #tpu.memory_space<hbm>>
        tpu.enqueue_indirect_dma source(%dma_start3A_23 : memref<10240x128xf32, #tpu.memory_space<hbm>>) target(%arg12 : memref<128x128xf32, #tpu.memory_space<vmem>>) offsets(%arg10 : memref<128xi32, #tpu.memory_space<vmem>>) semaphore(%arg14 : memref<!tpu.dma_semaphore, #tpu.memory_space<semaphore_mem>>)
        %dma_wait3A = arith.constant 0 : i32
        %dma_wait3A_24 = arith.constant 0 : i32
        %dma_wait3A_25 = tpu.memref_slice %arg5[%dma_wait3A, %dma_wait3A_24] : memref<10240x128xf32, #tpu.memory_space<hbm>> -> memref<10240x128xf32, #tpu.memory_space<hbm>>
        tpu.wait_indirect_dma semaphore(%arg14 : memref<!tpu.dma_semaphore, #tpu.memory_space<semaphore_mem>>) src(%dma_wait3A_25 : memref<10240x128xf32, #tpu.memory_space<hbm>>) dst(%arg12 : memref<128x128xf32, #tpu.memory_space<vmem>>)
        "tpu.region"() ({
          %run_scoped3A = tpu.sem_alloc : memref<!tpu.dma_semaphore, #tpu.memory_space<semaphore_mem>>
          %dma_start3A_27 = arith.constant 0 : i32
          %dma_start3A_28 = arith.constant 0 : i32
          %dma_start3A_29 = tpu.memref_slice %arg13[%dma_start3A_27, %dma_start3A_28] : memref<10240x128xf32, #tpu.memory_space<vmem_shared>> -> memref<10240x128xf32, #tpu.memory_space<vmem_shared>>
          tpu.enqueue_indirect_dma source(%arg12 : memref<128x128xf32, #tpu.memory_space<vmem>>) target(%dma_start3A_29 : memref<10240x128xf32, #tpu.memory_space<vmem_shared>>) offsets(%arg11 : memref<128xi32, #tpu.memory_space<vmem>>) semaphore(%run_scoped3A : memref<!tpu.dma_semaphore, #tpu.memory_space<semaphore_mem>>) {add = true}
          %dma_wait3A_30 = arith.constant 0 : i32
          %dma_wait3A_31 = arith.constant 0 : i32
          %dma_wait3A_32 = tpu.memref_slice %arg13[%dma_wait3A_30, %dma_wait3A_31] : memref<10240x128xf32, #tpu.memory_space<vmem_shared>> -> memref<10240x128xf32, #tpu.memory_space<vmem_shared>>
          tpu.wait_indirect_dma semaphore(%run_scoped3A : memref<!tpu.dma_semaphore, #tpu.memory_space<semaphore_mem>>) src(%arg12 : memref<128x128xf32, #tpu.memory_space<vmem>>) dst(%dma_wait3A_32 : memref<10240x128xf32, #tpu.memory_space<vmem_shared>>)
          tpu.yield
        }) : () -> ()
        %scan3A_26 = arith.constant 0 : i32
        scf.yield %scan3A_26 : i32
      }
      %scan3A_16 = arith.constant 160 : i32
    } else {
    }
    %barrier3A_10 = arith.constant 0 : index
    tpu.barrier barrier_id(%barrier3A_10)
    "tpu.region"() ({
      %run_scoped3A = tpu.sem_alloc : memref<!tpu.dma_semaphore, #tpu.memory_space<semaphore_mem>>
      %dma_start3A = arith.constant 0 : i32
      %dma_start3A_11 = tpu.memref_slice %arg9[%arg0, %multiple_of3A, %dma_start3A] : memref<2x10240x128xf32, #tpu.memory_space<hbm>> -> memref<1x640x128xf32, #tpu.memory_space<hbm>>
      %dma_start3A_12 = tpu.memref_squeeze %dma_start3A_11 : memref<1x640x128xf32, #tpu.memory_space<hbm>> -> memref<640x128xf32, #tpu.memory_space<hbm>>
      %dma_start3A_13 = arith.constant 0 : i32
      %dma_start3A_14 = tpu.memref_slice %arg13[%multiple_of3A, %dma_start3A_13] : memref<10240x128xf32, #tpu.memory_space<vmem_shared>> -> memref<640x128xf32, #tpu.memory_space<vmem_shared>>
      tpu.enqueue_dma source(%dma_start3A_14 : memref<640x128xf32, #tpu.memory_space<vmem_shared>>) target(%dma_start3A_12 : memref<640x128xf32, #tpu.memory_space<hbm>>) target_semaphore(%run_scoped3A : memref<!tpu.dma_semaphore, #tpu.memory_space<semaphore_mem>>)
      %dma_wait3A = arith.constant 0 : i32
      %dma_wait3A_15 = tpu.memref_slice %arg9[%arg0, %multiple_of3A, %dma_wait3A] : memref<2x10240x128xf32, #tpu.memory_space<hbm>> -> memref<1x640x128xf32, #tpu.memory_space<hbm>>
      %dma_wait3A_16 = tpu.memref_squeeze %dma_wait3A_15 : memref<1x640x128xf32, #tpu.memory_space<hbm>> -> memref<640x128xf32, #tpu.memory_space<hbm>>
      %dma_wait3A_17 = arith.constant 0 : i32
      %dma_wait3A_18 = tpu.memref_slice %arg13[%multiple_of3A, %dma_wait3A_17] : memref<10240x128xf32, #tpu.memory_space<vmem_shared>> -> memref<640x128xf32, #tpu.memory_space<vmem_shared>>
      tpu.wait_dma2 semaphore(%run_scoped3A : memref<!tpu.dma_semaphore, #tpu.memory_space<semaphore_mem>>) src(%dma_wait3A_18 : memref<640x128xf32, #tpu.memory_space<vmem_shared>>) dst(%dma_wait3A_16 : memref<640x128xf32, #tpu.memory_space<hbm>>)
      tpu.yield
    }) : () -> ()
    return
  }
}

module attributes {stable_mosaic.version = 14 : i64} {
  func.func @_mm4_body(%arg0: i32, %arg1: i32, %arg2: memref<1x256x128xf32, #tpu.memory_space<vmem>>, %arg3: memref<1x128x128xf32, #tpu.memory_space<vmem>>, %arg4: memref<1x256x128xf32, #tpu.memory_space<vmem>>) attributes {dimension_semantics = [#tpu.dimension_semantics<arbitrary>, #tpu.dimension_semantics<arbitrary>], iteration_bounds = array<i64: 4, 40>, scalar_prefetch = 0 : i64, scratch_operands = 0 : i64, tpu.core_type = #tpu.core_type<tc>, window_params = [{transform_indices = @transform_0, window_bounds = array<i64: 1, 256, 128>}, {transform_indices = @transform_1, window_bounds = array<i64: 1, 128, 128>}, {transform_indices = @transform_2, window_bounds = array<i64: 1, 256, 128>}]} {
    %get3A = arith.constant 0 : index
    %get3A_0 = arith.constant 0 : index
    %get3A_1 = arith.constant 0 : index
    %get3A_2 = vector.load %arg2[%get3A, %get3A_0, %get3A_1] : memref<1x256x128xf32, #tpu.memory_space<vmem>>, vector<1x256x128xf32>
    %get3A_3 = vector.shape_cast %get3A_2 : vector<1x256x128xf32> to vector<256x128xf32>
    %get3A_4 = arith.constant 0 : index
    %get3A_5 = arith.constant 0 : index
    %get3A_6 = arith.constant 0 : index
    %get3A_7 = vector.load %arg3[%get3A_4, %get3A_5, %get3A_6] : memref<1x128x128xf32, #tpu.memory_space<vmem>>, vector<1x128x128xf32>
    %get3A_8 = vector.shape_cast %get3A_7 : vector<1x128x128xf32> to vector<128x128xf32>
    %dot_general3A = arith.constant dense<0.000000e+00> : vector<256x128xf32>
    %dot_general3A_9 = tpu.matmul %get3A_3, %get3A_8, %dot_general3A {dimension_numbers = #tpu.dot_dimension_numbers<[1], [0], [0], [1], [0, 0, 1, 1], [], []>, transpose_lhs_hint = false} : vector<256x128xf32>, vector<128x128xf32>, vector<256x128xf32> -> vector<256x128xf32>
    %broadcast_in_dim3A = vector.shape_cast %dot_general3A_9 : vector<256x128xf32> to vector<1x256x128xf32>
    %swap3A = arith.constant 0 : index
    %swap3A_10 = arith.constant 0 : index
    %swap3A_11 = arith.constant 0 : index
    %swap3A_12 = vector.load %arg4[%swap3A, %swap3A_10, %swap3A_11] : memref<1x256x128xf32, #tpu.memory_space<vmem>>, vector<1x256x128xf32>
    tpu.vector_store %arg4[%swap3A, %swap3A_10, %swap3A_11], %broadcast_in_dim3A {strides = array<i32>} : memref<1x256x128xf32, #tpu.memory_space<vmem>>, vector<1x256x128xf32>,
    return
  }
  func.func @transform_0(%arg0: i32, %arg1: i32) -> (i32, i32, i32) {
    %c0_i32 = arith.constant 0 : i32
    %c0_i32_0 = arith.constant 0 : i32
    return %arg0, %arg1, %c0_i32 : i32, i32, i32
  }
  func.func @transform_1(%arg0: i32, %arg1: i32) -> (i32, i32, i32) {
    %c0_i32 = arith.constant 0 : i32
    %c0_i32_0 = arith.constant 0 : i32
    %c0_i32_1 = arith.constant 0 : i32
    return %arg0, %c0_i32, %c0_i32_0 : i32, i32, i32
  }
  func.func @transform_2(%arg0: i32, %arg1: i32) -> (i32, i32, i32) {
    %c0_i32 = arith.constant 0 : i32
    %c0_i32_0 = arith.constant 0 : i32
    return %arg0, %arg1, %c0_i32 : i32, i32, i32
  }
}

module attributes {stable_mosaic.version = 14 : i64} {
  func.func @_deg_body(%arg0: i32, %arg1: memref<256x16xf32, #tpu.memory_space<vmem>>, %arg2: memref<256x16xf32, #tpu.memory_space<vmem>>, %arg3: memref<256x128xf32, #tpu.memory_space<vmem>>, %arg4: memref<256x128xf32, #tpu.memory_space<vmem>>, %arg5: memref<256x16xf32, #tpu.memory_space<vmem>>, %arg6: memref<256x16xf32, #tpu.memory_space<vmem>>, %arg7: memref<256x16xf32, #tpu.memory_space<vmem>>, %arg8: memref<256x16xf32, #tpu.memory_space<vmem>>, %arg9: memref<256x128xf32, #tpu.memory_space<vmem>>, %arg10: memref<256x128xf32, #tpu.memory_space<vmem>>) attributes {dimension_semantics = [#tpu.dimension_semantics<arbitrary>], iteration_bounds = array<i64: 40>, scalar_prefetch = 0 : i64, scratch_operands = 0 : i64, tpu.core_type = #tpu.core_type<tc>, window_params = [{transform_indices = @transform_0, window_bounds = array<i64: 256, 16>}, {transform_indices = @transform_1, window_bounds = array<i64: 256, 16>}, {transform_indices = @transform_2, window_bounds = array<i64: 256, 128>}, {transform_indices = @transform_3, window_bounds = array<i64: 256, 128>}, {transform_indices = @transform_4, window_bounds = array<i64: 256, 16>}, {transform_indices = @transform_5, window_bounds = array<i64: 256, 16>}, {transform_indices = @transform_6, window_bounds = array<i64: 256, 16>}, {transform_indices = @transform_7, window_bounds = array<i64: 256, 16>}, {transform_indices = @transform_8, window_bounds = array<i64: 256, 128>}, {transform_indices = @transform_9, window_bounds = array<i64: 256, 128>}]} {
    %get3A = arith.constant 0 : index
    %get3A_0 = arith.constant 0 : index
    %get3A_1 = vector.load %arg1[%get3A, %get3A_0] : memref<256x16xf32, #tpu.memory_space<vmem>>, vector<256x16xf32>
    %get3A_2 = arith.constant 0 : index
    %get3A_3 = arith.constant 0 : index
    %get3A_4 = vector.load %arg2[%get3A_2, %get3A_3] : memref<256x16xf32, #tpu.memory_space<vmem>>, vector<256x16xf32>
    %add3A = arith.addf %get3A_1, %get3A_4 : vector<256x16xf32>
    %slice3A = vector.extract_strided_slice %add3A {offsets = [0, 0], sizes = [256, 1], strides = [1, 1]} : vector<256x16xf32> to vector<256x1xf32>
    %max3A = arith.constant 1.000000e+00 : f32
    %max3A_5 = vector.broadcast %max3A : f32 to vector<256x1xf32>
    %max3A_6 = arith.maximumf %slice3A, %max3A_5 : vector<256x1xf32>
    %div3A = arith.constant 1.000000e+00 : f32
    %div3A_7 = vector.broadcast %div3A : f32 to vector<256x1xf32>
    %div3A_8 = arith.divf %div3A_7, %max3A_6 : vector<256x1xf32>
    %broadcast_in_dim3A = vector.shape_cast %div3A_8 : vector<256x1xf32> to vector<256x1xf32>
    %broadcast_in_dim3A_9 = vector.broadcast %broadcast_in_dim3A : vector<256x1xf32> to vector<256x16xf32>
    %swap3A = arith.constant 0 : index
    %swap3A_10 = arith.constant 0 : index
    %swap3A_11 = vector.load %arg5[%swap3A, %swap3A_10] : memref<256x16xf32, #tpu.memory_space<vmem>>, vector<256x16xf32>
    tpu.vector_store %arg5[%swap3A, %swap3A_10], %broadcast_in_dim3A_9 {strides = array<i32>} : memref<256x16xf32, #tpu.memory_space<vmem>>, vector<256x16xf32>,
    %slice3A_12 = vector.extract_strided_slice %add3A {offsets = [0, 1], sizes = [256, 1], strides = [1, 1]} : vector<256x16xf32> to vector<256x1xf32>
    %max3A_13 = arith.constant 1.000000e+00 : f32
    %max3A_14 = vector.broadcast %max3A_13 : f32 to vector<256x1xf32>
    %max3A_15 = arith.maximumf %slice3A_12, %max3A_14 : vector<256x1xf32>
    %div3A_16 = arith.constant 1.000000e+00 : f32
    %div3A_17 = vector.broadcast %div3A_16 : f32 to vector<256x1xf32>
    %div3A_18 = arith.divf %div3A_17, %max3A_15 : vector<256x1xf32>
    %broadcast_in_dim3A_19 = vector.shape_cast %div3A_18 : vector<256x1xf32> to vector<256x1xf32>
    %broadcast_in_dim3A_20 = vector.broadcast %broadcast_in_dim3A_19 : vector<256x1xf32> to vector<256x16xf32>
    %swap3A_21 = arith.constant 0 : index
    %swap3A_22 = arith.constant 0 : index
    %swap3A_23 = vector.load %arg6[%swap3A_21, %swap3A_22] : memref<256x16xf32, #tpu.memory_space<vmem>>, vector<256x16xf32>
    tpu.vector_store %arg6[%swap3A_21, %swap3A_22], %broadcast_in_dim3A_20 {strides = array<i32>} : memref<256x16xf32, #tpu.memory_space<vmem>>, vector<256x16xf32>,
    %slice3A_24 = vector.extract_strided_slice %add3A {offsets = [0, 2], sizes = [256, 1], strides = [1, 1]} : vector<256x16xf32> to vector<256x1xf32>
    %add3A_25 = arith.constant 1.000000e+00 : f32
    %add3A_26 = vector.broadcast %add3A_25 : f32 to vector<256x1xf32>
    %add3A_27 = arith.addf %slice3A_24, %add3A_26 : vector<256x1xf32>
    %rsqrt3A = math.rsqrt %add3A_27 : vector<256x1xf32>
    %slice3A_28 = vector.extract_strided_slice %add3A {offsets = [0, 3], sizes = [256, 1], strides = [1, 1]} : vector<256x16xf32> to vector<256x1xf32>
    %add3A_29 = arith.constant 1.000000e+00 : f32
    %add3A_30 = vector.broadcast %add3A_29 : f32 to vector<256x1xf32>
    %add3A_31 = arith.addf %slice3A_28, %add3A_30 : vector<256x1xf32>
    %rsqrt3A_32 = math.rsqrt %add3A_31 : vector<256x1xf32>
    %broadcast_in_dim3A_33 = vector.shape_cast %rsqrt3A : vector<256x1xf32> to vector<256x1xf32>
    %broadcast_in_dim3A_34 = vector.broadcast %broadcast_in_dim3A_33 : vector<256x1xf32> to vector<256x16xf32>
    %swap3A_35 = arith.constant 0 : index
    %swap3A_36 = arith.constant 0 : index
    %swap3A_37 = vector.load %arg7[%swap3A_35, %swap3A_36] : memref<256x16xf32, #tpu.memory_space<vmem>>, vector<256x16xf32>
    tpu.vector_store %arg7[%swap3A_35, %swap3A_36], %broadcast_in_dim3A_34 {strides = array<i32>} : memref<256x16xf32, #tpu.memory_space<vmem>>, vector<256x16xf32>,
    %broadcast_in_dim3A_38 = vector.shape_cast %rsqrt3A_32 : vector<256x1xf32> to vector<256x1xf32>
    %broadcast_in_dim3A_39 = vector.broadcast %broadcast_in_dim3A_38 : vector<256x1xf32> to vector<256x16xf32>
    %swap3A_40 = arith.constant 0 : index
    %swap3A_41 = arith.constant 0 : index
    %swap3A_42 = vector.load %arg8[%swap3A_40, %swap3A_41] : memref<256x16xf32, #tpu.memory_space<vmem>>, vector<256x16xf32>
    tpu.vector_store %arg8[%swap3A_40, %swap3A_41], %broadcast_in_dim3A_39 {strides = array<i32>} : memref<256x16xf32, #tpu.memory_space<vmem>>, vector<256x16xf32>,
    %get3A_43 = arith.constant 0 : index
    %get3A_44 = arith.constant 0 : index
    %get3A_45 = vector.load %arg3[%get3A_43, %get3A_44] : memref<256x128xf32, #tpu.memory_space<vmem>>, vector<256x128xf32>
    %mul3A = vector.broadcast %rsqrt3A : vector<256x1xf32> to vector<256x128xf32>
    %mul3A_46 = arith.mulf %get3A_45, %mul3A : vector<256x128xf32>
    %swap3A_47 = arith.constant 0 : index
    %swap3A_48 = arith.constant 0 : index
    %swap3A_49 = vector.load %arg9[%swap3A_47, %swap3A_48] : memref<256x128xf32, #tpu.memory_space<vmem>>, vector<256x128xf32>
    tpu.vector_store %arg9[%swap3A_47, %swap3A_48], %mul3A_46 {strides = array<i32>} : memref<256x128xf32, #tpu.memory_space<vmem>>, vector<256x128xf32>,
    %get3A_50 = arith.constant 0 : index
    %get3A_51 = arith.constant 0 : index
    %get3A_52 = vector.load %arg4[%get3A_50, %get3A_51] : memref<256x128xf32, #tpu.memory_space<vmem>>, vector<256x128xf32>
    %mul3A_53 = vector.broadcast %rsqrt3A_32 : vector<256x1xf32> to vector<256x128xf32>
    %mul3A_54 = arith.mulf %get3A_52, %mul3A_53 : vector<256x128xf32>
    %swap3A_55 = arith.constant 0 : index
    %swap3A_56 = arith.constant 0 : index
    %swap3A_57 = vector.load %arg10[%swap3A_55, %swap3A_56] : memref<256x128xf32, #tpu.memory_space<vmem>>, vector<256x128xf32>
    tpu.vector_store %arg10[%swap3A_55, %swap3A_56], %mul3A_54 {strides = array<i32>} : memref<256x128xf32, #tpu.memory_space<vmem>>, vector<256x128xf32>,
    return
  }
  func.func @transform_0(%arg0: i32) -> (i32, i32) {
    %c0_i32 = arith.constant 0 : i32
    %c0_i32_0 = arith.constant 0 : i32
    return %arg0, %c0_i32 : i32, i32
  }
  func.func @transform_1(%arg0: i32) -> (i32, i32) {
    %c0_i32 = arith.constant 0 : i32
    %c0_i32_0 = arith.constant 0 : i32
    return %arg0, %c0_i32 : i32, i32
  }
  func.func @transform_2(%arg0: i32) -> (i32, i32) {
    %c0_i32 = arith.constant 0 : i32
    %c0_i32_0 = arith.constant 0 : i32
    return %arg0, %c0_i32 : i32, i32
  }
  func.func @transform_3(%arg0: i32) -> (i32, i32) {
    %c0_i32 = arith.constant 0 : i32
    %c0_i32_0 = arith.constant 0 : i32
    return %arg0, %c0_i32 : i32, i32
  }
  func.func @transform_4(%arg0: i32) -> (i32, i32) {
    %c0_i32 = arith.constant 0 : i32
    %c0_i32_0 = arith.constant 0 : i32
    return %arg0, %c0_i32 : i32, i32
  }
  func.func @transform_5(%arg0: i32) -> (i32, i32) {
    %c0_i32 = arith.constant 0 : i32
    %c0_i32_0 = arith.constant 0 : i32
    return %arg0, %c0_i32 : i32, i32
  }
  func.func @transform_6(%arg0: i32) -> (i32, i32) {
    %c0_i32 = arith.constant 0 : i32
    %c0_i32_0 = arith.constant 0 : i32
    return %arg0, %c0_i32 : i32, i32
  }
  func.func @transform_7(%arg0: i32) -> (i32, i32) {
    %c0_i32 = arith.constant 0 : i32
    %c0_i32_0 = arith.constant 0 : i32
    return %arg0, %c0_i32 : i32, i32
  }
  func.func @transform_8(%arg0: i32) -> (i32, i32) {
    %c0_i32 = arith.constant 0 : i32
    %c0_i32_0 = arith.constant 0 : i32
    return %arg0, %c0_i32 : i32, i32
  }
  func.func @transform_9(%arg0: i32) -> (i32, i32) {
    %c0_i32 = arith.constant 0 : i32
    %c0_i32_0 = arith.constant 0 : i32
    return %arg0, %c0_i32 : i32, i32
  }
}

module attributes {stable_mosaic.version = 14 : i64} {
  func.func @_enew_body(%arg0: i32, %arg1: memref<256x128xf32, #tpu.memory_space<vmem>>, %arg2: memref<256x128xf32, #tpu.memory_space<vmem>>, %arg3: memref<256x128xf32, #tpu.memory_space<vmem>>, %arg4: memref<256x16xf32, #tpu.memory_space<vmem>>, %arg5: memref<256x16xf32, #tpu.memory_space<vmem>>, %arg6: memref<256x16xf32, #tpu.memory_space<vmem>>, %arg7: memref<128x1xf32, #tpu.memory_space<vmem>>, %arg8: memref<256x128xf32, #tpu.memory_space<vmem>>, %arg9: memref<256x16xf32, #tpu.memory_space<vmem>>) attributes {dimension_semantics = [#tpu.dimension_semantics<arbitrary>], iteration_bounds = array<i64: 40>, scalar_prefetch = 0 : i64, scratch_operands = 0 : i64, tpu.core_type = #tpu.core_type<tc>, window_params = [{transform_indices = @transform_0, window_bounds = array<i64: 256, 128>}, {transform_indices = @transform_1, window_bounds = array<i64: 256, 128>}, {transform_indices = @transform_2, window_bounds = array<i64: 256, 128>}, {transform_indices = @transform_3, window_bounds = array<i64: 256, 16>}, {transform_indices = @transform_4, window_bounds = array<i64: 256, 16>}, {transform_indices = @transform_5, window_bounds = array<i64: 256, 16>}, {pipeline_mode = #tpu.pipeline_mode<synchronous>, transform_indices = @transform_6, window_bounds = array<i64: 128, 1>}, {transform_indices = @transform_7, window_bounds = array<i64: 256, 128>}, {transform_indices = @transform_8, window_bounds = array<i64: 256, 16>}]} {
    %get3A = arith.constant 0 : index
    %get3A_0 = arith.constant 0 : index
    %get3A_1 = vector.load %arg1[%get3A, %get3A_0] : memref<256x128xf32, #tpu.memory_space<vmem>>, vector<256x128xf32>
    %get3A_2 = arith.constant 0 : index
    %get3A_3 = arith.constant 0 : index
    %get3A_4 = vector.load %arg2[%get3A_2, %get3A_3] : memref<256x128xf32, #tpu.memory_space<vmem>>, vector<256x128xf32>
    %get3A_5 = arith.constant 0 : index
    %get3A_6 = arith.constant 0 : index
    %get3A_7 = vector.load %arg3[%get3A_5, %get3A_6] : memref<256x128xf32, #tpu.memory_space<vmem>>, vector<256x128xf32>
    %add3A = arith.addf %get3A_4, %get3A_7 : vector<256x128xf32>
    %get3A_8 = arith.constant 0 : index
    %get3A_9 = arith.constant 0 : index
    %get3A_10 = vector.load %arg6[%get3A_8, %get3A_9] : memref<256x16xf32, #tpu.memory_space<vmem>>, vector<256x1xf32>
    %mul3A = vector.broadcast %get3A_10 : vector<256x1xf32> to vector<256x128xf32>
    %mul3A_11 = arith.mulf %add3A, %mul3A : vector<256x128xf32>
    %add3A_12 = arith.addf %get3A_1, %mul3A_11 : vector<256x128xf32>
    %swap3A = arith.constant 0 : index
    %swap3A_13 = arith.constant 0 : index
    %swap3A_14 = vector.load %arg8[%swap3A, %swap3A_13] : memref<256x128xf32, #tpu.memory_space<vmem>>, vector<256x128xf32>
    tpu.vector_store %arg8[%swap3A, %swap3A_13], %add3A_12 {strides = array<i32>} : memref<256x128xf32, #tpu.memory_space<vmem>>, vector<256x128xf32>,
    %get3A_15 = arith.constant 0 : index
    %get3A_16 = arith.constant 0 : index
    %get3A_17 = vector.load %arg4[%get3A_15, %get3A_16] : memref<256x16xf32, #tpu.memory_space<vmem>>, vector<256x16xf32>
    %get3A_18 = arith.constant 0 : index
    %get3A_19 = arith.constant 0 : index
    %get3A_20 = vector.load %arg5[%get3A_18, %get3A_19] : memref<256x16xf32, #tpu.memory_space<vmem>>, vector<256x16xf32>
    %add3A_21 = arith.addf %get3A_17, %get3A_20 : vector<256x16xf32>
    %get3A_22 = arith.constant 0 : index
    %get3A_23 = arith.constant 0 : index
    %get3A_24 = vector.load %arg6[%get3A_22, %get3A_23] : memref<256x16xf32, #tpu.memory_space<vmem>>, vector<256x16xf32>
    %mul3A_25 = arith.mulf %add3A_21, %get3A_24 : vector<256x16xf32>
    %get3A_26 = arith.constant 0 : index
    %get3A_27 = arith.constant 0 : index
    %get3A_28 = vector.load %arg7[%get3A_26, %get3A_27] : memref<128x1xf32, #tpu.memory_space<vmem>>, vector<128x1xf32>
    %dot_general3A = arith.constant dense<0.000000e+00> : vector<256x1xf32>
    %dot_general3A_29 = tpu.matmul %add3A_12, %get3A_28, %dot_general3A {dimension_numbers = #tpu.dot_dimension_numbers<[1], [0], [0], [1], [0, 0, 1, 1], [], []>, transpose_lhs_hint = false} : vector<256x128xf32>, vector<128x1xf32>, vector<256x1xf32> -> vector<256x1xf32>
    %iota3A = tpu.iota {dimensions = array<i32: 1>} : vector<256x16xi32>
    %eq3A = arith.constant 0 : i32
    %eq3A_30 = vector.broadcast %eq3A : i32 to vector<256x16xi32>
    %eq3A_31 = arith.cmpi eq, %iota3A, %eq3A_30 : vector<256x16xi32>
    %ge3A = arith.constant 4 : i32
    %ge3A_32 = vector.broadcast %ge3A : i32 to vector<256x16xi32>
    %ge3A_33 = arith.cmpi sge, %iota3A, %ge3A_32 : vector<256x16xi32>
    %lt3A = arith.constant 7 : i32
    %lt3A_34 = vector.broadcast %lt3A : i32 to vector<256x16xi32>
    %lt3A_35 = arith.cmpi slt, %iota3A, %lt3A_34 : vector<256x16xi32>
    %and3A = arith.andi %ge3A_33, %lt3A_35 : vector<256x16xi1>
    %mul3A_36 = vector.broadcast %dot_general3A_29 : vector<256x1xf32> to vector<256x16xf32>
    %mul3A_37 = arith.mulf %mul3A_25, %mul3A_36 : vector<256x16xf32>
    %jit3A = arith.constant 0.000000e+00 : f32
    %broadcast_in_dim3A = vector.broadcast %jit3A : f32 to vector<256x16xf32>
    %select_n3A = arith.select %and3A, %mul3A_37, %broadcast_in_dim3A : vector<256x16xi1>, vector<256x16xf32>
    %broadcast_in_dim3A_38 = vector.shape_cast %dot_general3A_29 : vector<256x1xf32> to vector<256x1xf32>
    %broadcast_in_dim3A_39 = vector.broadcast %broadcast_in_dim3A_38 : vector<256x1xf32> to vector<256x16xf32>
    %select_n3A_40 = arith.select %eq3A_31, %broadcast_in_dim3A_39, %select_n3A : vector<256x16xi1>, vector<256x16xf32>
    %swap3A_41 = arith.constant 0 : index
    %swap3A_42 = arith.constant 0 : index
    %swap3A_43 = vector.load %arg9[%swap3A_41, %swap3A_42] : memref<256x16xf32, #tpu.memory_space<vmem>>, vector<256x16xf32>
    tpu.vector_store %arg9[%swap3A_41, %swap3A_42], %select_n3A_40 {strides = array<i32>} : memref<256x16xf32, #tpu.memory_space<vmem>>, vector<256x16xf32>,
    return
  }
  func.func @transform_0(%arg0: i32) -> (i32, i32) {
    %c0_i32 = arith.constant 0 : i32
    %c0_i32_0 = arith.constant 0 : i32
    return %arg0, %c0_i32 : i32, i32
  }
  func.func @transform_1(%arg0: i32) -> (i32, i32) {
    %c0_i32 = arith.constant 0 : i32
    %c0_i32_0 = arith.constant 0 : i32
    return %arg0, %c0_i32 : i32, i32
  }
  func.func @transform_2(%arg0: i32) -> (i32, i32) {
    %c0_i32 = arith.constant 0 : i32
    %c0_i32_0 = arith.constant 0 : i32
    return %arg0, %c0_i32 : i32, i32
  }
  func.func @transform_3(%arg0: i32) -> (i32, i32) {
    %c0_i32 = arith.constant 0 : i32
    %c0_i32_0 = arith.constant 0 : i32
    return %arg0, %c0_i32 : i32, i32
  }
  func.func @transform_4(%arg0: i32) -> (i32, i32) {
    %c0_i32 = arith.constant 0 : i32
    %c0_i32_0 = arith.constant 0 : i32
    return %arg0, %c0_i32 : i32, i32
  }
  func.func @transform_5(%arg0: i32) -> (i32, i32) {
    %c0_i32 = arith.constant 0 : i32
    %c0_i32_0 = arith.constant 0 : i32
    return %arg0, %c0_i32 : i32, i32
  }
  func.func @transform_6(%arg0: i32) -> (i32, i32) {
    %c0_i32 = arith.constant 0 : i32
    %c0_i32_0 = arith.constant 0 : i32
    %c0_i32_1 = arith.constant 0 : i32
    return %c0_i32, %c0_i32_0 : i32, i32
  }
  func.func @transform_7(%arg0: i32) -> (i32, i32) {
    %c0_i32 = arith.constant 0 : i32
    %c0_i32_0 = arith.constant 0 : i32
    return %arg0, %c0_i32 : i32, i32
  }
  func.func @transform_8(%arg0: i32) -> (i32, i32) {
    %c0_i32 = arith.constant 0 : i32
    %c0_i32_0 = arith.constant 0 : i32
    return %arg0, %c0_i32 : i32, i32
  }
}

module attributes {stable_mosaic.version = 14 : i64} {
  func.func @_post_body(%arg0: i32, %arg1: memref<200x128xf32, #tpu.memory_space<vmem>>, %arg2: memref<200x128xf32, #tpu.memory_space<vmem>>, %arg3: memref<200x128xf32, #tpu.memory_space<vmem>>, %arg4: memref<200x128xf32, #tpu.memory_space<vmem>>, %arg5: memref<200x16xf32, #tpu.memory_space<vmem>>, %arg6: memref<200x16xf32, #tpu.memory_space<vmem>>, %arg7: memref<200x16xf32, #tpu.memory_space<vmem>>, %arg8: memref<200x16xf32, #tpu.memory_space<vmem>>, %arg9: memref<200x128xf32, #tpu.memory_space<vmem>>, %arg10: memref<200x128xf32, #tpu.memory_space<vmem>>, %arg11: memref<1x128xf32, #tpu.memory_space<vmem>>, %arg12: memref<1x128xf32, #tpu.memory_space<vmem>>, %arg13: memref<200x128xf32, #tpu.memory_space<vmem>>, %arg14: memref<200x128xf32, #tpu.memory_space<vmem>>, %arg15: memref<200x128xf32, #tpu.memory_space<vmem>>, %arg16: memref<200x16xf32, #tpu.memory_space<vmem>>) attributes {dimension_semantics = [#tpu.dimension_semantics<arbitrary>], iteration_bounds = array<i64: 50>, scalar_prefetch = 0 : i64, scratch_operands = 0 : i64, tpu.core_type = #tpu.core_type<tc>, window_params = [{transform_indices = @transform_0, window_bounds = array<i64: 200, 128>}, {transform_indices = @transform_1, window_bounds = array<i64: 200, 128>}, {transform_indices = @transform_2, window_bounds = array<i64: 200, 128>}, {transform_indices = @transform_3, window_bounds = array<i64: 200, 128>}, {transform_indices = @transform_4, window_bounds = array<i64: 200, 16>}, {transform_indices = @transform_5, window_bounds = array<i64: 200, 16>}, {transform_indices = @transform_6, window_bounds = array<i64: 200, 16>}, {transform_indices = @transform_7, window_bounds = array<i64: 200, 16>}, {transform_indices = @transform_8, window_bounds = array<i64: 200, 128>}, {transform_indices = @transform_9, window_bounds = array<i64: 200, 128>}, {pipeline_mode = #tpu.pipeline_mode<synchronous>, transform_indices = @transform_10, window_bounds = array<i64: 1, 128>}, {pipeline_mode = #tpu.pipeline_mode<synchronous>, transform_indices = @transform_11, window_bounds = array<i64: 1, 128>}, {transform_indices = @transform_12, window_bounds = array<i64: 200, 128>}, {transform_indices = @transform_13, window_bounds = array<i64: 200, 128>}, {transform_indices = @transform_14, window_bounds = array<i64: 200, 128>}, {transform_indices = @transform_15, window_bounds = array<i64: 200, 16>}]} {
    %get3A = arith.constant 0 : index
    %get3A_0 = arith.constant 0 : index
    %get3A_1 = vector.load %arg2[%get3A, %get3A_0] : memref<200x128xf32, #tpu.memory_space<vmem>>, vector<200x128xf32>
    %get3A_2 = arith.constant 0 : index
    %get3A_3 = arith.constant 0 : index
    %get3A_4 = vector.load %arg3[%get3A_2, %get3A_3] : memref<200x128xf32, #tpu.memory_space<vmem>>, vector<200x128xf32>
    %get3A_5 = arith.constant 0 : index
    %get3A_6 = arith.constant 0 : index
    %get3A_7 = vector.load %arg4[%get3A_5, %get3A_6] : memref<200x128xf32, #tpu.memory_space<vmem>>, vector<200x128xf32>
    %add3A = arith.addf %get3A_4, %get3A_7 : vector<200x128xf32>
    %get3A_8 = arith.constant 0 : index
    %get3A_9 = arith.constant 0 : index
    %get3A_10 = vector.load %arg7[%get3A_8, %get3A_9] : memref<200x16xf32, #tpu.memory_space<vmem>>, vector<200x1xf32>
    %mul3A = vector.broadcast %get3A_10 : vector<200x1xf32> to vector<200x128xf32>
    %mul3A_11 = arith.mulf %add3A, %mul3A : vector<200x128xf32>
    %add3A_12 = arith.addf %get3A_1, %mul3A_11 : vector<200x128xf32>
    %swap3A = arith.constant 0 : index
    %swap3A_13 = arith.constant 0 : index
    %swap3A_14 = vector.load %arg13[%swap3A, %swap3A_13] : memref<200x128xf32, #tpu.memory_space<vmem>>, vector<200x128xf32>
    tpu.vector_store %arg13[%swap3A, %swap3A_13], %add3A_12 {strides = array<i32>} : memref<200x128xf32, #tpu.memory_space<vmem>>, vector<200x128xf32>,
    %get3A_15 = arith.constant 0 : index
    %get3A_16 = arith.constant 0 : index
    %get3A_17 = vector.load %arg5[%get3A_15, %get3A_16] : memref<200x16xf32, #tpu.memory_space<vmem>>, vector<200x16xf32>
    %get3A_18 = arith.constant 0 : index
    %get3A_19 = arith.constant 0 : index
    %get3A_20 = vector.load %arg6[%get3A_18, %get3A_19] : memref<200x16xf32, #tpu.memory_space<vmem>>, vector<200x16xf32>
    %add3A_21 = arith.addf %get3A_17, %get3A_20 : vector<200x16xf32>
    %get3A_22 = arith.constant 0 : index
    %get3A_23 = arith.constant 0 : index
    %get3A_24 = vector.load %arg7[%get3A_22, %get3A_23] : memref<200x16xf32, #tpu.memory_space<vmem>>, vector<200x16xf32>
    %mul3A_25 = arith.mulf %add3A_21, %get3A_24 : vector<200x16xf32>
    %get3A_26 = arith.constant 0 : index
    %get3A_27 = arith.constant 0 : index
    %get3A_28 = vector.load %arg8[%get3A_26, %get3A_27] : memref<200x16xf32, #tpu.memory_space<vmem>>, vector<200x16xf32>
    %slice3A = vector.extract_strided_slice %mul3A_25 {offsets = [0, 0], sizes = [200, 1], strides = [1, 1]} : vector<200x16xf32> to vector<200x1xf32>
    %add3A_29 = arith.constant 1.000000e+00 : f32
    %add3A_30 = vector.broadcast %add3A_29 : f32 to vector<200x1xf32>
    %add3A_31 = arith.addf %add3A_30, %slice3A : vector<200x1xf32>
    %mul3A_32 = vector.broadcast %add3A_31 : vector<200x1xf32> to vector<200x16xf32>
    %mul3A_33 = arith.mulf %get3A_28, %mul3A_32 : vector<200x16xf32>
    %sub3A = arith.subf %mul3A_33, %mul3A_25 : vector<200x16xf32>
    %swap3A_34 = arith.constant 0 : index
    %swap3A_35 = arith.constant 0 : index
    %swap3A_36 = vector.load %arg16[%swap3A_34, %swap3A_35] : memref<200x16xf32, #tpu.memory_space<vmem>>, vector<200x16xf32>
    tpu.vector_store %arg16[%swap3A_34, %swap3A_35], %sub3A {strides = array<i32>} : memref<200x16xf32, #tpu.memory_space<vmem>>, vector<200x16xf32>,
    %reduce_sum3A = arith.constant dense<0.000000e+00> : vector<200xf32>
    %reduce_sum3A_37 = vector.multi_reduction <add>, %add3A_12, %reduce_sum3A [1] : vector<200x128xf32> to vector<200xf32>
    %broadcast_in_dim3A = vector.shape_cast %reduce_sum3A_37 : vector<200xf32> to vector<200x1xf32>
    %div3A = arith.constant 1.280000e+02 : f32
    %div3A_38 = vector.broadcast %div3A : f32 to vector<200x1xf32>
    %div3A_39 = arith.divf %broadcast_in_dim3A, %div3A_38 : vector<200x1xf32>
    %sub3A_40 = vector.broadcast %div3A_39 : vector<200x1xf32> to vector<200x128xf32>
    %sub3A_41 = arith.subf %add3A_12, %sub3A_40 : vector<200x128xf32>
    %mul3A_42 = arith.mulf %sub3A_41, %sub3A_41 : vector<200x128xf32>
    %reduce_sum3A_43 = arith.constant dense<0.000000e+00> : vector<200xf32>
    %reduce_sum3A_44 = vector.multi_reduction <add>, %mul3A_42, %reduce_sum3A_43 [1] : vector<200x128xf32> to vector<200xf32>
    %broadcast_in_dim3A_45 = vector.shape_cast %reduce_sum3A_44 : vector<200xf32> to vector<200x1xf32>
    %div3A_46 = arith.constant 1.280000e+02 : f32
    %div3A_47 = vector.broadcast %div3A_46 : f32 to vector<200x1xf32>
    %div3A_48 = arith.divf %broadcast_in_dim3A_45, %div3A_47 : vector<200x1xf32>
    %add3A_49 = arith.constant 9.99999974E-6 : f32
    %add3A_50 = vector.broadcast %add3A_49 : f32 to vector<200x1xf32>
    %add3A_51 = arith.addf %div3A_48, %add3A_50 : vector<200x1xf32>
    %rsqrt3A = math.rsqrt %add3A_51 : vector<200x1xf32>
    %mul3A_52 = vector.broadcast %rsqrt3A : vector<200x1xf32> to vector<200x128xf32>
    %mul3A_53 = arith.mulf %sub3A_41, %mul3A_52 : vector<200x128xf32>
    %get3A_54 = arith.constant 0 : index
    %get3A_55 = arith.constant 0 : index
    %get3A_56 = vector.load %arg11[%get3A_54, %get3A_55] : memref<1x128xf32, #tpu.memory_space<vmem>>, vector<1x128xf32>
    %mul3A_57 = vector.broadcast %get3A_56 : vector<1x128xf32> to vector<200x128xf32>
    %mul3A_58 = arith.mulf %mul3A_53, %mul3A_57 : vector<200x128xf32>
    %get3A_59 = arith.constant 0 : index
    %get3A_60 = arith.constant 0 : index
    %get3A_61 = vector.load %arg12[%get3A_59, %get3A_60] : memref<1x128xf32, #tpu.memory_space<vmem>>, vector<1x128xf32>
    %add3A_62 = vector.broadcast %get3A_61 : vector<1x128xf32> to vector<200x128xf32>
    %add3A_63 = arith.addf %mul3A_58, %add3A_62 : vector<200x128xf32>
    %mul3A_64 = arith.constant 5.000000e-01 : f32
    %mul3A_65 = vector.broadcast %mul3A_64 : f32 to vector<200x128xf32>
    %mul3A_66 = arith.mulf %mul3A_65, %add3A_63 : vector<200x128xf32>
    %mul3A_67 = arith.constant 0.707106769 : f32
    %mul3A_68 = vector.broadcast %mul3A_67 : f32 to vector<200x128xf32>
    %mul3A_69 = arith.mulf %add3A_63, %mul3A_68 : vector<200x128xf32>
    %erf3A = math.erf %mul3A_69 : vector<200x128xf32>
    %add3A_70 = arith.constant 1.000000e+00 : f32
    %add3A_71 = vector.broadcast %add3A_70 : f32 to vector<200x128xf32>
    %add3A_72 = arith.addf %add3A_71, %erf3A : vector<200x128xf32>
    %mul3A_73 = arith.mulf %mul3A_66, %add3A_72 : vector<200x128xf32>
    %get3A_74 = arith.constant 0 : index
    %get3A_75 = arith.constant 0 : index
    %get3A_76 = vector.load %arg1[%get3A_74, %get3A_75] : memref<200x128xf32, #tpu.memory_space<vmem>>, vector<200x128xf32>
    %add3A_77 = arith.addf %mul3A_73, %get3A_76 : vector<200x128xf32>
    %swap3A_78 = arith.constant 0 : index
    %swap3A_79 = arith.constant 0 : index
    %swap3A_80 = vector.load %arg14[%swap3A_78, %swap3A_79] : memref<200x128xf32, #tpu.memory_space<vmem>>, vector<200x128xf32>
    tpu.vector_store %arg14[%swap3A_78, %swap3A_79], %add3A_77 {strides = array<i32>} : memref<200x128xf32, #tpu.memory_space<vmem>>, vector<200x128xf32>,
    %get3A_81 = arith.constant 0 : index
    %get3A_82 = arith.constant 0 : index
    %get3A_83 = vector.load %arg9[%get3A_81, %get3A_82] : memref<200x128xf32, #tpu.memory_space<vmem>>, vector<200x128xf32>
    %reduce_sum3A_84 = arith.constant dense<0.000000e+00> : vector<200xf32>
    %reduce_sum3A_85 = vector.multi_reduction <add>, %get3A_83, %reduce_sum3A_84 [1] : vector<200x128xf32> to vector<200xf32>
    %broadcast_in_dim3A_86 = vector.shape_cast %reduce_sum3A_85 : vector<200xf32> to vector<200x1xf32>
    %div3A_87 = arith.constant 1.280000e+02 : f32
    %div3A_88 = vector.broadcast %div3A_87 : f32 to vector<200x1xf32>
    %div3A_89 = arith.divf %broadcast_in_dim3A_86, %div3A_88 : vector<200x1xf32>
    %sub3A_90 = vector.broadcast %div3A_89 : vector<200x1xf32> to vector<200x128xf32>
    %sub3A_91 = arith.subf %get3A_83, %sub3A_90 : vector<200x128xf32>
    %mul3A_92 = arith.mulf %sub3A_91, %sub3A_91 : vector<200x128xf32>
    %reduce_sum3A_93 = arith.constant dense<0.000000e+00> : vector<200xf32>
    %reduce_sum3A_94 = vector.multi_reduction <add>, %mul3A_92, %reduce_sum3A_93 [1] : vector<200x128xf32> to vector<200xf32>
    %broadcast_in_dim3A_95 = vector.shape_cast %reduce_sum3A_94 : vector<200xf32> to vector<200x1xf32>
    %div3A_96 = arith.constant 1.280000e+02 : f32
    %div3A_97 = vector.broadcast %div3A_96 : f32 to vector<200x1xf32>
    %div3A_98 = arith.divf %broadcast_in_dim3A_95, %div3A_97 : vector<200x1xf32>
    %add3A_99 = arith.constant 9.99999974E-6 : f32
    %add3A_100 = vector.broadcast %add3A_99 : f32 to vector<200x1xf32>
    %add3A_101 = arith.addf %div3A_98, %add3A_100 : vector<200x1xf32>
    %rsqrt3A_102 = math.rsqrt %add3A_101 : vector<200x1xf32>
    %mul3A_103 = vector.broadcast %rsqrt3A_102 : vector<200x1xf32> to vector<200x128xf32>
    %mul3A_104 = arith.mulf %sub3A_91, %mul3A_103 : vector<200x128xf32>
    %get3A_105 = arith.constant 0 : index
    %get3A_106 = arith.constant 0 : index
    %get3A_107 = vector.load %arg11[%get3A_105, %get3A_106] : memref<1x128xf32, #tpu.memory_space<vmem>>, vector<1x128xf32>
    %mul3A_108 = vector.broadcast %get3A_107 : vector<1x128xf32> to vector<200x128xf32>
    %mul3A_109 = arith.mulf %mul3A_104, %mul3A_108 : vector<200x128xf32>
    %get3A_110 = arith.constant 0 : index
    %get3A_111 = arith.constant 0 : index
    %get3A_112 = vector.load %arg12[%get3A_110, %get3A_111] : memref<1x128xf32, #tpu.memory_space<vmem>>, vector<1x128xf32>
    %add3A_113 = vector.broadcast %get3A_112 : vector<1x128xf32> to vector<200x128xf32>
    %add3A_114 = arith.addf %mul3A_109, %add3A_113 : vector<200x128xf32>
    %mul3A_115 = arith.constant 5.000000e-01 : f32
    %mul3A_116 = vector.broadcast %mul3A_115 : f32 to vector<200x128xf32>
    %mul3A_117 = arith.mulf %mul3A_116, %add3A_114 : vector<200x128xf32>
    %mul3A_118 = arith.constant 0.707106769 : f32
    %mul3A_119 = vector.broadcast %mul3A_118 : f32 to vector<200x128xf32>
    %mul3A_120 = arith.mulf %add3A_114, %mul3A_119 : vector<200x128xf32>
    %erf3A_121 = math.erf %mul3A_120 : vector<200x128xf32>
    %add3A_122 = arith.constant 1.000000e+00 : f32
    %add3A_123 = vector.broadcast %add3A_122 : f32 to vector<200x128xf32>
    %add3A_124 = arith.addf %add3A_123, %erf3A_121 : vector<200x128xf32>
    %mul3A_125 = arith.mulf %mul3A_117, %add3A_124 : vector<200x128xf32>
    %get3A_126 = arith.constant 0 : index
    %get3A_127 = arith.constant 0 : index
    %get3A_128 = vector.load %arg10[%get3A_126, %get3A_127] : memref<200x128xf32, #tpu.memory_space<vmem>>, vector<200x128xf32>
    %add3A_129 = arith.addf %mul3A_125, %get3A_128 : vector<200x128xf32>
    %swap3A_130 = arith.constant 0 : index
    %swap3A_131 = arith.constant 0 : index
    %swap3A_132 = vector.load %arg15[%swap3A_130, %swap3A_131] : memref<200x128xf32, #tpu.memory_space<vmem>>, vector<200x128xf32>
    tpu.vector_store %arg15[%swap3A_130, %swap3A_131], %add3A_129 {strides = array<i32>} : memref<200x128xf32, #tpu.memory_space<vmem>>, vector<200x128xf32>,
    return
  }
  func.func @transform_0(%arg0: i32) -> (i32, i32) {
    %c0_i32 = arith.constant 0 : i32
    %c0_i32_0 = arith.constant 0 : i32
    return %arg0, %c0_i32 : i32, i32
  }
  func.func @transform_1(%arg0: i32) -> (i32, i32) {
    %c0_i32 = arith.constant 0 : i32
    %c0_i32_0 = arith.constant 0 : i32
    return %arg0, %c0_i32 : i32, i32
  }
  func.func @transform_2(%arg0: i32) -> (i32, i32) {
    %c0_i32 = arith.constant 0 : i32
    %c0_i32_0 = arith.constant 0 : i32
    return %arg0, %c0_i32 : i32, i32
  }
  func.func @transform_3(%arg0: i32) -> (i32, i32) {
    %c0_i32 = arith.constant 0 : i32
    %c0_i32_0 = arith.constant 0 : i32
    return %arg0, %c0_i32 : i32, i32
  }
  func.func @transform_4(%arg0: i32) -> (i32, i32) {
    %c0_i32 = arith.constant 0 : i32
    %c0_i32_0 = arith.constant 0 : i32
    return %arg0, %c0_i32 : i32, i32
  }
  func.func @transform_5(%arg0: i32) -> (i32, i32) {
    %c0_i32 = arith.constant 0 : i32
    %c0_i32_0 = arith.constant 0 : i32
    return %arg0, %c0_i32 : i32, i32
  }
  func.func @transform_6(%arg0: i32) -> (i32, i32) {
    %c0_i32 = arith.constant 0 : i32
    %c0_i32_0 = arith.constant 0 : i32
    return %arg0, %c0_i32 : i32, i32
  }
  func.func @transform_7(%arg0: i32) -> (i32, i32) {
    %c0_i32 = arith.constant 0 : i32
    %c0_i32_0 = arith.constant 0 : i32
    return %arg0, %c0_i32 : i32, i32
  }
  func.func @transform_8(%arg0: i32) -> (i32, i32) {
    %c0_i32 = arith.constant 0 : i32
    %c0_i32_0 = arith.constant 0 : i32
    return %arg0, %c0_i32 : i32, i32
  }
  func.func @transform_9(%arg0: i32) -> (i32, i32) {
    %c0_i32 = arith.constant 0 : i32
    %c0_i32_0 = arith.constant 0 : i32
    return %arg0, %c0_i32 : i32, i32
  }
  func.func @transform_10(%arg0: i32) -> (i32, i32) {
    %c0_i32 = arith.constant 0 : i32
    %c0_i32_0 = arith.constant 0 : i32
    %c0_i32_1 = arith.constant 0 : i32
    return %c0_i32, %c0_i32_0 : i32, i32
  }
  func.func @transform_11(%arg0: i32) -> (i32, i32) {
    %c0_i32 = arith.constant 0 : i32
    %c0_i32_0 = arith.constant 0 : i32
    %c0_i32_1 = arith.constant 0 : i32
    return %c0_i32, %c0_i32_0 : i32, i32
  }
  func.func @transform_12(%arg0: i32) -> (i32, i32) {
    %c0_i32 = arith.constant 0 : i32
    %c0_i32_0 = arith.constant 0 : i32
    return %arg0, %c0_i32 : i32, i32
  }
  func.func @transform_13(%arg0: i32) -> (i32, i32) {
    %c0_i32 = arith.constant 0 : i32
    %c0_i32_0 = arith.constant 0 : i32
    return %arg0, %c0_i32 : i32, i32
  }
  func.func @transform_14(%arg0: i32) -> (i32, i32) {
    %c0_i32 = arith.constant 0 : i32
    %c0_i32_0 = arith.constant 0 : i32
    return %arg0, %c0_i32 : i32, i32
  }
  func.func @transform_15(%arg0: i32) -> (i32, i32) {
    %c0_i32 = arith.constant 0 : i32
    %c0_i32_0 = arith.constant 0 : i32
    return %arg0, %c0_i32 : i32, i32
  }
}

module attributes {stable_mosaic.version = 14 : i64} {
  func.func @_imp_body(%arg0: i32, %arg1: memref<256x128xf32, #tpu.memory_space<vmem>>, %arg2: memref<256x128xf32, #tpu.memory_space<vmem>>, %arg3: memref<256x128xf32, #tpu.memory_space<vmem>>, %arg4: memref<256x128xf32, #tpu.memory_space<vmem>>, %arg5: memref<256x16xf32, #tpu.memory_space<vmem>>, %arg6: memref<256x16xf32, #tpu.memory_space<vmem>>, %arg7: memref<1x128xf32, #tpu.memory_space<vmem>>, %arg8: memref<1x128xf32, #tpu.memory_space<vmem>>, %arg9: memref<256x128xf32, #tpu.memory_space<vmem>>, %arg10: memref<256x128xf32, #tpu.memory_space<vmem>>) attributes {dimension_semantics = [#tpu.dimension_semantics<arbitrary>], iteration_bounds = array<i64: 40>, scalar_prefetch = 0 : i64, scratch_operands = 0 : i64, tpu.core_type = #tpu.core_type<tc>, window_params = [{transform_indices = @transform_0, window_bounds = array<i64: 256, 128>}, {transform_indices = @transform_1, window_bounds = array<i64: 256, 128>}, {transform_indices = @transform_2, window_bounds = array<i64: 256, 128>}, {transform_indices = @transform_3, window_bounds = array<i64: 256, 128>}, {transform_indices = @transform_4, window_bounds = array<i64: 256, 16>}, {transform_indices = @transform_5, window_bounds = array<i64: 256, 16>}, {pipeline_mode = #tpu.pipeline_mode<synchronous>, transform_indices = @transform_6, window_bounds = array<i64: 1, 128>}, {pipeline_mode = #tpu.pipeline_mode<synchronous>, transform_indices = @transform_7, window_bounds = array<i64: 1, 128>}, {transform_indices = @transform_8, window_bounds = array<i64: 256, 128>}, {transform_indices = @transform_9, window_bounds = array<i64: 256, 128>}]} {
    %get3A = arith.constant 0 : index
    %get3A_0 = arith.constant 0 : index
    %get3A_1 = vector.load %arg1[%get3A, %get3A_0] : memref<256x128xf32, #tpu.memory_space<vmem>>, vector<256x128xf32>
    %get3A_2 = arith.constant 0 : index
    %get3A_3 = arith.constant 0 : index
    %get3A_4 = vector.load %arg3[%get3A_2, %get3A_3] : memref<256x128xf32, #tpu.memory_space<vmem>>, vector<256x128xf32>
    %add3A = arith.addf %get3A_1, %get3A_4 : vector<256x128xf32>
    %get3A_5 = arith.constant 0 : index
    %get3A_6 = arith.constant 0 : index
    %get3A_7 = vector.load %arg5[%get3A_5, %get3A_6] : memref<256x16xf32, #tpu.memory_space<vmem>>, vector<256x1xf32>
    %mul3A = vector.broadcast %get3A_7 : vector<256x1xf32> to vector<256x128xf32>
    %mul3A_8 = arith.mulf %add3A, %mul3A : vector<256x128xf32>
    %get3A_9 = arith.constant 0 : index
    %get3A_10 = arith.constant 0 : index
    %get3A_11 = vector.load %arg7[%get3A_9, %get3A_10] : memref<1x128xf32, #tpu.memory_space<vmem>>, vector<1x128xf32>
    %add3A_12 = vector.broadcast %get3A_11 : vector<1x128xf32> to vector<256x128xf32>
    %add3A_13 = arith.addf %mul3A_8, %add3A_12 : vector<256x128xf32>
    %swap3A = arith.constant 0 : index
    %swap3A_14 = arith.constant 0 : index
    %swap3A_15 = vector.load %arg9[%swap3A, %swap3A_14] : memref<256x128xf32, #tpu.memory_space<vmem>>, vector<256x128xf32>
    tpu.vector_store %arg9[%swap3A, %swap3A_14], %add3A_13 {strides = array<i32>} : memref<256x128xf32, #tpu.memory_space<vmem>>, vector<256x128xf32>,
    %get3A_16 = arith.constant 0 : index
    %get3A_17 = arith.constant 0 : index
    %get3A_18 = vector.load %arg2[%get3A_16, %get3A_17] : memref<256x128xf32, #tpu.memory_space<vmem>>, vector<256x128xf32>
    %get3A_19 = arith.constant 0 : index
    %get3A_20 = arith.constant 0 : index
    %get3A_21 = vector.load %arg4[%get3A_19, %get3A_20] : memref<256x128xf32, #tpu.memory_space<vmem>>, vector<256x128xf32>
    %add3A_22 = arith.addf %get3A_18, %get3A_21 : vector<256x128xf32>
    %get3A_23 = arith.constant 0 : index
    %get3A_24 = arith.constant 0 : index
    %get3A_25 = vector.load %arg6[%get3A_23, %get3A_24] : memref<256x16xf32, #tpu.memory_space<vmem>>, vector<256x1xf32>
    %mul3A_26 = vector.broadcast %get3A_25 : vector<256x1xf32> to vector<256x128xf32>
    %mul3A_27 = arith.mulf %add3A_22, %mul3A_26 : vector<256x128xf32>
    %get3A_28 = arith.constant 0 : index
    %get3A_29 = arith.constant 0 : index
    %get3A_30 = vector.load %arg8[%get3A_28, %get3A_29] : memref<1x128xf32, #tpu.memory_space<vmem>>, vector<1x128xf32>
    %add3A_31 = vector.broadcast %get3A_30 : vector<1x128xf32> to vector<256x128xf32>
    %add3A_32 = arith.addf %mul3A_27, %add3A_31 : vector<256x128xf32>
    %swap3A_33 = arith.constant 0 : index
    %swap3A_34 = arith.constant 0 : index
    %swap3A_35 = vector.load %arg10[%swap3A_33, %swap3A_34] : memref<256x128xf32, #tpu.memory_space<vmem>>, vector<256x128xf32>
    tpu.vector_store %arg10[%swap3A_33, %swap3A_34], %add3A_32 {strides = array<i32>} : memref<256x128xf32, #tpu.memory_space<vmem>>, vector<256x128xf32>,
    return
  }
  func.func @transform_0(%arg0: i32) -> (i32, i32) {
    %c0_i32 = arith.constant 0 : i32
    %c0_i32_0 = arith.constant 0 : i32
    return %arg0, %c0_i32 : i32, i32
  }
  func.func @transform_1(%arg0: i32) -> (i32, i32) {
    %c0_i32 = arith.constant 0 : i32
    %c0_i32_0 = arith.constant 0 : i32
    return %arg0, %c0_i32 : i32, i32
  }
  func.func @transform_2(%arg0: i32) -> (i32, i32) {
    %c0_i32 = arith.constant 0 : i32
    %c0_i32_0 = arith.constant 0 : i32
    return %arg0, %c0_i32 : i32, i32
  }
  func.func @transform_3(%arg0: i32) -> (i32, i32) {
    %c0_i32 = arith.constant 0 : i32
    %c0_i32_0 = arith.constant 0 : i32
    return %arg0, %c0_i32 : i32, i32
  }
  func.func @transform_4(%arg0: i32) -> (i32, i32) {
    %c0_i32 = arith.constant 0 : i32
    %c0_i32_0 = arith.constant 0 : i32
    return %arg0, %c0_i32 : i32, i32
  }
  func.func @transform_5(%arg0: i32) -> (i32, i32) {
    %c0_i32 = arith.constant 0 : i32
    %c0_i32_0 = arith.constant 0 : i32
    return %arg0, %c0_i32 : i32, i32
  }
  func.func @transform_6(%arg0: i32) -> (i32, i32) {
    %c0_i32 = arith.constant 0 : i32
    %c0_i32_0 = arith.constant 0 : i32
    %c0_i32_1 = arith.constant 0 : i32
    return %c0_i32, %c0_i32_0 : i32, i32
  }
  func.func @transform_7(%arg0: i32) -> (i32, i32) {
    %c0_i32 = arith.constant 0 : i32
    %c0_i32_0 = arith.constant 0 : i32
    %c0_i32_1 = arith.constant 0 : i32
    return %c0_i32, %c0_i32_0 : i32, i32
  }
  func.func @transform_8(%arg0: i32) -> (i32, i32) {
    %c0_i32 = arith.constant 0 : i32
    %c0_i32_0 = arith.constant 0 : i32
    return %arg0, %c0_i32 : i32, i32
  }
  func.func @transform_9(%arg0: i32) -> (i32, i32) {
    %c0_i32 = arith.constant 0 : i32
    %c0_i32_0 = arith.constant 0 : i32
    return %arg0, %c0_i32 : i32, i32
  }
}

module attributes {stable_mosaic.version = 14 : i64} {
  func.func @_gram_body(%arg0: i32, %arg1: memref<200x128xf32, #tpu.memory_space<vmem>>, %arg2: memref<200x128xf32, #tpu.memory_space<vmem>>, %arg3: memref<200x128xf32, #tpu.memory_space<vmem>>, %arg4: memref<200x128xf32, #tpu.memory_space<vmem>>, %arg5: memref<1x1xf32, #tpu.memory_space<vmem>>, %arg6: memref<4x128xf32, #tpu.memory_space<vmem>>, %arg7: memref<128x128xf32, #tpu.memory_space<vmem>>, %arg8: memref<4x128xf32, #tpu.memory_space<vmem>>, %arg9: memref<128x128xf32, #tpu.memory_space<vmem>>) attributes {dimension_semantics = [#tpu.dimension_semantics<arbitrary>], iteration_bounds = array<i64: 50>, scalar_prefetch = 0 : i64, scratch_operands = 4 : i64, tpu.core_type = #tpu.core_type<tc>, window_params = [{transform_indices = @transform_0, window_bounds = array<i64: 200, 128>}, {transform_indices = @transform_1, window_bounds = array<i64: 200, 128>}, {transform_indices = @transform_2, window_bounds = array<i64: 200, 128>}, {transform_indices = @transform_3, window_bounds = array<i64: 200, 128>}, {pipeline_mode = #tpu.pipeline_mode<synchronous>, transform_indices = @transform_4, window_bounds = array<i64: 1, 1>}]} {
    %eq3A = arith.constant 0 : i32
    %eq3A_0 = arith.cmpi eq, %arg0, %eq3A : i32
    %get3A = arith.constant 0 : index
    %get3A_1 = arith.constant 0 : index
    %get3A_2 = vector.load %arg1[%get3A, %get3A_1] : memref<200x128xf32, #tpu.memory_space<vmem>>, vector<200x128xf32>
    %get3A_3 = arith.constant 0 : index
    %get3A_4 = arith.constant 0 : index
    %get3A_5 = vector.load %arg2[%get3A_3, %get3A_4] : memref<200x128xf32, #tpu.memory_space<vmem>>, vector<200x128xf32>
    %reduce_sum3A = arith.constant dense<0.000000e+00> : vector<128xf32>
    %reduce_sum3A_6 = vector.multi_reduction <add>, %get3A_2, %reduce_sum3A [0] : vector<200x128xf32> to vector<128xf32>
    %broadcast_in_dim3A = vector.shape_cast %reduce_sum3A_6 : vector<128xf32> to vector<1x128xf32>
    %mul3A = arith.mulf %get3A_2, %get3A_2 : vector<200x128xf32>
    %reduce_sum3A_7 = arith.constant dense<0.000000e+00> : vector<128xf32>
    %reduce_sum3A_8 = vector.multi_reduction <add>, %mul3A, %reduce_sum3A_7 [0] : vector<200x128xf32> to vector<128xf32>
    %broadcast_in_dim3A_9 = vector.shape_cast %reduce_sum3A_8 : vector<128xf32> to vector<1x128xf32>
    %reduce_sum3A_10 = arith.constant dense<0.000000e+00> : vector<128xf32>
    %reduce_sum3A_11 = vector.multi_reduction <add>, %get3A_5, %reduce_sum3A_10 [0] : vector<200x128xf32> to vector<128xf32>
    %broadcast_in_dim3A_12 = vector.shape_cast %reduce_sum3A_11 : vector<128xf32> to vector<1x128xf32>
    %mul3A_13 = arith.mulf %get3A_5, %get3A_5 : vector<200x128xf32>
    %reduce_sum3A_14 = arith.constant dense<0.000000e+00> : vector<128xf32>
    %reduce_sum3A_15 = vector.multi_reduction <add>, %mul3A_13, %reduce_sum3A_14 [0] : vector<200x128xf32> to vector<128xf32>
    %broadcast_in_dim3A_16 = vector.shape_cast %reduce_sum3A_15 : vector<128xf32> to vector<1x128xf32>
    %concatenate3A = tpu.concatenate %broadcast_in_dim3A, %broadcast_in_dim3A_9, %broadcast_in_dim3A_12, %broadcast_in_dim3A_16 in 0 : vector<1x128xf32>, vector<1x128xf32>, vector<1x128xf32>, vector<1x128xf32> -> vector<4x128xf32>
    %dot_general3A = arith.constant dense<0.000000e+00> : vector<128x128xf32>
    %dot_general3A_17 = tpu.matmul %get3A_2, %get3A_5, %dot_general3A {dimension_numbers = #tpu.dot_dimension_numbers<[0], [0], [1], [1], [0, 1, 1, 1], [], []>, transpose_lhs_hint = false} : vector<200x128xf32>, vector<200x128xf32>, vector<128x128xf32> -> vector<128x128xf32>
    %get3A_18 = arith.constant 0 : index
    %get3A_19 = arith.constant 0 : index
    %get3A_20 = vector.load %arg6[%get3A_18, %get3A_19] : memref<4x128xf32, #tpu.memory_space<vmem>>, vector<4x128xf32>
    %add3A = arith.addf %get3A_20, %concatenate3A : vector<4x128xf32>
    %select_n3A = arith.select %eq3A_0, %concatenate3A, %add3A : vector<4x128xf32>
    %swap3A = arith.constant 0 : index
    %swap3A_21 = arith.constant 0 : index
    %swap3A_22 = vector.load %arg6[%swap3A, %swap3A_21] : memref<4x128xf32, #tpu.memory_space<vmem>>, vector<4x128xf32>
    tpu.vector_store %arg6[%swap3A, %swap3A_21], %select_n3A {strides = array<i32>} : memref<4x128xf32, #tpu.memory_space<vmem>>, vector<4x128xf32>,
    %get3A_23 = arith.constant 0 : index
    %get3A_24 = arith.constant 0 : index
    %get3A_25 = vector.load %arg7[%get3A_23, %get3A_24] : memref<128x128xf32, #tpu.memory_space<vmem>>, vector<128x128xf32>
    %add3A_26 = arith.addf %get3A_25, %dot_general3A_17 : vector<128x128xf32>
    %select_n3A_27 = arith.select %eq3A_0, %dot_general3A_17, %add3A_26 : vector<128x128xf32>
    %swap3A_28 = arith.constant 0 : index
    %swap3A_29 = arith.constant 0 : index
    %swap3A_30 = vector.load %arg7[%swap3A_28, %swap3A_29] : memref<128x128xf32, #tpu.memory_space<vmem>>, vector<128x128xf32>
    tpu.vector_store %arg7[%swap3A_28, %swap3A_29], %select_n3A_27 {strides = array<i32>} : memref<128x128xf32, #tpu.memory_space<vmem>>, vector<128x128xf32>,
    %get3A_31 = arith.constant 0 : index
    %get3A_32 = arith.constant 0 : index
    %get3A_33 = vector.load %arg3[%get3A_31, %get3A_32] : memref<200x128xf32, #tpu.memory_space<vmem>>, vector<200x128xf32>
    %get3A_34 = arith.constant 0 : index
    %get3A_35 = arith.constant 0 : index
    %get3A_36 = vector.load %arg4[%get3A_34, %get3A_35] : memref<200x128xf32, #tpu.memory_space<vmem>>, vector<200x128xf32>
    %reduce_sum3A_37 = arith.constant dense<0.000000e+00> : vector<128xf32>
    %reduce_sum3A_38 = vector.multi_reduction <add>, %get3A_33, %reduce_sum3A_37 [0] : vector<200x128xf32> to vector<128xf32>
    %broadcast_in_dim3A_39 = vector.shape_cast %reduce_sum3A_38 : vector<128xf32> to vector<1x128xf32>
    %mul3A_40 = arith.mulf %get3A_33, %get3A_33 : vector<200x128xf32>
    %reduce_sum3A_41 = arith.constant dense<0.000000e+00> : vector<128xf32>
    %reduce_sum3A_42 = vector.multi_reduction <add>, %mul3A_40, %reduce_sum3A_41 [0] : vector<200x128xf32> to vector<128xf32>
    %broadcast_in_dim3A_43 = vector.shape_cast %reduce_sum3A_42 : vector<128xf32> to vector<1x128xf32>
    %reduce_sum3A_44 = arith.constant dense<0.000000e+00> : vector<128xf32>
    %reduce_sum3A_45 = vector.multi_reduction <add>, %get3A_36, %reduce_sum3A_44 [0] : vector<200x128xf32> to vector<128xf32>
    %broadcast_in_dim3A_46 = vector.shape_cast %reduce_sum3A_45 : vector<128xf32> to vector<1x128xf32>
    %mul3A_47 = arith.mulf %get3A_36, %get3A_36 : vector<200x128xf32>
    %reduce_sum3A_48 = arith.constant dense<0.000000e+00> : vector<128xf32>
    %reduce_sum3A_49 = vector.multi_reduction <add>, %mul3A_47, %reduce_sum3A_48 [0] : vector<200x128xf32> to vector<128xf32>
    %broadcast_in_dim3A_50 = vector.shape_cast %reduce_sum3A_49 : vector<128xf32> to vector<1x128xf32>
    %concatenate3A_51 = tpu.concatenate %broadcast_in_dim3A_39, %broadcast_in_dim3A_43, %broadcast_in_dim3A_46, %broadcast_in_dim3A_50 in 0 : vector<1x128xf32>, vector<1x128xf32>, vector<1x128xf32>, vector<1x128xf32> -> vector<4x128xf32>
    %dot_general3A_52 = arith.constant dense<0.000000e+00> : vector<128x128xf32>
    %dot_general3A_53 = tpu.matmul %get3A_33, %get3A_36, %dot_general3A_52 {dimension_numbers = #tpu.dot_dimension_numbers<[0], [0], [1], [1], [0, 1, 1, 1], [], []>, transpose_lhs_hint = false} : vector<200x128xf32>, vector<200x128xf32>, vector<128x128xf32> -> vector<128x128xf32>
    %get3A_54 = arith.constant 0 : index
    %get3A_55 = arith.constant 0 : index
    %get3A_56 = vector.load %arg8[%get3A_54, %get3A_55] : memref<4x128xf32, #tpu.memory_space<vmem>>, vector<4x128xf32>
    %add3A_57 = arith.addf %get3A_56, %concatenate3A_51 : vector<4x128xf32>
    %select_n3A_58 = arith.select %eq3A_0, %concatenate3A_51, %add3A_57 : vector<4x128xf32>
    %swap3A_59 = arith.constant 0 : index
    %swap3A_60 = arith.constant 0 : index
    %swap3A_61 = vector.load %arg8[%swap3A_59, %swap3A_60] : memref<4x128xf32, #tpu.memory_space<vmem>>, vector<4x128xf32>
    tpu.vector_store %arg8[%swap3A_59, %swap3A_60], %select_n3A_58 {strides = array<i32>} : memref<4x128xf32, #tpu.memory_space<vmem>>, vector<4x128xf32>,
    %get3A_62 = arith.constant 0 : index
    %get3A_63 = arith.constant 0 : index
    %get3A_64 = vector.load %arg9[%get3A_62, %get3A_63] : memref<128x128xf32, #tpu.memory_space<vmem>>, vector<128x128xf32>
    %add3A_65 = arith.addf %get3A_64, %dot_general3A_53 : vector<128x128xf32>
    %select_n3A_66 = arith.select %eq3A_0, %dot_general3A_53, %add3A_65 : vector<128x128xf32>
    %swap3A_67 = arith.constant 0 : index
    %swap3A_68 = arith.constant 0 : index
    %swap3A_69 = vector.load %arg9[%swap3A_67, %swap3A_68] : memref<128x128xf32, #tpu.memory_space<vmem>>, vector<128x128xf32>
    tpu.vector_store %arg9[%swap3A_67, %swap3A_68], %select_n3A_66 {strides = array<i32>} : memref<128x128xf32, #tpu.memory_space<vmem>>, vector<128x128xf32>,
    %eq3A_70 = arith.constant 49 : i32
    %eq3A_71 = arith.cmpi eq, %arg0, %eq3A_70 : i32
    %convert_element_type3A = arith.extui %eq3A_71 : i1 to i32
    %cond3A = arith.constant 0 : i32
    %cond3A_72 = arith.cmpi ne, %convert_element_type3A, %cond3A : i32
    scf.if %cond3A_72 {
      %get3A_73 = arith.constant 0 : index
      %get3A_74 = arith.constant 0 : index
      %get3A_75 = vector.load %arg6[%get3A_73, %get3A_74] : memref<4x128xf32, #tpu.memory_space<vmem>>, vector<1x128xf32>
      %div3A = arith.constant 1.000000e+04 : f32
      %div3A_76 = vector.broadcast %div3A : f32 to vector<1x128xf32>
      %div3A_77 = arith.divf %get3A_75, %div3A_76 : vector<1x128xf32>
      %get3A_78 = arith.constant 2 : index
      %get3A_79 = arith.constant 0 : index
      %get3A_80 = vector.load %arg6[%get3A_78, %get3A_79] : memref<4x128xf32, #tpu.memory_space<vmem>>, vector<1x128xf32>
      %div3A_81 = arith.constant 1.000000e+04 : f32
      %div3A_82 = vector.broadcast %div3A_81 : f32 to vector<1x128xf32>
      %div3A_83 = arith.divf %get3A_80, %div3A_82 : vector<1x128xf32>
      %get3A_84 = arith.constant 1 : index
      %get3A_85 = arith.constant 0 : index
      %get3A_86 = vector.load %arg6[%get3A_84, %get3A_85] : memref<4x128xf32, #tpu.memory_space<vmem>>, vector<1x128xf32>
      %div3A_87 = arith.constant 1.000000e+04 : f32
      %div3A_88 = vector.broadcast %div3A_87 : f32 to vector<1x128xf32>
      %div3A_89 = arith.divf %get3A_86, %div3A_88 : vector<1x128xf32>
      %mul3A_90 = arith.mulf %div3A_77, %div3A_77 : vector<1x128xf32>
      %sub3A = arith.subf %div3A_89, %mul3A_90 : vector<1x128xf32>
      %get3A_91 = arith.constant 1 : index
      %get3A_92 = arith.constant 0 : index
      %get3A_93 = vector.load %arg6[%get3A_91, %get3A_92] : memref<4x128xf32, #tpu.memory_space<vmem>>, vector<1x128xf32>
      %mul3A_94 = arith.constant 1.000000e+04 : f32
      %mul3A_95 = vector.broadcast %mul3A_94 : f32 to vector<1x128xf32>
      %mul3A_96 = arith.mulf %mul3A_95, %div3A_77 : vector<1x128xf32>
      %mul3A_97 = arith.mulf %mul3A_96, %div3A_77 : vector<1x128xf32>
      %sub3A_98 = arith.subf %get3A_93, %mul3A_97 : vector<1x128xf32>
      %div3A_99 = arith.constant 9.999000e+03 : f32
      %div3A_100 = vector.broadcast %div3A_99 : f32 to vector<1x128xf32>
      %div3A_101 = arith.divf %sub3A_98, %div3A_100 : vector<1x128xf32>
      %get3A_102 = arith.constant 3 : index
      %get3A_103 = arith.constant 0 : index
      %get3A_104 = vector.load %arg6[%get3A_102, %get3A_103] : memref<4x128xf32, #tpu.memory_space<vmem>>, vector<1x128xf32>
      %div3A_105 = arith.constant 1.000000e+04 : f32
      %div3A_106 = vector.broadcast %div3A_105 : f32 to vector<1x128xf32>
      %div3A_107 = arith.divf %get3A_104, %div3A_106 : vector<1x128xf32>
      %mul3A_108 = arith.mulf %div3A_83, %div3A_83 : vector<1x128xf32>
      %sub3A_109 = arith.subf %div3A_107, %mul3A_108 : vector<1x128xf32>
      %get3A_110 = arith.constant 3 : index
      %get3A_111 = arith.constant 0 : index
      %get3A_112 = vector.load %arg6[%get3A_110, %get3A_111] : memref<4x128xf32, #tpu.memory_space<vmem>>, vector<1x128xf32>
      %mul3A_113 = arith.constant 1.000000e+04 : f32
      %mul3A_114 = vector.broadcast %mul3A_113 : f32 to vector<1x128xf32>
      %mul3A_115 = arith.mulf %mul3A_114, %div3A_83 : vector<1x128xf32>
      %mul3A_116 = arith.mulf %mul3A_115, %div3A_83 : vector<1x128xf32>
      %sub3A_117 = arith.subf %get3A_112, %mul3A_116 : vector<1x128xf32>
      %div3A_118 = arith.constant 9.999000e+03 : f32
      %div3A_119 = vector.broadcast %div3A_118 : f32 to vector<1x128xf32>
      %div3A_120 = arith.divf %sub3A_117, %div3A_119 : vector<1x128xf32>
      %mul3A_121 = arith.constant 9.99999974E-6 : f32
      %mul3A_122 = vector.broadcast %mul3A_121 : f32 to vector<1x128xf32>
      %mul3A_123 = arith.mulf %mul3A_122, %div3A_101 : vector<1x128xf32>
      %add3A_124 = arith.addf %sub3A, %mul3A_123 : vector<1x128xf32>
      %sqrt3A = math.sqrt %add3A_124 : vector<1x128xf32>
      %mul3A_125 = arith.constant 9.99999974E-6 : f32
      %mul3A_126 = vector.broadcast %mul3A_125 : f32 to vector<1x128xf32>
      %mul3A_127 = arith.mulf %mul3A_126, %div3A_120 : vector<1x128xf32>
      %add3A_128 = arith.addf %sub3A_109, %mul3A_127 : vector<1x128xf32>
      %sqrt3A_129 = math.sqrt %add3A_128 : vector<1x128xf32>
      %dot_general3A_130 = arith.constant dense<0.000000e+00> : vector<128x128xf32>
      %dot_general3A_131 = tpu.matmul %div3A_77, %div3A_83, %dot_general3A_130 {dimension_numbers = #tpu.dot_dimension_numbers<[0], [0], [1], [1], [0, 1, 1, 1], [], []>, transpose_lhs_hint = false} : vector<1x128xf32>, vector<1x128xf32>, vector<128x128xf32> -> vector<128x128xf32>
      %dot_general3A_132 = arith.constant dense<0.000000e+00> : vector<128x128xf32>
      %dot_general3A_133 = tpu.matmul %sqrt3A, %sqrt3A_129, %dot_general3A_132 {dimension_numbers = #tpu.dot_dimension_numbers<[0], [0], [1], [1], [0, 1, 1, 1], [], []>, transpose_lhs_hint = false} : vector<1x128xf32>, vector<1x128xf32>, vector<128x128xf32> -> vector<128x128xf32>
      %get3A_134 = arith.constant 0 : index
      %get3A_135 = arith.constant 0 : index
      %get3A_136 = vector.load %arg7[%get3A_134, %get3A_135] : memref<128x128xf32, #tpu.memory_space<vmem>>, vector<128x128xf32>
      %mul3A_137 = arith.constant 1.000000e+04 : f32
      %mul3A_138 = vector.broadcast %mul3A_137 : f32 to vector<128x128xf32>
      %mul3A_139 = arith.mulf %mul3A_138, %dot_general3A_131 : vector<128x128xf32>
      %sub3A_140 = arith.subf %get3A_136, %mul3A_139 : vector<128x128xf32>
      %mul3A_141 = arith.constant 1.000000e+04 : f32
      %mul3A_142 = vector.broadcast %mul3A_141 : f32 to vector<128x128xf32>
      %mul3A_143 = arith.mulf %mul3A_142, %dot_general3A_133 : vector<128x128xf32>
      %div3A_144 = arith.divf %sub3A_140, %mul3A_143 : vector<128x128xf32>
      %iota3A = tpu.iota {dimensions = array<i32: 0>} : vector<128x128xi32>
      %iota3A_145 = tpu.iota {dimensions = array<i32: 1>} : vector<128x128xi32>
      %eq3A_146 = arith.cmpi eq, %iota3A, %iota3A_145 : vector<128x128xi32>
      %convert_element_type3A_147 = arith.extui %eq3A_146 : vector<128x128xi1> to vector<128x128xi32>
      %convert_element_type3A_148 = arith.sitofp %convert_element_type3A_147 : vector<128x128xi32> to vector<128x128xf32>
      %mul3A_149 = arith.mulf %div3A_144, %div3A_144 : vector<128x128xf32>
      %sub3A_150 = arith.constant 1.000000e+00 : f32
      %sub3A_151 = vector.broadcast %sub3A_150 : f32 to vector<128x128xf32>
      %sub3A_152 = arith.subf %div3A_144, %sub3A_151 : vector<128x128xf32>
      %integer_pow3A = arith.mulf %sub3A_152, %sub3A_152 : vector<128x128xf32>
      %mul3A_153 = arith.mulf %convert_element_type3A_148, %integer_pow3A : vector<128x128xf32>
      %reduce_sum3A_154 = vector.shape_cast %mul3A_153 : vector<128x128xf32> to vector<1x128x128xf32>
      %reduce_sum3A_155 = arith.constant dense<0.000000e+00> : vector<1xf32>
      %reduce_sum3A_156 = vector.multi_reduction <add>, %reduce_sum3A_154, %reduce_sum3A_155 [1, 2] : vector<1x128x128xf32> to vector<1xf32>
      %reduce_sum3A_157 = vector.shape_cast %reduce_sum3A_156 : vector<1xf32> to vector<1x1x1xf32>
      %reduce_sum3A_158 = vector.extract %reduce_sum3A_157[0, 0, 0] : f32 from vector<1x1x1xf32>
      %reduce_sum3A_159 = vector.shape_cast %mul3A_149 : vector<128x128xf32> to vector<1x128x128xf32>
      %reduce_sum3A_160 = arith.constant dense<0.000000e+00> : vector<1xf32>
      %reduce_sum3A_161 = vector.multi_reduction <add>, %reduce_sum3A_159, %reduce_sum3A_160 [1, 2] : vector<1x128x128xf32> to vector<1xf32>
      %reduce_sum3A_162 = vector.shape_cast %reduce_sum3A_161 : vector<1xf32> to vector<1x1x1xf32>
      %reduce_sum3A_163 = vector.extract %reduce_sum3A_162[0, 0, 0] : f32 from vector<1x1x1xf32>
      %mul3A_164 = arith.mulf %convert_element_type3A_148, %mul3A_149 : vector<128x128xf32>
      %reduce_sum3A_165 = vector.shape_cast %mul3A_164 : vector<128x128xf32> to vector<1x128x128xf32>
      %reduce_sum3A_166 = arith.constant dense<0.000000e+00> : vector<1xf32>
      %reduce_sum3A_167 = vector.multi_reduction <add>, %reduce_sum3A_165, %reduce_sum3A_166 [1, 2] : vector<1x128x128xf32> to vector<1xf32>
      %reduce_sum3A_168 = vector.shape_cast %reduce_sum3A_167 : vector<1xf32> to vector<1x1x1xf32>
      %reduce_sum3A_169 = vector.extract %reduce_sum3A_168[0, 0, 0] : f32 from vector<1x1x1xf32>
      %sub3A_170 = arith.subf %reduce_sum3A_163, %reduce_sum3A_169 : f32
      %mul3A_171 = arith.constant 5.000000e-03 : f32
      %mul3A_172 = arith.mulf %mul3A_171, %sub3A_170 : f32
      %add3A_173 = arith.addf %reduce_sum3A_158, %mul3A_172 : f32
      %get3A_174 = arith.constant 0 : index
      %get3A_175 = arith.constant 0 : index
      %get3A_176 = vector.load %arg8[%get3A_174, %get3A_175] : memref<4x128xf32, #tpu.memory_space<vmem>>, vector<1x128xf32>
      %div3A_177 = arith.constant 1.000000e+04 : f32
      %div3A_178 = vector.broadcast %div3A_177 : f32 to vector<1x128xf32>
      %div3A_179 = arith.divf %get3A_176, %div3A_178 : vector<1x128xf32>
      %get3A_180 = arith.constant 2 : index
      %get3A_181 = arith.constant 0 : index
      %get3A_182 = vector.load %arg8[%get3A_180, %get3A_181] : memref<4x128xf32, #tpu.memory_space<vmem>>, vector<1x128xf32>
      %div3A_183 = arith.constant 1.000000e+04 : f32
      %div3A_184 = vector.broadcast %div3A_183 : f32 to vector<1x128xf32>
      %div3A_185 = arith.divf %get3A_182, %div3A_184 : vector<1x128xf32>
      %get3A_186 = arith.constant 1 : index
      %get3A_187 = arith.constant 0 : index
      %get3A_188 = vector.load %arg8[%get3A_186, %get3A_187] : memref<4x128xf32, #tpu.memory_space<vmem>>, vector<1x128xf32>
      %div3A_189 = arith.constant 1.000000e+04 : f32
      %div3A_190 = vector.broadcast %div3A_189 : f32 to vector<1x128xf32>
      %div3A_191 = arith.divf %get3A_188, %div3A_190 : vector<1x128xf32>
      %mul3A_192 = arith.mulf %div3A_179, %div3A_179 : vector<1x128xf32>
      %sub3A_193 = arith.subf %div3A_191, %mul3A_192 : vector<1x128xf32>
      %get3A_194 = arith.constant 1 : index
      %get3A_195 = arith.constant 0 : index
      %get3A_196 = vector.load %arg8[%get3A_194, %get3A_195] : memref<4x128xf32, #tpu.memory_space<vmem>>, vector<1x128xf32>
      %mul3A_197 = arith.constant 1.000000e+04 : f32
      %mul3A_198 = vector.broadcast %mul3A_197 : f32 to vector<1x128xf32>
      %mul3A_199 = arith.mulf %mul3A_198, %div3A_179 : vector<1x128xf32>
      %mul3A_200 = arith.mulf %mul3A_199, %div3A_179 : vector<1x128xf32>
      %sub3A_201 = arith.subf %get3A_196, %mul3A_200 : vector<1x128xf32>
      %div3A_202 = arith.constant 9.999000e+03 : f32
      %div3A_203 = vector.broadcast %div3A_202 : f32 to vector<1x128xf32>
      %div3A_204 = arith.divf %sub3A_201, %div3A_203 : vector<1x128xf32>
      %get3A_205 = arith.constant 3 : index
      %get3A_206 = arith.constant 0 : index
      %get3A_207 = vector.load %arg8[%get3A_205, %get3A_206] : memref<4x128xf32, #tpu.memory_space<vmem>>, vector<1x128xf32>
      %div3A_208 = arith.constant 1.000000e+04 : f32
      %div3A_209 = vector.broadcast %div3A_208 : f32 to vector<1x128xf32>
      %div3A_210 = arith.divf %get3A_207, %div3A_209 : vector<1x128xf32>
      %mul3A_211 = arith.mulf %div3A_185, %div3A_185 : vector<1x128xf32>
      %sub3A_212 = arith.subf %div3A_210, %mul3A_211 : vector<1x128xf32>
      %get3A_213 = arith.constant 3 : index
      %get3A_214 = arith.constant 0 : index
      %get3A_215 = vector.load %arg8[%get3A_213, %get3A_214] : memref<4x128xf32, #tpu.memory_space<vmem>>, vector<1x128xf32>
      %mul3A_216 = arith.constant 1.000000e+04 : f32
      %mul3A_217 = vector.broadcast %mul3A_216 : f32 to vector<1x128xf32>
      %mul3A_218 = arith.mulf %mul3A_217, %div3A_185 : vector<1x128xf32>
      %mul3A_219 = arith.mulf %mul3A_218, %div3A_185 : vector<1x128xf32>
      %sub3A_220 = arith.subf %get3A_215, %mul3A_219 : vector<1x128xf32>
      %div3A_221 = arith.constant 9.999000e+03 : f32
      %div3A_222 = vector.broadcast %div3A_221 : f32 to vector<1x128xf32>
      %div3A_223 = arith.divf %sub3A_220, %div3A_222 : vector<1x128xf32>
      %mul3A_224 = arith.constant 9.99999974E-6 : f32
      %mul3A_225 = vector.broadcast %mul3A_224 : f32 to vector<1x128xf32>
      %mul3A_226 = arith.mulf %mul3A_225, %div3A_204 : vector<1x128xf32>
      %add3A_227 = arith.addf %sub3A_193, %mul3A_226 : vector<1x128xf32>
      %sqrt3A_228 = math.sqrt %add3A_227 : vector<1x128xf32>
      %mul3A_229 = arith.constant 9.99999974E-6 : f32
      %mul3A_230 = vector.broadcast %mul3A_229 : f32 to vector<1x128xf32>
      %mul3A_231 = arith.mulf %mul3A_230, %div3A_223 : vector<1x128xf32>
      %add3A_232 = arith.addf %sub3A_212, %mul3A_231 : vector<1x128xf32>
      %sqrt3A_233 = math.sqrt %add3A_232 : vector<1x128xf32>
      %dot_general3A_234 = arith.constant dense<0.000000e+00> : vector<128x128xf32>
      %dot_general3A_235 = tpu.matmul %div3A_179, %div3A_185, %dot_general3A_234 {dimension_numbers = #tpu.dot_dimension_numbers<[0], [0], [1], [1], [0, 1, 1, 1], [], []>, transpose_lhs_hint = false} : vector<1x128xf32>, vector<1x128xf32>, vector<128x128xf32> -> vector<128x128xf32>
      %dot_general3A_236 = arith.constant dense<0.000000e+00> : vector<128x128xf32>
      %dot_general3A_237 = tpu.matmul %sqrt3A_228, %sqrt3A_233, %dot_general3A_236 {dimension_numbers = #tpu.dot_dimension_numbers<[0], [0], [1], [1], [0, 1, 1, 1], [], []>, transpose_lhs_hint = false} : vector<1x128xf32>, vector<1x128xf32>, vector<128x128xf32> -> vector<128x128xf32>
      %get3A_238 = arith.constant 0 : index
      %get3A_239 = arith.constant 0 : index
      %get3A_240 = vector.load %arg9[%get3A_238, %get3A_239] : memref<128x128xf32, #tpu.memory_space<vmem>>, vector<128x128xf32>
      %mul3A_241 = arith.constant 1.000000e+04 : f32
      %mul3A_242 = vector.broadcast %mul3A_241 : f32 to vector<128x128xf32>
      %mul3A_243 = arith.mulf %mul3A_242, %dot_general3A_235 : vector<128x128xf32>
      %sub3A_244 = arith.subf %get3A_240, %mul3A_243 : vector<128x128xf32>
      %mul3A_245 = arith.constant 1.000000e+04 : f32
      %mul3A_246 = vector.broadcast %mul3A_245 : f32 to vector<128x128xf32>
      %mul3A_247 = arith.mulf %mul3A_246, %dot_general3A_237 : vector<128x128xf32>
      %div3A_248 = arith.divf %sub3A_244, %mul3A_247 : vector<128x128xf32>
      %iota3A_249 = tpu.iota {dimensions = array<i32: 0>} : vector<128x128xi32>
      %iota3A_250 = tpu.iota {dimensions = array<i32: 1>} : vector<128x128xi32>
      %eq3A_251 = arith.cmpi eq, %iota3A_249, %iota3A_250 : vector<128x128xi32>
      %convert_element_type3A_252 = arith.extui %eq3A_251 : vector<128x128xi1> to vector<128x128xi32>
      %convert_element_type3A_253 = arith.sitofp %convert_element_type3A_252 : vector<128x128xi32> to vector<128x128xf32>
      %mul3A_254 = arith.mulf %div3A_248, %div3A_248 : vector<128x128xf32>
      %sub3A_255 = arith.constant 1.000000e+00 : f32
      %sub3A_256 = vector.broadcast %sub3A_255 : f32 to vector<128x128xf32>
      %sub3A_257 = arith.subf %div3A_248, %sub3A_256 : vector<128x128xf32>
      %integer_pow3A_258 = arith.mulf %sub3A_257, %sub3A_257 : vector<128x128xf32>
      %mul3A_259 = arith.mulf %convert_element_type3A_253, %integer_pow3A_258 : vector<128x128xf32>
      %reduce_sum3A_260 = vector.shape_cast %mul3A_259 : vector<128x128xf32> to vector<1x128x128xf32>
      %reduce_sum3A_261 = arith.constant dense<0.000000e+00> : vector<1xf32>
      %reduce_sum3A_262 = vector.multi_reduction <add>, %reduce_sum3A_260, %reduce_sum3A_261 [1, 2] : vector<1x128x128xf32> to vector<1xf32>
      %reduce_sum3A_263 = vector.shape_cast %reduce_sum3A_262 : vector<1xf32> to vector<1x1x1xf32>
      %reduce_sum3A_264 = vector.extract %reduce_sum3A_263[0, 0, 0] : f32 from vector<1x1x1xf32>
      %reduce_sum3A_265 = vector.shape_cast %mul3A_254 : vector<128x128xf32> to vector<1x128x128xf32>
      %reduce_sum3A_266 = arith.constant dense<0.000000e+00> : vector<1xf32>
      %reduce_sum3A_267 = vector.multi_reduction <add>, %reduce_sum3A_265, %reduce_sum3A_266 [1, 2] : vector<1x128x128xf32> to vector<1xf32>
      %reduce_sum3A_268 = vector.shape_cast %reduce_sum3A_267 : vector<1xf32> to vector<1x1x1xf32>
      %reduce_sum3A_269 = vector.extract %reduce_sum3A_268[0, 0, 0] : f32 from vector<1x1x1xf32>
      %mul3A_270 = arith.mulf %convert_element_type3A_253, %mul3A_254 : vector<128x128xf32>
      %reduce_sum3A_271 = vector.shape_cast %mul3A_270 : vector<128x128xf32> to vector<1x128x128xf32>
      %reduce_sum3A_272 = arith.constant dense<0.000000e+00> : vector<1xf32>
      %reduce_sum3A_273 = vector.multi_reduction <add>, %reduce_sum3A_271, %reduce_sum3A_272 [1, 2] : vector<1x128x128xf32> to vector<1xf32>
      %reduce_sum3A_274 = vector.shape_cast %reduce_sum3A_273 : vector<1xf32> to vector<1x1x1xf32>
      %reduce_sum3A_275 = vector.extract %reduce_sum3A_274[0, 0, 0] : f32 from vector<1x1x1xf32>
      %sub3A_276 = arith.subf %reduce_sum3A_269, %reduce_sum3A_275 : f32
      %mul3A_277 = arith.constant 5.000000e-03 : f32
      %mul3A_278 = arith.mulf %mul3A_277, %sub3A_276 : f32
      %add3A_279 = arith.addf %reduce_sum3A_264, %mul3A_278 : f32
      %add3A_280 = arith.addf %add3A_173, %add3A_279 : f32
      %broadcast_in_dim3A_281 = arith.constant 1.000000e+00 : f32
      %broadcast_in_dim3A_282 = vector.broadcast %broadcast_in_dim3A_281 : f32 to vector<1x1xf32>
      %mul3A_283 = vector.broadcast %add3A_280 : f32 to vector<1x1xf32>
      %mul3A_284 = arith.mulf %mul3A_283, %broadcast_in_dim3A_282 : vector<1x1xf32>
      %swap3A_285 = arith.constant 0 : index
      %swap3A_286 = arith.constant 0 : index
      %swap3A_287 = vector.load %arg5[%swap3A_285, %swap3A_286] : memref<1x1xf32, #tpu.memory_space<vmem>>, vector<1x1xf32>
      tpu.vector_store %arg5[%swap3A_285, %swap3A_286], %mul3A_284 {strides = array<i32>} : memref<1x1xf32, #tpu.memory_space<vmem>>, vector<1x1xf32>,
    } else {
    }
    return
  }
  func.func @transform_0(%arg0: i32) -> (i32, i32) {
    %c0_i32 = arith.constant 0 : i32
    %c0_i32_0 = arith.constant 0 : i32
    return %arg0, %c0_i32 : i32, i32
  }
  func.func @transform_1(%arg0: i32) -> (i32, i32) {
    %c0_i32 = arith.constant 0 : i32
    %c0_i32_0 = arith.constant 0 : i32
    return %arg0, %c0_i32 : i32, i32
  }
  func.func @transform_2(%arg0: i32) -> (i32, i32) {
    %c0_i32 = arith.constant 0 : i32
    %c0_i32_0 = arith.constant 0 : i32
    return %arg0, %c0_i32 : i32, i32
  }
  func.func @transform_3(%arg0: i32) -> (i32, i32) {
    %c0_i32 = arith.constant 0 : i32
    %c0_i32_0 = arith.constant 0 : i32
    return %arg0, %c0_i32 : i32, i32
  }
  func.func @transform_4(%arg0: i32) -> (i32, i32) {
    %c0_i32 = arith.constant 0 : i32
    %c0_i32_0 = arith.constant 0 : i32
    %c0_i32_1 = arith.constant 0 : i32
    return %c0_i32, %c0_i32_0 : i32, i32
  }
}

module attributes {stable_mosaic.version = 14 : i64} {
  func.func @_pool_body(%arg0: i32, %arg1: memref<200x128xf32, #tpu.memory_space<vmem>>, %arg2: memref<200x128xf32, #tpu.memory_space<vmem>>, %arg3: memref<1x1x200xi32, #tpu.memory_space<vmem>>, %arg4: memref<1x1x200xi32, #tpu.memory_space<vmem>>, %arg5: memref<2x128x128xf32, #tpu.memory_space<vmem>>, %arg6: memref<1x128xf32, #tpu.memory_space<vmem>>, %arg7: memref<16x128xf32, #tpu.memory_space<vmem>>, %arg8: memref<16x128xf32, #tpu.memory_space<vmem>>, %arg9: memref<16x128xf32, #tpu.memory_space<vmem>>, %arg10: memref<16x128xf32, #tpu.memory_space<vmem>>, %arg11: memref<16x128xf32, #tpu.memory_space<vmem>>) attributes {dimension_semantics = [#tpu.dimension_semantics<arbitrary>], iteration_bounds = array<i64: 50>, scalar_prefetch = 0 : i64, scratch_operands = 4 : i64, tpu.core_type = #tpu.core_type<tc>, window_params = [{transform_indices = @transform_0, window_bounds = array<i64: 200, 128>}, {transform_indices = @transform_1, window_bounds = array<i64: 200, 128>}, {transform_indices = @transform_2, window_bounds = array<i64: 1, 1, 200>}, {transform_indices = @transform_3, window_bounds = array<i64: 1, 1, 200>}, {pipeline_mode = #tpu.pipeline_mode<synchronous>, transform_indices = @transform_4, window_bounds = array<i64: 2, 128, 128>}, {pipeline_mode = #tpu.pipeline_mode<synchronous>, transform_indices = @transform_5, window_bounds = array<i64: 1, 128>}, {pipeline_mode = #tpu.pipeline_mode<synchronous>, transform_indices = @transform_6, window_bounds = array<i64: 16, 128>}]} {
    %eq3A = arith.constant 0 : i32
    %eq3A_0 = arith.cmpi eq, %arg0, %eq3A : i32
    %iota3A = tpu.iota {dimensions = array<i32: 0>} : vector<16x200xi32>
    %get3A = arith.constant 0 : index
    %get3A_1 = arith.constant 0 : index
    %get3A_2 = arith.constant 0 : index
    %get3A_3 = vector.load %arg3[%get3A, %get3A_1, %get3A_2] : memref<1x1x200xi32, #tpu.memory_space<vmem>>, vector<1x1x200xi32>
    %get3A_4 = vector.shape_cast %get3A_3 : vector<1x1x200xi32> to vector<1x200xi32>
    %eq3A_5 = vector.broadcast %get3A_4 : vector<1x200xi32> to vector<16x200xi32>
    %eq3A_6 = arith.cmpi eq, %iota3A, %eq3A_5 : vector<16x200xi32>
    %convert_element_type3A = arith.extui %eq3A_6 : vector<16x200xi1> to vector<16x200xi32>
    %convert_element_type3A_7 = arith.sitofp %convert_element_type3A : vector<16x200xi32> to vector<16x200xf32>
    %get3A_8 = arith.constant 0 : index
    %get3A_9 = arith.constant 0 : index
    %get3A_10 = arith.constant 0 : index
    %get3A_11 = vector.load %arg4[%get3A_8, %get3A_9, %get3A_10] : memref<1x1x200xi32, #tpu.memory_space<vmem>>, vector<1x1x200xi32>
    %get3A_12 = vector.shape_cast %get3A_11 : vector<1x1x200xi32> to vector<1x200xi32>
    %eq3A_13 = vector.broadcast %get3A_12 : vector<1x200xi32> to vector<16x200xi32>
    %eq3A_14 = arith.cmpi eq, %iota3A, %eq3A_13 : vector<16x200xi32>
    %convert_element_type3A_15 = arith.extui %eq3A_14 : vector<16x200xi1> to vector<16x200xi32>
    %convert_element_type3A_16 = arith.sitofp %convert_element_type3A_15 : vector<16x200xi32> to vector<16x200xf32>
    %get3A_17 = arith.constant 0 : index
    %get3A_18 = arith.constant 0 : index
    %get3A_19 = vector.load %arg1[%get3A_17, %get3A_18] : memref<200x128xf32, #tpu.memory_space<vmem>>, vector<200x128xf32>
    %dot_general3A = arith.constant dense<0.000000e+00> : vector<16x128xf32>
    %dot_general3A_20 = tpu.matmul %convert_element_type3A_7, %get3A_19, %dot_general3A {dimension_numbers = #tpu.dot_dimension_numbers<[1], [0], [0], [1], [0, 0, 1, 1], [], []>, transpose_lhs_hint = false} : vector<16x200xf32>, vector<200x128xf32>, vector<16x128xf32> -> vector<16x128xf32>
    %get3A_21 = arith.constant 0 : index
    %get3A_22 = arith.constant 0 : index
    %get3A_23 = vector.load %arg2[%get3A_21, %get3A_22] : memref<200x128xf32, #tpu.memory_space<vmem>>, vector<200x128xf32>
    %dot_general3A_24 = arith.constant dense<0.000000e+00> : vector<16x128xf32>
    %dot_general3A_25 = tpu.matmul %convert_element_type3A_16, %get3A_23, %dot_general3A_24 {dimension_numbers = #tpu.dot_dimension_numbers<[1], [0], [0], [1], [0, 0, 1, 1], [], []>, transpose_lhs_hint = false} : vector<16x200xf32>, vector<200x128xf32>, vector<16x128xf32> -> vector<16x128xf32>
    %reduce_sum3A = arith.constant dense<0.000000e+00> : vector<16xf32>
    %reduce_sum3A_26 = vector.multi_reduction <add>, %convert_element_type3A_7, %reduce_sum3A [1] : vector<16x200xf32> to vector<16xf32>
    %broadcast_in_dim3A = vector.shape_cast %reduce_sum3A_26 : vector<16xf32> to vector<16x1xf32>
    %broadcast_in_dim3A_27 = arith.constant 1.000000e+00 : f32
    %broadcast_in_dim3A_28 = vector.broadcast %broadcast_in_dim3A_27 : f32 to vector<16x128xf32>
    %mul3A = vector.broadcast %broadcast_in_dim3A : vector<16x1xf32> to vector<16x128xf32>
    %mul3A_29 = arith.mulf %mul3A, %broadcast_in_dim3A_28 : vector<16x128xf32>
    %reduce_sum3A_30 = arith.constant dense<0.000000e+00> : vector<16xf32>
    %reduce_sum3A_31 = vector.multi_reduction <add>, %convert_element_type3A_16, %reduce_sum3A_30 [1] : vector<16x200xf32> to vector<16xf32>
    %broadcast_in_dim3A_32 = vector.shape_cast %reduce_sum3A_31 : vector<16xf32> to vector<16x1xf32>
    %broadcast_in_dim3A_33 = arith.constant 1.000000e+00 : f32
    %broadcast_in_dim3A_34 = vector.broadcast %broadcast_in_dim3A_33 : f32 to vector<16x128xf32>
    %mul3A_35 = vector.broadcast %broadcast_in_dim3A_32 : vector<16x1xf32> to vector<16x128xf32>
    %mul3A_36 = arith.mulf %mul3A_35, %broadcast_in_dim3A_34 : vector<16x128xf32>
    %get3A_37 = arith.constant 0 : index
    %get3A_38 = arith.constant 0 : index
    %get3A_39 = vector.load %arg8[%get3A_37, %get3A_38] : memref<16x128xf32, #tpu.memory_space<vmem>>, vector<16x128xf32>
    %add3A = arith.addf %get3A_39, %dot_general3A_20 : vector<16x128xf32>
    %select_n3A = arith.select %eq3A_0, %dot_general3A_20, %add3A : vector<16x128xf32>
    %swap3A = arith.constant 0 : index
    %swap3A_40 = arith.constant 0 : index
    %swap3A_41 = vector.load %arg8[%swap3A, %swap3A_40] : memref<16x128xf32, #tpu.memory_space<vmem>>, vector<16x128xf32>
    tpu.vector_store %arg8[%swap3A, %swap3A_40], %select_n3A {strides = array<i32>} : memref<16x128xf32, #tpu.memory_space<vmem>>, vector<16x128xf32>,
    %get3A_42 = arith.constant 0 : index
    %get3A_43 = arith.constant 0 : index
    %get3A_44 = vector.load %arg9[%get3A_42, %get3A_43] : memref<16x128xf32, #tpu.memory_space<vmem>>, vector<16x128xf32>
    %add3A_45 = arith.addf %get3A_44, %dot_general3A_25 : vector<16x128xf32>
    %select_n3A_46 = arith.select %eq3A_0, %dot_general3A_25, %add3A_45 : vector<16x128xf32>
    %swap3A_47 = arith.constant 0 : index
    %swap3A_48 = arith.constant 0 : index
    %swap3A_49 = vector.load %arg9[%swap3A_47, %swap3A_48] : memref<16x128xf32, #tpu.memory_space<vmem>>, vector<16x128xf32>
    tpu.vector_store %arg9[%swap3A_47, %swap3A_48], %select_n3A_46 {strides = array<i32>} : memref<16x128xf32, #tpu.memory_space<vmem>>, vector<16x128xf32>,
    %get3A_50 = arith.constant 0 : index
    %get3A_51 = arith.constant 0 : index
    %get3A_52 = vector.load %arg10[%get3A_50, %get3A_51] : memref<16x128xf32, #tpu.memory_space<vmem>>, vector<16x128xf32>
    %add3A_53 = arith.addf %get3A_52, %mul3A_29 : vector<16x128xf32>
    %select_n3A_54 = arith.select %eq3A_0, %mul3A_29, %add3A_53 : vector<16x128xf32>
    %swap3A_55 = arith.constant 0 : index
    %swap3A_56 = arith.constant 0 : index
    %swap3A_57 = vector.load %arg10[%swap3A_55, %swap3A_56] : memref<16x128xf32, #tpu.memory_space<vmem>>, vector<16x128xf32>
    tpu.vector_store %arg10[%swap3A_55, %swap3A_56], %select_n3A_54 {strides = array<i32>} : memref<16x128xf32, #tpu.memory_space<vmem>>, vector<16x128xf32>,
    %get3A_58 = arith.constant 0 : index
    %get3A_59 = arith.constant 0 : index
    %get3A_60 = vector.load %arg11[%get3A_58, %get3A_59] : memref<16x128xf32, #tpu.memory_space<vmem>>, vector<16x128xf32>
    %add3A_61 = arith.addf %get3A_60, %mul3A_36 : vector<16x128xf32>
    %select_n3A_62 = arith.select %eq3A_0, %mul3A_36, %add3A_61 : vector<16x128xf32>
    %swap3A_63 = arith.constant 0 : index
    %swap3A_64 = arith.constant 0 : index
    %swap3A_65 = vector.load %arg11[%swap3A_63, %swap3A_64] : memref<16x128xf32, #tpu.memory_space<vmem>>, vector<16x128xf32>
    tpu.vector_store %arg11[%swap3A_63, %swap3A_64], %select_n3A_62 {strides = array<i32>} : memref<16x128xf32, #tpu.memory_space<vmem>>, vector<16x128xf32>,
    %eq3A_66 = arith.constant 49 : i32
    %eq3A_67 = arith.cmpi eq, %arg0, %eq3A_66 : i32
    %convert_element_type3A_68 = arith.extui %eq3A_67 : i1 to i32
    %cond3A = arith.constant 0 : i32
    %cond3A_69 = arith.cmpi ne, %convert_element_type3A_68, %cond3A : i32
    scf.if %cond3A_69 {
      %get3A_70 = arith.constant 0 : index
      %get3A_71 = arith.constant 0 : index
      %get3A_72 = vector.load %arg8[%get3A_70, %get3A_71] : memref<16x128xf32, #tpu.memory_space<vmem>>, vector<16x128xf32>
      %get3A_73 = arith.constant 0 : index
      %get3A_74 = arith.constant 0 : index
      %get3A_75 = vector.load %arg10[%get3A_73, %get3A_74] : memref<16x128xf32, #tpu.memory_space<vmem>>, vector<16x128xf32>
      %max3A = arith.constant 1.000000e+00 : f32
      %max3A_76 = vector.broadcast %max3A : f32 to vector<16x128xf32>
      %max3A_77 = arith.maximumf %get3A_75, %max3A_76 : vector<16x128xf32>
      %div3A = arith.divf %get3A_72, %max3A_77 : vector<16x128xf32>
      %get3A_78 = arith.constant 0 : index
      %get3A_79 = arith.constant 0 : index
      %get3A_80 = vector.load %arg9[%get3A_78, %get3A_79] : memref<16x128xf32, #tpu.memory_space<vmem>>, vector<16x128xf32>
      %get3A_81 = arith.constant 0 : index
      %get3A_82 = arith.constant 0 : index
      %get3A_83 = vector.load %arg11[%get3A_81, %get3A_82] : memref<16x128xf32, #tpu.memory_space<vmem>>, vector<16x128xf32>
      %max3A_84 = arith.constant 1.000000e+00 : f32
      %max3A_85 = vector.broadcast %max3A_84 : f32 to vector<16x128xf32>
      %max3A_86 = arith.maximumf %get3A_83, %max3A_85 : vector<16x128xf32>
      %div3A_87 = arith.divf %get3A_80, %max3A_86 : vector<16x128xf32>
      %get3A_88 = arith.constant 0 : index
      %get3A_89 = arith.constant 0 : index
      %get3A_90 = arith.constant 0 : index
      %get3A_91 = vector.load %arg5[%get3A_88, %get3A_89, %get3A_90] : memref<2x128x128xf32, #tpu.memory_space<vmem>>, vector<1x128x128xf32>
      %get3A_92 = vector.shape_cast %get3A_91 : vector<1x128x128xf32> to vector<128x128xf32>
      %dot_general3A_93 = arith.constant dense<0.000000e+00> : vector<16x128xf32>
      %dot_general3A_94 = tpu.matmul %div3A, %get3A_92, %dot_general3A_93 {dimension_numbers = #tpu.dot_dimension_numbers<[1], [0], [0], [1], [0, 0, 1, 1], [], []>, transpose_lhs_hint = false} : vector<16x128xf32>, vector<128x128xf32>, vector<16x128xf32> -> vector<16x128xf32>
      %get3A_95 = arith.constant 1 : index
      %get3A_96 = arith.constant 0 : index
      %get3A_97 = arith.constant 0 : index
      %get3A_98 = vector.load %arg5[%get3A_95, %get3A_96, %get3A_97] : memref<2x128x128xf32, #tpu.memory_space<vmem>>, vector<1x128x128xf32>
      %get3A_99 = vector.shape_cast %get3A_98 : vector<1x128x128xf32> to vector<128x128xf32>
      %dot_general3A_100 = arith.constant dense<0.000000e+00> : vector<16x128xf32>
      %dot_general3A_101 = tpu.matmul %div3A_87, %get3A_99, %dot_general3A_100 {dimension_numbers = #tpu.dot_dimension_numbers<[1], [0], [0], [1], [0, 0, 1, 1], [], []>, transpose_lhs_hint = false} : vector<16x128xf32>, vector<128x128xf32>, vector<16x128xf32> -> vector<16x128xf32>
      %add3A_102 = arith.addf %dot_general3A_94, %dot_general3A_101 : vector<16x128xf32>
      %get3A_103 = arith.constant 0 : index
      %get3A_104 = arith.constant 0 : index
      %get3A_105 = vector.load %arg6[%get3A_103, %get3A_104] : memref<1x128xf32, #tpu.memory_space<vmem>>, vector<1x128xf32>
      %add3A_106 = vector.broadcast %get3A_105 : vector<1x128xf32> to vector<16x128xf32>
      %add3A_107 = arith.addf %add3A_102, %add3A_106 : vector<16x128xf32>
      %swap3A_108 = arith.constant 0 : index
      %swap3A_109 = arith.constant 0 : index
      %swap3A_110 = vector.load %arg7[%swap3A_108, %swap3A_109] : memref<16x128xf32, #tpu.memory_space<vmem>>, vector<16x128xf32>
      tpu.vector_store %arg7[%swap3A_108, %swap3A_109], %add3A_107 {strides = array<i32>} : memref<16x128xf32, #tpu.memory_space<vmem>>, vector<16x128xf32>,
    } else {
    }
    return
  }
  func.func @transform_0(%arg0: i32) -> (i32, i32) {
    %c0_i32 = arith.constant 0 : i32
    %c0_i32_0 = arith.constant 0 : i32
    return %arg0, %c0_i32 : i32, i32
  }
  func.func @transform_1(%arg0: i32) -> (i32, i32) {
    %c0_i32 = arith.constant 0 : i32
    %c0_i32_0 = arith.constant 0 : i32
    return %arg0, %c0_i32 : i32, i32
  }
  func.func @transform_2(%arg0: i32) -> (i32, i32, i32) {
    %c0_i32 = arith.constant 0 : i32
    %c0_i32_0 = arith.constant 0 : i32
    %c0_i32_1 = arith.constant 0 : i32
    return %arg0, %c0_i32, %c0_i32_0 : i32, i32, i32
  }
  func.func @transform_3(%arg0: i32) -> (i32, i32, i32) {
    %c0_i32 = arith.constant 0 : i32
    %c0_i32_0 = arith.constant 0 : i32
    %c0_i32_1 = arith.constant 0 : i32
    return %arg0, %c0_i32, %c0_i32_0 : i32, i32, i32
  }
  func.func @transform_4(%arg0: i32) -> (i32, i32, i32) {
    %c0_i32 = arith.constant 0 : i32
    %c0_i32_0 = arith.constant 0 : i32
    %c0_i32_1 = arith.constant 0 : i32
    %c0_i32_2 = arith.constant 0 : i32
    return %c0_i32, %c0_i32_0, %c0_i32_1 : i32, i32, i32
  }
  func.func @transform_5(%arg0: i32) -> (i32, i32) {
    %c0_i32 = arith.constant 0 : i32
    %c0_i32_0 = arith.constant 0 : i32
    %c0_i32_1 = arith.constant 0 : i32
    return %c0_i32, %c0_i32_0 : i32, i32
  }
  func.func @transform_6(%arg0: i32) -> (i32, i32) {
    %c0_i32 = arith.constant 0 : i32
    %c0_i32_0 = arith.constant 0 : i32
    %c0_i32_1 = arith.constant 0 : i32
    return %c0_i32, %c0_i32_0 : i32, i32
  }
}

</mosaic_0001>

<sc_bundles>
// kernel: kernel.14.cloned.1.call-start
scs
__scs_entry_jumppad:
0x0: {  	(pc) =	sbr.rel $0x88, $3  }
0x1: {  	(tag) =	ssettag $0x0;
	lr =	simm.s32 $0x1  }
0x2: {  	[smem:$0x3F8E] =	sst lr;
	_ =	strace $0xD0000000  }
0x3: {  	_ = 	snop  }
0x4: {  	_ = 	snop  }
0x5: {  	_ = 	snop  }
0x6: {  	_ = 	snop  }
0x7: {  	_ = 	snop  }
__scs_overlays_trampoline_lowered:
0x8: {  	[smem:$0x3F9D] =	sst s0  }
0x9: {  	[smem:$0x3F9E] =	sst s1  }
0xa: {  	[smem:$0x3F9F] =	sst s2  }
0xb: {  	[smem:$0x3FA0] =	sst s3  }
0xc: {  	[smem:$0x3FA1] =	sst s4  }
0xd: {  	[smem:$0x3FA2] =	sst s5  }
0xe: {  	[smem:$0x3FA3] =	sst s6  }
0xf: {  	[smem:$0x3FA4] =	sst s7  }
0x10: {  	[smem:$0x3FA5] =	sst s8  }
0x11: {  	[smem:$0x3FA6] =	sst s9;
	s0 =	simm.s32 @!p0 $0x0  }
0x12: {  	s1 =	sld [smem:$0x3F8C];
	s0 =	simm.s32 @p0 $0x1  }
0x13: {  	[smem:$0x3FA7] =	sst s0;
	s0 =	simm.s32 @!p1 $0x0  }
0x14: {  	s2 =	sld [smem:$0x3F8B];
	s0 =	simm.s32 @p1 $0x1  }
0x15: {  	[smem:$0x3FA8] =	sst s0;
	s0 =	simm.s32 @!p2 $0x0  }
0x16: {  	s3 =	sld [smem:$0x3FDB];
	s0 =	simm.s32 @p2 $0x1  }
0x17: {  	s4 =	simm.s32 $0x1BF5;
	[smem:$0x3FAA] =	sst s0  }
0x18: {  	s0 =	sld [smem:$0x3F8D];
	_ =	swait.ge [sflag:s4], $0x0  }
0x19: {  	s7 =	sld [smem:$0x3F8E]  }
0x1a: {  	s8 =	sadd.s32 $0xFFFFE003, lr  }
0x1b: {  	s9 =	sadd.s32 $0xFFFFFEF7, lr;
	s5 =	simm.s32 $0xFFFFFFFF;
	p2 =	slt.u32 s8, $0xFFFFF086  }
0x1c: {  	p1 =	slt.u32 s9, $0xF7A;
	s5 =	simm.s32 @!p2 $0x0  }
0x1d: {  	s5 =	simm.s32 @p1 $0x1;
	p0 =	seq.s32 s7, s2  }
0x1e: {  	s7 =	smul.u32 @!p0 $0xF7A, s2;
	p2 =	seq.s32 @!p0 s5, $0x0  }
0x1f: {  	s9 =	smul.u32 $0xF7A, s1;
	s8 =	simm.s32 @!p0 $0x1BF5;
	p2 =	por !p2, p0  }
0x20: {  	[sflag:s8] =	ssyncset.s32 @!p0 $0xFFFFF086;
	s6 =	sadd.s32 @!p0 s3, s7;
	s7 =	simm.s32 @!p0 $0x108  }
0x21: {  	s3 =	sadd.s32 s3, s9;
	s6 =	sadd.s32 @!p0 $0x88, s6;
	s7 =	simm.s32 @p2 $0x1082  }
0x22: {  	[simem:s7], [sflag:s8] =	dma.local @!p0 [hbm:s6], $0xF7A  }
0x23: {  	s9 =	sor.u32 $0xD0000000, s2;
	s6 =	simm.s32 $0x108;
	_ =	swait.ge @!p0 [sflag:s8], $0x0  }
0x24: {  	s3 =	sadd.s32 $0x88, s3;
	s6 =	simm.s32 @!p1 $0x1082;
	[sflag:s4] =	ssyncset.s32 $0xFFFFF086  }
0x25: {  	[simem:s6], [sflag:s4] =	dma.local [hbm:s3], $0xF7A  }
0x26: {  	[smem:$0x3F8E] =	sst s1;
	(tag) =	ssettag s2;
	_ =	strace s9  }
0x27: {  	s1 =	sld [smem:$0x3F9E]  }
0x28: {  	s2 =	sld [smem:$0x3F9F]  }
0x29: {  	s4 =	sld [smem:$0x3FA1]  }
0x2a: {  	p0 =	seq.s32 s5, $0x0;
	s5 =	sld [smem:$0x3FA2]  }
0x2b: {  	s6 =	sld [smem:$0x3FA3]  }
0x2c: {  	s7 =	sld [smem:$0x3FA4]  }
0x2d: {  	s3 =	simm.s32 $0x108;
	s8 =	sld [smem:$0x3FA5]  }
0x2e: {  	s3 =	simm.s32 @!p0 $0x1082;
	s9 =	sld [smem:$0x3FA6]  }
0x2f: {  	lr =	sadd.s32 s0, s3;
	s0 =	sld [smem:$0x3F9D]  }
0x30: {  	s3 =	sld [smem:$0x3FA0]  }
0x31: {  	[smem:$0x3FA9] =	sst s10  }
0x32: {  	s10 =	sld [smem:$0x3FA7];
	_ =	sdelay $0x3  }
0x33: {  	p0 =	seq.s32 s10, $0x1;
	s10 =	sld [smem:$0x3FA9];
	_ =	sdelay $0x3  }
0x34: {  	[smem:$0x3FA9] =	sst s10  }
0x35: {  	s10 =	sld [smem:$0x3FA8];
	_ =	sdelay $0x3  }
0x36: {  	p1 =	seq.s32 s10, $0x1;
	s10 =	sld [smem:$0x3FA9];
	_ =	sdelay $0x3  }
0x37: {  	[smem:$0x3FA9] =	sst s10  }
0x38: {  	s10 =	sld [smem:$0x3FAA]  }
0x39: {  	_ = 	snop;
	(pc) =	sbr.ind lr, $3  }
0x3a: {  	_ = 	snop  }
0x3b: {  	_ = 	snop  }
0x3c: {  	p2 =	seq.s32 s10, $0x1;
	s10 =	sld [smem:$0x3FA9]  }
0x3d: {  	_ =	shalt  }
0x3e: {  	_ =	shalt  }
0x3f: {  	_ =	shalt  }
0x40: {  	_ =	shalt  }
0x41: {  	_ =	shalt  }
0x42: {  	_ =	shalt  }
0x43: {  	_ =	shalt  }
0x44: {  	_ =	shalt  }
0x45: {  	_ =	shalt  }
0x46: {  	_ =	shalt  }
0x47: {  	_ =	shalt  }
0x48: {  	_ =	shalt  }
0x49: {  	_ =	shalt  }
0x4a: {  	_ =	shalt  }
0x4b: {  	_ =	shalt  }
0x4c: {  	_ =	shalt  }
0x4d: {  	_ =	shalt  }
0x4e: {  	_ =	shalt  }
0x4f: {  	_ =	shalt  }
0x50: {  	_ =	shalt  }
0x51: {  	_ =	shalt  }
0x52: {  	_ =	shalt  }
0x53: {  	_ =	shalt  }
0x54: {  	_ =	shalt  }
0x55: {  	_ =	shalt  }
0x56: {  	_ =	shalt  }
0x57: {  	_ =	shalt  }
0x58: {  	_ =	shalt  }
0x59: {  	_ =	shalt  }
0x5a: {  	_ =	shalt  }
0x5b: {  	_ =	shalt  }
0x5c: {  	_ =	shalt  }
0x5d: {  	_ =	shalt  }
0x5e: {  	_ =	shalt  }
0x5f: {  	_ =	shalt  }
0x60: {  	_ =	shalt  }
0x61: {  	_ =	shalt  }
0x62: {  	_ =	shalt  }
0x63: {  	_ =	shalt  }
0x64: {  	_ =	shalt  }
0x65: {  	_ =	shalt  }
0x66: {  	_ =	shalt  }
0x67: {  	_ =	shalt  }
0x68: {  	_ =	shalt  }
0x69: {  	_ =	shalt  }
0x6a: {  	_ =	shalt  }
0x6b: {  	_ =	shalt  }
0x6c: {  	_ =	shalt  }
0x6d: {  	_ =	shalt  }
0x6e: {  	_ =	shalt  }
0x6f: {  	_ =	shalt  }
0x70: {  	_ =	shalt  }
0x71: {  	_ =	shalt  }
0x72: {  	_ =	shalt  }
0x73: {  	_ =	shalt  }
0x74: {  	_ =	shalt  }
0x75: {  	_ =	shalt  }
0x76: {  	_ =	shalt  }
0x77: {  	_ =	shalt  }
0x78: {  	_ =	shalt  }
0x79: {  	_ =	shalt  }
0x7a: {  	_ =	shalt  }
0x7b: {  	_ =	shalt  }
0x7c: {  	_ =	shalt  }
0x7d: {  	_ =	shalt  }
0x7e: {  	_ =	shalt  }
0x7f: {  	_ =	shalt  }
0x80: {  	_ =	shalt  }
0x81: {  	_ =	shalt  }
0x82: {  	_ =	shalt  }
0x83: {  	_ =	shalt  }
0x84: {  	_ =	shalt  }
0x85: {  	_ =	shalt  }
0x86: {  	_ =	shalt  }
0x87: {  	_ =	shalt  }
.Lfunc_end0:
.L_simem_size_0:
called_computation_lowered:
.L_overlay_start_0:
0x88: {  	s2 =	sld [smem:$0x3FD9]  }
0x89: {  	s3 =	sld [smem:$0x3FFE];
	_ =	sdelay $0x1  }
0x8a: {  	s1 =	srdreg.scid  }
0x8b: {  	s0 =	sand.u32 $0x1, s1  }
0x8c: {  	s14 =	sshll.u32 s0, $0xA;
	s2 =	sadd.s32 s3, s2  }
0x8d: {  	s2 =	sadd.s32 s2, s14  }
0x8e: {  	[smem:$0x3FB5] =	sst s2  }
0x8f: {  	_ = 	snop  }
0x90: {  	s2 =	sld [smem:$0x3FD0];
	_ =	sdelay $0x2  }
0x91: {  	s15 =	simm.s32 $0xC;
	s4 =	simm.s32 $0x10  }
0x92: {  	[smem:s4], [sflag:s15] =	dma.local [hbm:s2], $0x1  }
0x93: {  	_ =	swait.eq [sflag:s15], $0x1  }
0x94: {  	s16 =	sld [smem:$0x10];
	[sflag:s15] =	ssyncset.done $0x0  }
0x95: {  	s17 =	sld [smem:$0x12];
	[sflag:s15] =	ssyncadd.s32 $0xFFFFFFFF  }
0x96: {  	s18 =	sld [smem:$0x15];
	(tm) =	ssettm $0x1  }
0x97: {  	s5 =	sld [smem:$0x3FFB];
	_ =	sdelay $0x3  }
0x98: {  	_ =	strace s5  }
0x99: {  	s5 =	sld [smem:$0x3FFC];
	_ =	sdelay $0x3  }
0x9a: {  	_ =	strace s5  }
0x9b: {  	s5 =	sld [smem:$0x3FFD];
	_ =	sdelay $0x3  }
0x9c: {  	_ =	strace s5  }
0x9d: {  	_ =	strace $0x8FFFFFFF  }
0x9e: {  	s19 =	sld [smem:$0x3FDB];
	_ =	sdelay $0x1  }
0x9f: {  	s6 =	simm.s32 $_scs_section_size  }
0xa0: {  	s7 =	simm.s32 $_size__tile_overlayer_lowered;
	s8 =	simm.s32 $_tile_overlayer_lowered  }
0xa1: {  	s22 =	simm.s32 $0x1BFF;
	s21 =	sshll.u32 s8, $0x1;
	s5 =	sadd.s32 s6, s19  }
0xa2: {  	s9 =	simm.s32 $0x0;
	s20 =	sshll.u32 s7, $0x1;
	s7 =	sadd.s32 s21, s5  }
0xa3: {  	[timem:s9], [sflag:s22] =	dma.local [hbm:s7], s20  }
0xa4: {  	_ =	swait.ge [sflag:s22], s20  }
0xa5: {  	s6 =	ssub.s32 $0x0, s20;
	[sflag:s22] =	ssyncset.done $0x0  }
0xa6: {  	[sflag:s22] =	ssyncadd.s32 s6;
	_ =	sdelay $0x1  }
0xa7: {  	s23 =	simm.s32 $0x1B8B  }
0xa8: {  	_ =	swait.ge [sflag:s23], $0x1  }
0xa9: {  	[sflag:s23] =	ssyncset.done $0x0  }
0xaa: {  	s25 =	simm.s32 $0x1B8E;
	s24 =	sld [smem:$0x3FFE];
	[sflag:s23] =	ssyncadd.s32 $0xFFFFFFFF  }
0xab: {  	s26 =	simm.s32 $execute0_lowered;
	[smem:$0x3FD2] =	sst s25  }
0xac: {  	s7 =	sshll.u32 s26, $0x1;
	_ =	strace $0x80000046;
	[dreg:$0x1] =	wrdreg $0xFFFFFFFF  }
0xad: {  	s28 =	simm.s32 $_size_execute0_lowered;
	s5 =	sadd.s32 s5, s7;
	[dreg:$0x0] =	wrdreg $0x0  }
0xae: {  	s7 =	sshll.u32 s28, $0x1;
	[dreg:$0x2] =	wrdreg s5  }
0xaf: {  	[dreg:$0x3] =	wrdreg s7  }
0xb0: {  	[dreg:$0x4] =	wrdreg $0xC0  }
0xb1: {  	_ =	task [dreg:s9], $0x5FFFF  }
0xb2: {  	[dreg:$0x1] =	wrdreg $0xFFFFFFFF  }
0xb3: {  	[dreg:$0x0] =	wrdreg $0x60  }
0xb4: {  	[dreg:$0x2] =	wrdreg s16  }
0xb5: {  	[dreg:$0x3] =	wrdreg s17  }
0xb6: {  	[dreg:$0x4] =	wrdreg s24  }
0xb7: {  	[dreg:$0x5] =	wrdreg s18  }
0xb8: {  	[dreg:$0x6] =	wrdreg $0x29000  }
0xb9: {  	[dreg:$0x7] =	wrdreg $0x9  }
0xba: {  	_ =	task.clear_ibuf [dreg:s9], $0x8FFFF;
	_ =	strace $0x90000046  }
0xbb: {  	s29 =	simm.s32 $0x9;
	_ =	strace $0x80000048  }
0xbc: {  	_ =	swait.ge [sflag:s29], $0x1  }
0xbd: {  	[sflag:s29] =	ssyncadd.s32 $0xFFFFFFFF  }
0xbe: {  	_ =	strace $0x90000048  }
0xbf: {  	_ =	sfence  }
0xc0: {  	s30 =	sld [smem:$0x0];
	_ =	sdelay $0x2  }
0xc1: {  	s31 =	sshll.u32 s1, $0xD;
	s1 =	sshrl.u32 s1, $0x2  }
0xc2: {  	s3 =	sand.u32 $0x4000, s31;
	s1 =	sadd.s32 s1, s30  }
0xc3: {  	s0 =	sor.u32 s3, s0;
	s1 =	sshll.u32 s1, $0x11  }
0xc4: {  	s0 =	sor.u32 s1, s0  }
0xc5: {  	s0 =	sadd.s32 $0x8F2B, s0  }
0xc6: {  	[sflag:s0] =	ssyncadd.remote.s32 $0x1  }
0xc7: {  	_ =	sfence.sel $0xFFFF  }
0xc8: {  	[dreg:$0x0] =	wrdreg $0xFFFFFFFF;
	(pc) =	sbr.abs _section_cstart, $3  }
0xc9: {  	[dreg:$0x1] =	wrdreg $0xFFFFFFFF  }
0xca: {  	_ =	task.clear_ibuf [dreg:s9], $0x2FFFF;
	_ =	strace $0x9FFFFFFF  }
0xcb: {  	(tm) =	ssettm $0x7FFFFFFF  }
tec
execute0_lowered:
.L_overlay_start_1:
0x0: {  	(tag) =	ssettag $0x1  }
0x1: {  	s16 =	rddreg [dreg:$0x0]  }
0x2: {  	s15 =	rddreg [dreg:$0x1]  }
0x3: {  	s6 =	rddreg [dreg:$0x2];
	s1 =	srdreg.scid  }
0x4: {  	s0 =	stileid.u32;
	s2 =	rddreg [dreg:$0x3]  }
0x5: {  	s3 =	rddreg [dreg:$0x4];
	s4 =	simm.s32 $0x0;
	s19 =	simm.s32 $0x100  }
0x6: {  	s20 =	simm.s32 $0x900;
	s21 =	simm.s32 $0x1100;
	s22 =	simm.s32 $0x1900  }
0x7: {  	s23 =	simm.s32 $0x80;
	s24 =	simm.s32 $0x2100;
	s25 =	simm.s32 $0x1  }
0x8: {  	s26 =	simm.s32 $0x0;
	s5 =	sand.u32 $0x1, s1;
	s7 =	smul.u32 $0x2800, s0  }
0x9: {  	[smem:$0x7FF] =	sst s4;
	s31 =	sshll.u32 s0, $0x6;
	s10 =	sadd.s32 $0x300, s2  }
0xa: {  	s8 =	smul.u32 $0x28000, s5;
	_ =	strace $0x80000047;
	s9 =	ssub.s32 $0x2, s5  }
0xb: {  	s5 =	sadd.s32 $0x26400, s6;
	s29 =	sshrl.u32 s7, $0x3;
	s30 =	sshrl.u32 s9, $0x1  }
0xc: {  	s18 =	sadd.s32 s7, s3;
	s8 =	sadd.s32 s7, s8;
	s12 =	ssub.s32 s9, s30  }
0xd: {  	s7 =	sor.u32 $0x1C02, s31;
	s9 =	sadd.s32 $0x200, s2;
	s17 =	sshrl.u32 s8, $0x3  }
0xe: {  	s8 =	sadd.s32 $0x100, s2;
	s12 =	smax.u32 s12, $0x1;
	s14 =	sadd.s32 s17, s6  }
0xf: {  	s6 =	sadd.s32 s29, s6;
	s15 =	sadd.s32 s17, s15;
	s16 =	sadd.s32 s17, s16  }
0x10: {  	s17 =	sshrl.u32 s18, $0x3;
	s18 =	simm.s32 $0x2;
	s6 =	sadd.s32 $0x2B400, s6  }
0x11: {  	s11 =	sadd.s32 $0x30400, s14;
	s13 =	sadd.s32 $0x1C400, s14;
	s14 =	sadd.s32 $0x8600, s14  }
.LBB2_1:
0x12: {  	[spmem:s17], [sflag:s7] =	dma.local [hbm:s6], $0x500  }
0x13: {  	_ =	swait.ge [sflag:s18], $0x500  }
0x14: {  	[sflag:s18] =	ssyncset.done $0x0  }
0x15: {  	[sflag:s18] =	ssyncadd.s32 $0xFFFFFB00  }
0x16: {  	[tilespmem:s19], [sflag:$0x2] =	stream.linear.gather [hbm4b:s2+s4], $0x800, $0x38;
	[tilespmem:$0x5100] =	vst v63  }
0x17: {  	_ =	swait.ge [sflag:s18], $0x800  }
0x18: {  	[sflag:s18] =	ssyncset.done $0x0  }
0x19: {  	[sflag:s18] =	ssyncadd.s32 $0xFFFFF800  }
0x1a: {  	[tilespmem:s20], [sflag:$0x2] =	stream.linear.gather [hbm4b:s8+s4], $0x800, $0x38;
	[tilespmem:$0x5100] =	vst v63  }
0x1b: {  	_ =	swait.ge [sflag:s18], $0x800  }
0x1c: {  	[sflag:s18] =	ssyncset.done $0x0  }
0x1d: {  	[sflag:s18] =	ssyncadd.s32 $0xFFFFF800  }
0x1e: {  	[tilespmem:s21], [sflag:$0x2] =	stream.linear.gather [hbm4b:s9+s4], $0x800, $0x38;
	[tilespmem:$0x5100] =	vst v63  }
0x1f: {  	_ =	swait.ge [sflag:s18], $0x800  }
0x20: {  	[sflag:s18] =	ssyncset.done $0x0  }
0x21: {  	[sflag:s18] =	ssyncadd.s32 $0xFFFFF800  }
0x22: {  	[tilespmem:s22], [sflag:$0x2] =	stream.linear.gather [hbm4b:s10+s4], $0x800, $0x38;
	[tilespmem:$0x5100] =	vst v63  }
0x23: {  	_ =	swait.ge [sflag:s18], $0x800  }
0x24: {  	[sflag:s18] =	ssyncset.done $0x0  }
0x25: {  	[sflag:s18] =	ssyncadd.s32 $0xFFFFF800  }
0x26: {  	s28 =	sadd.s32 $0x0, s16;
	[bflag:$0x0] =	sbarrier.arrive $0xFFFF  }
0x27: {  	[tilespmem:s4], [sflag:$0x2] =	stream.linear.gather [hbm4b:s28+s4], $0x80, $0x38;
	[tilespmem:$0x5100] =	vst v63  }
0x28: {  	_ =	swait.ge [sflag:s18], $0x80  }
0x29: {  	[sflag:s18] =	ssyncset.done $0x0  }
0x2a: {  	[sflag:s18] =	ssyncadd.s32 $0xFFFFFF80  }
0x2b: {  	[spmem:s3] =	stream.indirect.scatter.add.f32 [tilespmem:s19], [sflag:$0x2], $0x10, s4, s23, $0xb8;
	[tilespmem:$0x5100] =	vst v63  }
0x2c: {  	_ =	swait.ge [sflag:s18], $0x800  }
0x2d: {  	[sflag:s18] =	ssyncset.done $0x0  }
0x2e: {  	s28 =	sadd.s32 $0x0, s15;
	[sflag:s18] =	ssyncadd.s32 $0xFFFFF800  }
0x2f: {  	[tilespmem:s23], [sflag:$0x2] =	stream.linear.gather [hbm4b:s28+s4], $0x80, $0x38;
	[tilespmem:$0x5100] =	vst v63  }
0x30: {  	_ =	swait.ge [sflag:s18], $0x80  }
0x31: {  	[sflag:s18] =	ssyncset.done $0x0  }
0x32: {  	[sflag:s18] =	ssyncadd.s32 $0xFFFFFF80  }
0x33: {  	[spmem:s3] =	stream.indirect.scatter.add.f32 [tilespmem:s20], [sflag:$0x2], $0x10, s23, s23, $0xb8;
	[tilespmem:$0x5100] =	vst v63  }
0x34: {  	_ =	swait.ge [sflag:s18], $0x800  }
0x35: {  	[sflag:s18] =	ssyncset.done $0x0  }
0x36: {  	[sflag:s18] =	ssyncadd.s32 $0xFFFFF800  }
0x37: {  	[tilespmem:s24], [sflag:$0x1] =	stream.indirect.gather [hbm4b:s5+s23], $0x10, s23, s23, $0xb8;
	[tilespmem:$0x5100] =	vst v63  }
0x38: {  	_ =	swait.ge [sflag:s25], $0x800  }
0x39: {  	[sflag:s25] =	ssyncset.done $0x0  }
0x3a: {  	[sflag:s25] =	ssyncadd.s32 $0xFFFFF800  }
0x3b: {  	[spmem:s3] =	stream.indirect.scatter.add.f32 [tilespmem:s24], [sflag:$0x2], $0x10, s4, s23, $0xb8;
	[tilespmem:$0x5100] =	vst v63  }
0x3c: {  	_ =	swait.ge [sflag:s18], $0x800  }
0x3d: {  	[sflag:s18] =	ssyncset.done $0x0  }
0x3e: {  	s28 =	sadd.s32 $0x0, s14;
	[sflag:s18] =	ssyncadd.s32 $0xFFFFF800  }
0x3f: {  	[tilespmem:s4], [sflag:$0x2] =	stream.linear.gather [hbm4b:s28+s4], $0x80, $0x38;
	[tilespmem:$0x5100] =	vst v63  }
0x40: {  	_ =	swait.ge [sflag:s18], $0x80  }
0x41: {  	[sflag:s18] =	ssyncset.done $0x0  }
0x42: {  	[sflag:s18] =	ssyncadd.s32 $0xFFFFFF80  }
0x43: {  	[spmem:s3] =	stream.indirect.scatter.add.f32 [tilespmem:s21], [sflag:$0x2], $0x10, s4, s23, $0xb8;
	[tilespmem:$0x5100] =	vst v63  }
0x44: {  	_ =	swait.ge [sflag:s18], $0x800  }
0x45: {  	[sflag:s18] =	ssyncset.done $0x0  }
0x46: {  	s28 =	sadd.s32 $0x0, s13;
	[sflag:s18] =	ssyncadd.s32 $0xFFFFF800  }
0x47: {  	[tilespmem:s4], [sflag:$0x2] =	stream.linear.gather [hbm4b:s28+s4], $0x80, $0x38;
	[tilespmem:$0x5100] =	vst v63  }
0x48: {  	_ =	swait.ge [sflag:s18], $0x80  }
0x49: {  	[sflag:s18] =	ssyncset.done $0x0  }
0x4a: {  	[sflag:s18] =	ssyncadd.s32 $0xFFFFFF80  }
0x4b: {  	[spmem:s3] =	stream.indirect.scatter.add.f32 [tilespmem:s22], [sflag:$0x2], $0x10, s4, s23, $0xb8;
	[tilespmem:$0x5100] =	vst v63  }
0x4c: {  	_ =	swait.ge [sflag:s18], $0x800  }
0x4d: {  	s31 =	simm.s32 $0x20;
	s28 =	simm.s32 $0x10;
	[sflag:s18] =	ssyncset.done $0x0  }
.LBB2_2:
0x4e: {  	s1 =	sadd.s32 s28, s16  }
0x4f: {  	[sflag:s18] =	ssyncadd.s32 $0xFFFFF800;
	s30 =	smov.u32 s31;
	s29 =	sadd.s32 $0x10, s31  }
0x50: {  	[tilespmem:s4], [sflag:$0x2] =	stream.linear.gather [hbm4b:s1+s4], $0x80, $0x38;
	[tilespmem:$0x5100] =	vst v63  }
0x51: {  	p0 =	sne.s32 s31, $0x4F0;
	_ =	swait.ge [sflag:s18], $0x80  }
0x52: {  	[sflag:s18] =	ssyncset.done $0x0  }
0x53: {  	[sflag:s18] =	ssyncadd.s32 $0xFFFFFF80  }
0x54: {  	[spmem:s3] =	stream.indirect.scatter.add.f32 [tilespmem:s19], [sflag:$0x2], $0x10, s4, s23, $0xb8;
	[tilespmem:$0x5100] =	vst v63  }
0x55: {  	_ =	swait.ge [sflag:s18], $0x800  }
0x56: {  	[sflag:s18] =	ssyncset.done $0x0  }
0x57: {  	s1 =	sadd.s32 s28, s15;
	[sflag:s18] =	ssyncadd.s32 $0xFFFFF800  }
0x58: {  	[tilespmem:s23], [sflag:$0x2] =	stream.linear.gather [hbm4b:s1+s4], $0x80, $0x38;
	[tilespmem:$0x5100] =	vst v63  }
0x59: {  	_ =	swait.ge [sflag:s18], $0x80  }
0x5a: {  	[sflag:s18] =	ssyncset.done $0x0  }
0x5b: {  	[sflag:s18] =	ssyncadd.s32 $0xFFFFFF80  }
0x5c: {  	[spmem:s3] =	stream.indirect.scatter.add.f32 [tilespmem:s20], [sflag:$0x2], $0x10, s23, s23, $0xb8;
	[tilespmem:$0x5100] =	vst v63  }
0x5d: {  	_ =	swait.ge [sflag:s18], $0x800  }
0x5e: {  	[sflag:s18] =	ssyncset.done $0x0  }
0x5f: {  	[sflag:s18] =	ssyncadd.s32 $0xFFFFF800  }
0x60: {  	[tilespmem:s24], [sflag:$0x1] =	stream.indirect.gather [hbm4b:s5+s23], $0x10, s23, s23, $0xb8;
	[tilespmem:$0x5100] =	vst v63  }
0x61: {  	_ =	swait.ge [sflag:s25], $0x800  }
0x62: {  	[sflag:s25] =	ssyncset.done $0x0  }
0x63: {  	[sflag:s25] =	ssyncadd.s32 $0xFFFFF800  }
0x64: {  	[spmem:s3] =	stream.indirect.scatter.add.f32 [tilespmem:s24], [sflag:$0x2], $0x10, s4, s23, $0xb8;
	[tilespmem:$0x5100] =	vst v63  }
0x65: {  	_ =	swait.ge [sflag:s18], $0x800  }
0x66: {  	[sflag:s18] =	ssyncset.done $0x0  }
0x67: {  	s1 =	sadd.s32 s28, s14;
	[sflag:s18] =	ssyncadd.s32 $0xFFFFF800  }
0x68: {  	[tilespmem:s4], [sflag:$0x2] =	stream.linear.gather [hbm4b:s1+s4], $0x80, $0x38;
	[tilespmem:$0x5100] =	vst v63  }
0x69: {  	_ =	swait.ge [sflag:s18], $0x80  }
0x6a: {  	[sflag:s18] =	ssyncset.done $0x0  }
0x6b: {  	[sflag:s18] =	ssyncadd.s32 $0xFFFFFF80  }
0x6c: {  	[spmem:s3] =	stream.indirect.scatter.add.f32 [tilespmem:s21], [sflag:$0x2], $0x10, s4, s23, $0xb8;
	[tilespmem:$0x5100] =	vst v63  }
0x6d: {  	_ =	swait.ge [sflag:s18], $0x800  }
0x6e: {  	[sflag:s18] =	ssyncset.done $0x0  }
0x6f: {  	s1 =	sadd.s32 s28, s13;
	s28 =	smov.u32 s30;
	[sflag:s18] =	ssyncadd.s32 $0xFFFFF800  }
0x70: {  	[tilespmem:s4], [sflag:$0x2] =	stream.linear.gather [hbm4b:s1+s4], $0x80, $0x38;
	[tilespmem:$0x5100] =	vst v63  }
0x71: {  	_ =	swait.ge [sflag:s18], $0x80  }
.Ltmp0:
0x72: {  	[sflag:s18] =	ssyncset.done $0x0;
	(pc) =	sbr.rel @p0 .LBB2_2-.Ltmp0, $4  }
0x73: {  	[sflag:s18] =	ssyncadd.s32 $0xFFFFFF80  }
0x74: {  	[spmem:s3] =	stream.indirect.scatter.add.f32 [tilespmem:s22], [sflag:$0x2], $0x10, s4, s23, $0xb8;
	[tilespmem:$0x5100] =	vst v63  }
0x75: {  	_ =	swait.ge [sflag:s18], $0x800  }
0x76: {  	s31 =	smov.u32 s29;
	[sflag:s18] =	ssyncset.done $0x0  }
0x77: {  	s1 =	sadd.s32 s28, s16;
	[sflag:s18] =	ssyncadd.s32 $0xFFFFF800  }
0x78: {  	[tilespmem:s4], [sflag:$0x2] =	stream.linear.gather [hbm4b:s1+s4], $0x80, $0x38;
	[tilespmem:$0x5100] =	vst v63  }
0x79: {  	_ =	swait.ge [sflag:s18], $0x80  }
0x7a: {  	[sflag:s18] =	ssyncset.done $0x0  }
0x7b: {  	[sflag:s18] =	ssyncadd.s32 $0xFFFFFF80  }
0x7c: {  	[spmem:s3] =	stream.indirect.scatter.add.f32 [tilespmem:s19], [sflag:$0x2], $0x10, s4, s23, $0xb8;
	[tilespmem:$0x5100] =	vst v63  }
0x7d: {  	_ =	swait.ge [sflag:s18], $0x800  }
0x7e: {  	[sflag:s18] =	ssyncset.done $0x0  }
0x7f: {  	s29 =	sadd.s32 s28, s15;
	[sflag:s18] =	ssyncadd.s32 $0xFFFFF800  }
0x80: {  	[tilespmem:s23], [sflag:$0x2] =	stream.linear.gather [hbm4b:s29+s4], $0x80, $0x38;
	[tilespmem:$0x5100] =	vst v63  }
0x81: {  	_ =	swait.ge [sflag:s18], $0x80  }
0x82: {  	[sflag:s18] =	ssyncset.done $0x0  }
0x83: {  	[sflag:s18] =	ssyncadd.s32 $0xFFFFFF80  }
0x84: {  	[spmem:s3] =	stream.indirect.scatter.add.f32 [tilespmem:s20], [sflag:$0x2], $0x10, s23, s23, $0xb8;
	[tilespmem:$0x5100] =	vst v63  }
0x85: {  	_ =	swait.ge [sflag:s18], $0x800  }
0x86: {  	[sflag:s18] =	ssyncset.done $0x0  }
0x87: {  	[sflag:s18] =	ssyncadd.s32 $0xFFFFF800  }
0x88: {  	[tilespmem:s24], [sflag:$0x1] =	stream.indirect.gather [hbm4b:s5+s23], $0x10, s23, s23, $0xb8;
	[tilespmem:$0x5100] =	vst v63  }
0x89: {  	_ =	swait.ge [sflag:s25], $0x800  }
0x8a: {  	[sflag:s25] =	ssyncset.done $0x0  }
0x8b: {  	[sflag:s25] =	ssyncadd.s32 $0xFFFFF800  }
0x8c: {  	[spmem:s3] =	stream.indirect.scatter.add.f32 [tilespmem:s24], [sflag:$0x2], $0x10, s4, s23, $0xb8;
	[tilespmem:$0x5100] =	vst v63  }
0x8d: {  	_ =	swait.ge [sflag:s18], $0x800  }
0x8e: {  	[sflag:s18] =	ssyncset.done $0x0  }
0x8f: {  	s30 =	sadd.s32 s28, s14;
	[sflag:s18] =	ssyncadd.s32 $0xFFFFF800  }
0x90: {  	[tilespmem:s4], [sflag:$0x2] =	stream.linear.gather [hbm4b:s30+s4], $0x80, $0x38;
	[tilespmem:$0x5100] =	vst v63  }
0x91: {  	_ =	swait.ge [sflag:s18], $0x80  }
0x92: {  	[sflag:s18] =	ssyncset.done $0x0  }
0x93: {  	[sflag:s18] =	ssyncadd.s32 $0xFFFFFF80  }
0x94: {  	[spmem:s3] =	stream.indirect.scatter.add.f32 [tilespmem:s21], [sflag:$0x2], $0x10, s4, s23, $0xb8;
	[tilespmem:$0x5100] =	vst v63  }
0x95: {  	_ =	swait.ge [sflag:s18], $0x800  }
0x96: {  	[sflag:s18] =	ssyncset.done $0x0  }
0x97: {  	s31 =	sadd.s32 s28, s13;
	[sflag:s18] =	ssyncadd.s32 $0xFFFFF800  }
0x98: {  	[tilespmem:s4], [sflag:$0x2] =	stream.linear.gather [hbm4b:s31+s4], $0x80, $0x38;
	[tilespmem:$0x5100] =	vst v63  }
0x99: {  	_ =	swait.ge [sflag:s18], $0x80  }
0x9a: {  	[sflag:s18] =	ssyncset.done $0x0  }
0x9b: {  	[sflag:s18] =	ssyncadd.s32 $0xFFFFFF80  }
0x9c: {  	[spmem:s3] =	stream.indirect.scatter.add.f32 [tilespmem:s22], [sflag:$0x2], $0x10, s4, s23, $0xb8;
	[tilespmem:$0x5100] =	vst v63  }
0x9d: {  	_ =	swait.ge [sflag:s18], $0x800  }
0x9e: {  	s26 =	sadd.s32 $0x1, s26;
	[sflag:s18] =	ssyncset.done $0x0  }
0x9f: {  	p0 =	sne.s32 s26, s12;
	[sflag:s18] =	ssyncadd.s32 $0xFFFFF800  }
.Ltmp1:
0xa0: {  	[bflag:$0x0] =	sbarrier.arrive $0xFFFF;
	(pc) =	sbr.rel @p0 .LBB2_1-.Ltmp1, $4  }
0xa1: {  	[hbm:s11], [sflag:s7] =	dma.local [spmem:s17], $0x500  }
0xa2: {  	_ =	swait.ge [sflag:s18], $0x500  }
0xa3: {  	[sflag:s18] =	ssyncset.done $0x0  }
0xa4: {  	[sflag:s18] =	ssyncadd.s32 $0xFFFFFB00  }
0xa5: {  	_ =	sfence.sel $0x180000  }
0xa6: {  	[bflag:$0x0] =	sbarrier.arrive $0xFFFF  }
0xa7: {  	_ =	strace $0x90000047  }
0xa8: {  	[bflag:$0x2] =	sbarrier.arrive $0xFFFF  }
0xa9: {  	p0 =	sne.s32 s0, $0x0;
	s0 =	rddreg [dreg:$0x5]  }
0xaa: {  	s0 =	sadd.s32 @!p0 $0x100000, s0  }
0xab: {  	[sflag:s0] =	ssyncadd.tile.s32 @!p0 $0x1;
	_ =	shalt  }
.Lfunc_end2:
_tile_overlayer_lowered:
.L_overlay_start_2:
0xac: {  	(tag) =	ssettag $0x2  }
0xad: {  	s0 =	rddreg [dreg:$0x0];
	s2 =	stileid.u32  }
0xae: {  	s1 =	rddreg [dreg:$0x1];
	p0 =	sne.s32 s2, $0x0  }
0xaf: {  	s3 =	rddreg [dreg:$0x2];
	[bflag:$0x3] =	sbarrier.arrive $0xFFFF;
	s2 =	simm.s32 @!p0 $0x1C02  }
0xb0: {  	[timem:s3], [sflag:s2] =	dma.local @!p0 [hbm:s0], s1  }
0xb1: {  	s0 =	simm.s32 @!p0 $0x2  }
0xb2: {  	_ =	swait.ge @!p0 [sflag:s0], s1  }
0xb3: {  	s1 =	ssub.s32 @!p0 $0x0, s1;
	[sflag:s0] =	ssyncset.done @!p0 $0x0  }
0xb4: {  	[sflag:s0] =	ssyncadd.s32 @!p0 s1  }
0xb5: {  	[bflag:$0x3] =	sbarrier.arrive $0xFFFF  }
0xb6: {  	_ =	shalt  }

// kernel: kernel.17.cloned.1.call-start
scs
__scs_entry_jumppad:
0x0: {  	(pc) =	sbr.rel $0x88, $3  }
0x1: {  	(tag) =	ssettag $0x0;
	lr =	simm.s32 $0x1  }
0x2: {  	[smem:$0x3F8E] =	sst lr;
	_ =	strace $0xD0000000  }
0x3: {  	_ = 	snop  }
0x4: {  	_ = 	snop  }
0x5: {  	_ = 	snop  }
0x6: {  	_ = 	snop  }
0x7: {  	_ = 	snop  }
__scs_overlays_trampoline_lowered:
0x8: {  	[smem:$0x3F9D] =	sst s0  }
0x9: {  	[smem:$0x3F9E] =	sst s1  }
0xa: {  	[smem:$0x3F9F] =	sst s2  }
0xb: {  	[smem:$0x3FA0] =	sst s3  }
0xc: {  	[smem:$0x3FA1] =	sst s4  }
0xd: {  	[smem:$0x3FA2] =	sst s5  }
0xe: {  	[smem:$0x3FA3] =	sst s6  }
0xf: {  	[smem:$0x3FA4] =	sst s7  }
0x10: {  	[smem:$0x3FA5] =	sst s8  }
0x11: {  	[smem:$0x3FA6] =	sst s9;
	s0 =	simm.s32 @!p0 $0x0  }
0x12: {  	s1 =	sld [smem:$0x3F8C];
	s0 =	simm.s32 @p0 $0x1  }
0x13: {  	[smem:$0x3FA7] =	sst s0;
	s0 =	simm.s32 @!p1 $0x0  }
0x14: {  	s2 =	sld [smem:$0x3F8B];
	s0 =	simm.s32 @p1 $0x1  }
0x15: {  	[smem:$0x3FA8] =	sst s0;
	s0 =	simm.s32 @!p2 $0x0  }
0x16: {  	s3 =	sld [smem:$0x3FDB];
	s0 =	simm.s32 @p2 $0x1  }
0x17: {  	s4 =	simm.s32 $0x1BF5;
	[smem:$0x3FAA] =	sst s0  }
0x18: {  	s0 =	sld [smem:$0x3F8D];
	_ =	swait.ge [sflag:s4], $0x0  }
0x19: {  	s7 =	sld [smem:$0x3F8E]  }
0x1a: {  	s8 =	sadd.s32 $0xFFFFE003, lr  }
0x1b: {  	s9 =	sadd.s32 $0xFFFFFEF7, lr;
	s5 =	simm.s32 $0xFFFFFFFF;
	p2 =	slt.u32 s8, $0xFFFFF086  }
0x1c: {  	p1 =	slt.u32 s9, $0xF7A;
	s5 =	simm.s32 @!p2 $0x0  }
0x1d: {  	s5 =	simm.s32 @p1 $0x1;
	p0 =	seq.s32 s7, s2  }
0x1e: {  	s7 =	smul.u32 @!p0 $0xF7A, s2;
	p2 =	seq.s32 @!p0 s5, $0x0  }
0x1f: {  	s9 =	smul.u32 $0xF7A, s1;
	s8 =	simm.s32 @!p0 $0x1BF5;
	p2 =	por !p2, p0  }
0x20: {  	[sflag:s8] =	ssyncset.s32 @!p0 $0xFFFFF086;
	s6 =	sadd.s32 @!p0 s3, s7;
	s7 =	simm.s32 @!p0 $0x108  }
0x21: {  	s3 =	sadd.s32 s3, s9;
	s6 =	sadd.s32 @!p0 $0x88, s6;
	s7 =	simm.s32 @p2 $0x1082  }
0x22: {  	[simem:s7], [sflag:s8] =	dma.local @!p0 [hbm:s6], $0xF7A  }
0x23: {  	s9 =	sor.u32 $0xD0000000, s2;
	s6 =	simm.s32 $0x108;
	_ =	swait.ge @!p0 [sflag:s8], $0x0  }
0x24: {  	s3 =	sadd.s32 $0x88, s3;
	s6 =	simm.s32 @!p1 $0x1082;
	[sflag:s4] =	ssyncset.s32 $0xFFFFF086  }
0x25: {  	[simem:s6], [sflag:s4] =	dma.local [hbm:s3], $0xF7A  }
0x26: {  	[smem:$0x3F8E] =	sst s1;
	(tag) =	ssettag s2;
	_ =	strace s9  }
0x27: {  	s1 =	sld [smem:$0x3F9E]  }
0x28: {  	s2 =	sld [smem:$0x3F9F]  }
0x29: {  	s4 =	sld [smem:$0x3FA1]  }
0x2a: {  	p0 =	seq.s32 s5, $0x0;
	s5 =	sld [smem:$0x3FA2]  }
0x2b: {  	s6 =	sld [smem:$0x3FA3]  }
0x2c: {  	s7 =	sld [smem:$0x3FA4]  }
0x2d: {  	s3 =	simm.s32 $0x108;
	s8 =	sld [smem:$0x3FA5]  }
0x2e: {  	s3 =	simm.s32 @!p0 $0x1082;
	s9 =	sld [smem:$0x3FA6]  }
0x2f: {  	lr =	sadd.s32 s0, s3;
	s0 =	sld [smem:$0x3F9D]  }
0x30: {  	s3 =	sld [smem:$0x3FA0]  }
0x31: {  	[smem:$0x3FA9] =	sst s10  }
0x32: {  	s10 =	sld [smem:$0x3FA7];
	_ =	sdelay $0x3  }
0x33: {  	p0 =	seq.s32 s10, $0x1;
	s10 =	sld [smem:$0x3FA9];
	_ =	sdelay $0x3  }
0x34: {  	[smem:$0x3FA9] =	sst s10  }
0x35: {  	s10 =	sld [smem:$0x3FA8];
	_ =	sdelay $0x3  }
0x36: {  	p1 =	seq.s32 s10, $0x1;
	s10 =	sld [smem:$0x3FA9];
	_ =	sdelay $0x3  }
0x37: {  	[smem:$0x3FA9] =	sst s10  }
0x38: {  	s10 =	sld [smem:$0x3FAA]  }
0x39: {  	_ = 	snop;
	(pc) =	sbr.ind lr, $3  }
0x3a: {  	_ = 	snop  }
0x3b: {  	_ = 	snop  }
0x3c: {  	p2 =	seq.s32 s10, $0x1;
	s10 =	sld [smem:$0x3FA9]  }
0x3d: {  	_ =	shalt  }
0x3e: {  	_ =	shalt  }
0x3f: {  	_ =	shalt  }
0x40: {  	_ =	shalt  }
0x41: {  	_ =	shalt  }
0x42: {  	_ =	shalt  }
0x43: {  	_ =	shalt  }
0x44: {  	_ =	shalt  }
0x45: {  	_ =	shalt  }
0x46: {  	_ =	shalt  }
0x47: {  	_ =	shalt  }
0x48: {  	_ =	shalt  }
0x49: {  	_ =	shalt  }
0x4a: {  	_ =	shalt  }
0x4b: {  	_ =	shalt  }
0x4c: {  	_ =	shalt  }
0x4d: {  	_ =	shalt  }
0x4e: {  	_ =	shalt  }
0x4f: {  	_ =	shalt  }
0x50: {  	_ =	shalt  }
0x51: {  	_ =	shalt  }
0x52: {  	_ =	shalt  }
0x53: {  	_ =	shalt  }
0x54: {  	_ =	shalt  }
0x55: {  	_ =	shalt  }
0x56: {  	_ =	shalt  }
0x57: {  	_ =	shalt  }
0x58: {  	_ =	shalt  }
0x59: {  	_ =	shalt  }
0x5a: {  	_ =	shalt  }
0x5b: {  	_ =	shalt  }
0x5c: {  	_ =	shalt  }
0x5d: {  	_ =	shalt  }
0x5e: {  	_ =	shalt  }
0x5f: {  	_ =	shalt  }
0x60: {  	_ =	shalt  }
0x61: {  	_ =	shalt  }
0x62: {  	_ =	shalt  }
0x63: {  	_ =	shalt  }
0x64: {  	_ =	shalt  }
0x65: {  	_ =	shalt  }
0x66: {  	_ =	shalt  }
0x67: {  	_ =	shalt  }
0x68: {  	_ =	shalt  }
0x69: {  	_ =	shalt  }
0x6a: {  	_ =	shalt  }
0x6b: {  	_ =	shalt  }
0x6c: {  	_ =	shalt  }
0x6d: {  	_ =	shalt  }
0x6e: {  	_ =	shalt  }
0x6f: {  	_ =	shalt  }
0x70: {  	_ =	shalt  }
0x71: {  	_ =	shalt  }
0x72: {  	_ =	shalt  }
0x73: {  	_ =	shalt  }
0x74: {  	_ =	shalt  }
0x75: {  	_ =	shalt  }
0x76: {  	_ =	shalt  }
0x77: {  	_ =	shalt  }
0x78: {  	_ =	shalt  }
0x79: {  	_ =	shalt  }
0x7a: {  	_ =	shalt  }
0x7b: {  	_ =	shalt  }
0x7c: {  	_ =	shalt  }
0x7d: {  	_ =	shalt  }
0x7e: {  	_ =	shalt  }
0x7f: {  	_ =	shalt  }
0x80: {  	_ =	shalt  }
0x81: {  	_ =	shalt  }
0x82: {  	_ =	shalt  }
0x83: {  	_ =	shalt  }
0x84: {  	_ =	shalt  }
0x85: {  	_ =	shalt  }
0x86: {  	_ =	shalt  }
0x87: {  	_ =	shalt  }
.Lfunc_end0:
.L_simem_size_0:
called_computation.1_lowered:
.L_overlay_start_0:
0x88: {  	s2 =	sld [smem:$0x3FD9]  }
0x89: {  	s3 =	sld [smem:$0x3FFE];
	_ =	sdelay $0x1  }
0x8a: {  	s1 =	srdreg.scid  }
0x8b: {  	s0 =	sand.u32 $0x1, s1  }
0x8c: {  	s15 =	sshll.u32 s0, $0xA;
	s2 =	sadd.s32 s3, s2  }
0x8d: {  	s2 =	sadd.s32 s2, s15  }
0x8e: {  	[smem:$0x3FB5] =	sst s2  }
0x8f: {  	_ = 	snop  }
0x90: {  	s2 =	sld [smem:$0x3FD0];
	_ =	sdelay $0x2  }
0x91: {  	s4 =	simm.s32 $0xC;
	s16 =	simm.s32 $0x10  }
0x92: {  	[smem:s16], [sflag:s4] =	dma.local [hbm:s2], $0x1  }
0x93: {  	_ =	swait.eq [sflag:s4], $0x1  }
0x94: {  	[sflag:s4] =	ssyncset.done $0x0  }
0x95: {  	s17 =	sld [smem:$0x10];
	[sflag:s4] =	ssyncadd.s32 $0xFFFFFFFF  }
0x96: {  	s18 =	sld [smem:$0x12];
	(tm) =	ssettm $0x1  }
0x97: {  	s19 =	sld [smem:$0x3FFB];
	_ =	sdelay $0x3  }
0x98: {  	_ =	strace s19  }
0x99: {  	s2 =	sld [smem:$0x3FFC];
	_ =	sdelay $0x3  }
0x9a: {  	_ =	strace s2  }
0x9b: {  	s2 =	sld [smem:$0x3FFD];
	_ =	sdelay $0x3  }
0x9c: {  	_ =	strace s2  }
0x9d: {  	_ =	strace $0x8FFFFFFF  }
0x9e: {  	s20 =	sld [smem:$0x3FDB];
	_ =	sdelay $0x1  }
0x9f: {  	s5 =	simm.s32 $_scs_section_size  }
0xa0: {  	s6 =	simm.s32 $_size__tile_overlayer_lowered;
	s7 =	simm.s32 $_tile_overlayer_lowered  }
0xa1: {  	s8 =	simm.s32 $0x1BFF;
	s21 =	sshll.u32 s7, $0x1;
	s5 =	sadd.s32 s5, s20  }
0xa2: {  	s22 =	simm.s32 $0x0;
	s6 =	sshll.u32 s6, $0x1;
	s7 =	sadd.s32 s21, s5  }
0xa3: {  	[timem:s22], [sflag:s8] =	dma.local [hbm:s7], s6  }
0xa4: {  	_ =	swait.ge [sflag:s8], s6  }
0xa5: {  	s6 =	ssub.s32 $0x0, s6;
	[sflag:s8] =	ssyncset.done $0x0  }
0xa6: {  	[sflag:s8] =	ssyncadd.s32 s6;
	_ =	sdelay $0x1  }
0xa7: {  	s23 =	simm.s32 $0x1B8B  }
0xa8: {  	_ =	swait.ge [sflag:s23], $0x1  }
0xa9: {  	[sflag:s23] =	ssyncset.done $0x0  }
0xaa: {  	[sflag:s23] =	ssyncadd.s32 $0xFFFFFFFF  }
0xab: {  	s6 =	sld [smem:$0x0]  }
0xac: {  	s7 =	sand.u32 $0xFFFFFFFE, s1  }
0xad: {  	p0 =	sne.s32 s1, s7  }
0xae: {  	s7 =	sshll.u32 @p0 s7, $0xE  }
0xaf: {  	s7 =	sadd.s32 @p0 $0x11B8D, s7;
	s8 =	sshll.u32 @p0 s6, $0x11  }
0xb0: {  	s7 =	sor.u32 @p0 s8, s7  }
0xb1: {  	[sflag:s7] =	ssyncadd.remote.s32 @p0 $0x1;
	_ =	sdelay $0x1  }
0xb2: {  	s7 =	simm.s32 @p0 $0x1B8D  }
0xb3: {  	_ =	swait.eq @p0 [sflag:s7], $0x1  }
0xb4: {  	[sflag:s7] =	ssyncadd.s32 @p0 $0xFFFFFFFF  }
0xb5: {  	s8 =	sshll.u32 @!p0 s1, $0xE  }
0xb6: {  	s8 =	sor.u32 @!p0 $0x4000, s8;
	s7 =	simm.s32 @!p0 $0x1B8D  }
0xb7: {  	s6 =	sshll.u32 @!p0 s6, $0x11;
	s8 =	sadd.s32 @!p0 $0x11B8D, s8;
	_ =	swait.eq @!p0 [sflag:s7], $0x1  }
0xb8: {  	s6 =	sor.u32 @!p0 s6, s8;
	[sflag:s7] =	ssyncadd.s32 @!p0 $0xFFFFFFFF  }
0xb9: {  	s25 =	simm.s32 $0x1B8E;
	s24 =	sld [smem:$0x3FFE];
	[sflag:s6] =	ssyncadd.remote.s32 @!p0 $0x1  }
0xba: {  	s26 =	simm.s32 $execute0_lowered;
	[smem:$0x3FD2] =	sst s25  }
0xbb: {  	s7 =	sshll.u32 s26, $0x1;
	_ =	strace $0x80000049;
	[dreg:$0x1] =	wrdreg $0xFFFFFFFF  }
0xbc: {  	s28 =	simm.s32 $_size_execute0_lowered;
	s5 =	sadd.s32 s5, s7;
	[dreg:$0x0] =	wrdreg $0x0  }
0xbd: {  	s7 =	sshll.u32 s28, $0x1;
	[dreg:$0x2] =	wrdreg s5  }
0xbe: {  	[dreg:$0x3] =	wrdreg s7  }
0xbf: {  	[dreg:$0x4] =	wrdreg $0xC0  }
0xc0: {  	_ =	task [dreg:s22], $0x5FFFF  }
0xc1: {  	[dreg:$0x1] =	wrdreg $0xFFFFFFFF  }
0xc2: {  	[dreg:$0x0] =	wrdreg $0x60  }
0xc3: {  	[dreg:$0x2] =	wrdreg s24  }
0xc4: {  	[dreg:$0x3] =	wrdreg s18  }
0xc5: {  	[dreg:$0x4] =	wrdreg s17  }
0xc6: {  	[dreg:$0x5] =	wrdreg $0x41000  }
0xc7: {  	[dreg:$0x6] =	wrdreg $0xA  }
0xc8: {  	_ =	task.clear_ibuf [dreg:s22], $0x7FFFF;
	_ =	strace $0x90000049  }
0xc9: {  	s29 =	simm.s32 $0xA;
	_ =	strace $0x8000004B  }
0xca: {  	_ =	swait.ge [sflag:s29], $0x1  }
0xcb: {  	[sflag:s29] =	ssyncadd.s32 $0xFFFFFFFF  }
0xcc: {  	_ =	strace $0x9000004B  }
0xcd: {  	_ =	sfence  }
0xce: {  	s30 =	sld [smem:$0x0];
	_ =	sdelay $0x2  }
0xcf: {  	s31 =	sshll.u32 s1, $0xD;
	s1 =	sshrl.u32 s1, $0x2  }
0xd0: {  	s4 =	sand.u32 $0x4000, s31;
	s1 =	sadd.s32 s1, s30  }
0xd1: {  	s0 =	sor.u32 s4, s0;
	s1 =	sshll.u32 s1, $0x11  }
0xd2: {  	s0 =	sor.u32 s1, s0  }
0xd3: {  	s0 =	sadd.s32 $0x8F2B, s0  }
0xd4: {  	[sflag:s0] =	ssyncadd.remote.s32 $0x1  }
0xd5: {  	_ =	sfence.sel $0xFFFF  }
0xd6: {  	[dreg:$0x0] =	wrdreg $0xFFFFFFFF;
	(pc) =	sbr.abs _section_cstart, $3  }
0xd7: {  	[dreg:$0x1] =	wrdreg $0xFFFFFFFF  }
0xd8: {  	_ =	task.clear_ibuf [dreg:s22], $0x2FFFF;
	_ =	strace $0x9FFFFFFF  }
0xd9: {  	(tm) =	ssettm $0x7FFFFFFF  }
tec
execute0_lowered:
.L_overlay_start_1:
0x0: {  	(tag) =	ssettag $0x1  }
0x1: {  	s5 =	rddreg [dreg:$0x0]  }
0x2: {  	s8 =	rddreg [dreg:$0x1]  }
0x3: {  	s9 =	rddreg [dreg:$0x2]  }
0x4: {  	s2 =	rddreg [dreg:$0x3]  }
0x5: {  	s0 =	rddreg [dreg:$0x4];
	s1 =	stileid.u32  }
0x6: {  	s4 =	srdreg.scid;
	s3 =	simm.s32 $0x0;
	s6 =	smul.u32 $0x14000, s1  }
0x7: {  	s15 =	simm.s32 $0x1;
	s16 =	simm.s32 $0x0;
	s12 =	smul.u32 $0x50000, s1  }
0x8: {  	s7 =	sand.u32 $0x1, s4;
	[smem:$0x7FF] =	sst s3;
	s31 =	smul.u32 $0x500, s1  }
0x9: {  	s4 =	sadd.s32 $0x12A400, s5;
	s29 =	sshll.u32 s1, $0x6;
	s10 =	smul.u32 $0x140000, s7  }
0xa: {  	_ =	strace $0x8000004A;
	s26 =	ssub.s32 $0x2, s7;
	s30 =	smul.u32 $0x5000, s7  }
0xb: {  	s11 =	sshrl.u32 s6, $0x3;
	s13 =	sshrl.u32 s26, $0x1;
	s28 =	sshrl.u32 s12, $0x2  }
0xc: {  	s6 =	sadd.s32 s6, s10;
	s11 =	sadd.s32 s11, s5;
	s10 =	ssub.s32 s26, s13  }
0xd: {  	s12 =	sadd.s32 s28, s2;
	s9 =	sadd.s32 s30, s9;
	s13 =	sadd.s32 s30, s8  }
0xe: {  	s6 =	sshrl.u32 s6, $0x3;
	s8 =	smax.u32 s10, $0x1;
	s9 =	sadd.s32 s31, s9  }
0xf: {  	s10 =	sadd.s32 s31, s13;
	s13 =	simm.s32 $0x80;
	s14 =	sadd.s32 s6, s5  }
0x10: {  	s5 =	sadd.s32 $0x152400, s11;
	s6 =	sor.u32 $0x1C02, s29;
	s11 =	sshrl.u32 s12, $0x3  }
0x11: {  	s12 =	simm.s32 $0x2;
	s7 =	sadd.s32 $0x17A400, s14;
	s14 =	simm.s32 $0x100  }
.LBB2_1:
0x12: {  	[spmem:s11], [sflag:s6] =	dma.local [hbm:s5], $0x2800  }
0x13: {  	_ =	swait.ge [sflag:s12], $0x2800  }
0x14: {  	[sflag:s12] =	ssyncset.done $0x0  }
0x15: {  	[sflag:s12] =	ssyncadd.s32 $0xFFFFD800  }
0x16: {  	s17 =	sadd.s32 $0x0, s10;
	[bflag:$0x0] =	sbarrier.arrive $0xFFFF  }
0x17: {  	[tilespmem:s3], [sflag:$0x2] =	stream.linear.gather [hbm4b:s17+s3], $0x80, $0x38;
	[tilespmem:$0x18100] =	vst v63  }
0x18: {  	_ =	swait.ge [sflag:s12], $0x80  }
0x19: {  	[sflag:s12] =	ssyncset.done $0x0  }
0x1a: {  	s31 =	sadd.s32 $0x0, s9;
	[sflag:s12] =	ssyncadd.s32 $0xFFFFFF80  }
0x1b: {  	[tilespmem:s13], [sflag:$0x2] =	stream.linear.gather [hbm4b:s31+s3], $0x80, $0x38;
	[tilespmem:$0x18100] =	vst v63  }
0x1c: {  	_ =	swait.ge [sflag:s12], $0x80  }
0x1d: {  	[sflag:s12] =	ssyncset.done $0x0  }
0x1e: {  	[sflag:s12] =	ssyncadd.s32 $0xFFFFFF80  }
0x1f: {  	[tilespmem:s14], [sflag:$0x1] =	stream.indirect.gather [hbm4b:s4+s13], $0x80, s3, s13, $0xb8;
	[tilespmem:$0x18100] =	vst v63  }
0x20: {  	_ =	swait.ge [sflag:s15], $0x4000  }
0x21: {  	[sflag:s15] =	ssyncset.done $0x0  }
0x22: {  	[sflag:s15] =	ssyncadd.s32 $0xFFFFC000  }
0x23: {  	[spmem:s2] =	stream.indirect.scatter.add.f32 [tilespmem:s14], [sflag:$0x2], $0x80, s13, s13, $0xb8;
	[tilespmem:$0x18100] =	vst v63  }
0x24: {  	_ =	swait.ge [sflag:s12], $0x4000  }
0x25: {  	s18 =	simm.s32 $0x20;
	s17 =	simm.s32 $0x10;
	[sflag:s12] =	ssyncset.done $0x0  }
.LBB2_2:
0x26: {  	s19 =	sadd.s32 s17, s10  }
0x27: {  	[sflag:s12] =	ssyncadd.s32 $0xFFFFC000;
	s20 =	smov.u32 s18;
	s21 =	sadd.s32 $0x10, s18  }
0x28: {  	[tilespmem:s3], [sflag:$0x2] =	stream.linear.gather [hbm4b:s19+s3], $0x80, $0x38;
	[tilespmem:$0x18100] =	vst v63  }
0x29: {  	p0 =	sne.s32 s18, $0x4F0;
	_ =	swait.ge [sflag:s12], $0x80  }
0x2a: {  	[sflag:s12] =	ssyncset.done $0x0  }
0x2b: {  	s18 =	sadd.s32 s17, s9;
	s17 =	smov.u32 s20;
	[sflag:s12] =	ssyncadd.s32 $0xFFFFFF80  }
0x2c: {  	[tilespmem:s13], [sflag:$0x2] =	stream.linear.gather [hbm4b:s18+s3], $0x80, $0x38;
	[tilespmem:$0x18100] =	vst v63  }
0x2d: {  	_ =	swait.ge [sflag:s12], $0x80  }
0x2e: {  	[sflag:s12] =	ssyncset.done $0x0  }
0x2f: {  	[sflag:s12] =	ssyncadd.s32 $0xFFFFFF80  }
0x30: {  	[tilespmem:s14], [sflag:$0x1] =	stream.indirect.gather [hbm4b:s4+s13], $0x80, s3, s13, $0xb8;
	[tilespmem:$0x18100] =	vst v63  }
0x31: {  	_ =	swait.ge [sflag:s15], $0x4000  }
.Ltmp0:
0x32: {  	[sflag:s15] =	ssyncset.done $0x0;
	(pc) =	sbr.rel @p0 .LBB2_2-.Ltmp0, $4  }
0x33: {  	[sflag:s15] =	ssyncadd.s32 $0xFFFFC000  }
0x34: {  	[spmem:s2] =	stream.indirect.scatter.add.f32 [tilespmem:s14], [sflag:$0x2], $0x80, s13, s13, $0xb8;
	[tilespmem:$0x18100] =	vst v63  }
0x35: {  	_ =	swait.ge [sflag:s12], $0x4000  }
0x36: {  	s18 =	smov.u32 s21;
	[sflag:s12] =	ssyncset.done $0x0  }
0x37: {  	s18 =	sadd.s32 s17, s10;
	[sflag:s12] =	ssyncadd.s32 $0xFFFFC000  }
0x38: {  	[tilespmem:s3], [sflag:$0x2] =	stream.linear.gather [hbm4b:s18+s3], $0x80, $0x38;
	[tilespmem:$0x18100] =	vst v63  }
0x39: {  	_ =	swait.ge [sflag:s12], $0x80  }
0x3a: {  	[sflag:s12] =	ssyncset.done $0x0  }
0x3b: {  	s31 =	sadd.s32 s17, s9;
	[sflag:s12] =	ssyncadd.s32 $0xFFFFFF80  }
0x3c: {  	[tilespmem:s13], [sflag:$0x2] =	stream.linear.gather [hbm4b:s31+s3], $0x80, $0x38;
	[tilespmem:$0x18100] =	vst v63  }
0x3d: {  	_ =	swait.ge [sflag:s12], $0x80  }
0x3e: {  	[sflag:s12] =	ssyncset.done $0x0  }
0x3f: {  	[sflag:s12] =	ssyncadd.s32 $0xFFFFFF80  }
0x40: {  	[tilespmem:s14], [sflag:$0x1] =	stream.indirect.gather [hbm4b:s4+s13], $0x80, s3, s13, $0xb8;
	[tilespmem:$0x18100] =	vst v63  }
0x41: {  	_ =	swait.ge [sflag:s15], $0x4000  }
0x42: {  	[sflag:s15] =	ssyncset.done $0x0  }
0x43: {  	[sflag:s15] =	ssyncadd.s32 $0xFFFFC000  }
0x44: {  	[spmem:s2] =	stream.indirect.scatter.add.f32 [tilespmem:s14], [sflag:$0x2], $0x80, s13, s13, $0xb8;
	[tilespmem:$0x18100] =	vst v63  }
0x45: {  	_ =	swait.ge [sflag:s12], $0x4000  }
0x46: {  	s16 =	sadd.s32 $0x1, s16;
	[sflag:s12] =	ssyncset.done $0x0  }
0x47: {  	p0 =	sne.s32 s16, s8;
	[sflag:s12] =	ssyncadd.s32 $0xFFFFC000  }
.Ltmp1:
0x48: {  	[bflag:$0x0] =	sbarrier.arrive $0xFFFF;
	(pc) =	sbr.rel @p0 .LBB2_1-.Ltmp1, $4  }
0x49: {  	[hbm:s7], [sflag:s6] =	dma.local [spmem:s11], $0x2800  }
0x4a: {  	_ =	swait.ge [sflag:s12], $0x2800  }
0x4b: {  	[sflag:s12] =	ssyncset.done $0x0  }
0x4c: {  	[sflag:s12] =	ssyncadd.s32 $0xFFFFD800  }
0x4d: {  	_ =	sfence.sel $0x180000  }
0x4e: {  	[bflag:$0x0] =	sbarrier.arrive $0xFFFF  }
0x4f: {  	p0 =	sne.s32 s1, $0x0;
	_ =	strace $0x9000004A  }
0x50: {  	s0 =	sadd.s32 @!p0 $0x100000, s0;
	[bflag:$0x2] =	sbarrier.arrive $0xFFFF  }
0x51: {  	[sflag:s0] =	ssyncadd.tile.s32 @!p0 $0x1;
	_ =	shalt  }
.Lfunc_end2:
_tile_overlayer_lowered:
.L_overlay_start_2:
0x52: {  	(tag) =	ssettag $0x2  }
0x53: {  	s0 =	rddreg [dreg:$0x0];
	s2 =	stileid.u32  }
0x54: {  	s1 =	rddreg [dreg:$0x1];
	p0 =	sne.s32 s2, $0x0  }
0x55: {  	s3 =	rddreg [dreg:$0x2];
	[bflag:$0x3] =	sbarrier.arrive $0xFFFF;
	s2 =	simm.s32 @!p0 $0x1C02  }
0x56: {  	[timem:s3], [sflag:s2] =	dma.local @!p0 [hbm:s0], s1  }
0x57: {  	s0 =	simm.s32 @!p0 $0x2  }
0x58: {  	_ =	swait.ge @!p0 [sflag:s0], s1  }
0x59: {  	s1 =	ssub.s32 @!p0 $0x0, s1;
	[sflag:s0] =	ssyncset.done @!p0 $0x0  }
0x5a: {  	[sflag:s0] =	ssyncadd.s32 @!p0 s1  }
0x5b: {  	[bflag:$0x3] =	sbarrier.arrive $0xFFFF  }
0x5c: {  	_ =	shalt  }

// kernel: kernel.20.cloned.1.call-start
scs
__scs_entry_jumppad:
0x0: {  	(pc) =	sbr.rel $0x88, $3  }
0x1: {  	(tag) =	ssettag $0x0;
	lr =	simm.s32 $0x1  }
0x2: {  	[smem:$0x3F8E] =	sst lr;
	_ =	strace $0xD0000000  }
0x3: {  	_ = 	snop  }
0x4: {  	_ = 	snop  }
0x5: {  	_ = 	snop  }
0x6: {  	_ = 	snop  }
0x7: {  	_ = 	snop  }
__scs_overlays_trampoline_lowered:
0x8: {  	[smem:$0x3F9D] =	sst s0  }
0x9: {  	[smem:$0x3F9E] =	sst s1  }
0xa: {  	[smem:$0x3F9F] =	sst s2  }
0xb: {  	[smem:$0x3FA0] =	sst s3  }
0xc: {  	[smem:$0x3FA1] =	sst s4  }
0xd: {  	[smem:$0x3FA2] =	sst s5  }
0xe: {  	[smem:$0x3FA3] =	sst s6  }
0xf: {  	[smem:$0x3FA4] =	sst s7  }
0x10: {  	[smem:$0x3FA5] =	sst s8  }
0x11: {  	[smem:$0x3FA6] =	sst s9;
	s0 =	simm.s32 @!p0 $0x0  }
0x12: {  	s1 =	sld [smem:$0x3F8C];
	s0 =	simm.s32 @p0 $0x1  }
0x13: {  	[smem:$0x3FA7] =	sst s0;
	s0 =	simm.s32 @!p1 $0x0  }
0x14: {  	s2 =	sld [smem:$0x3F8B];
	s0 =	simm.s32 @p1 $0x1  }
0x15: {  	[smem:$0x3FA8] =	sst s0;
	s0 =	simm.s32 @!p2 $0x0  }
0x16: {  	s3 =	sld [smem:$0x3FDB];
	s0 =	simm.s32 @p2 $0x1  }
0x17: {  	s4 =	simm.s32 $0x1BF5;
	[smem:$0x3FAA] =	sst s0  }
0x18: {  	s0 =	sld [smem:$0x3F8D];
	_ =	swait.ge [sflag:s4], $0x0  }
0x19: {  	s7 =	sld [smem:$0x3F8E]  }
0x1a: {  	s8 =	sadd.s32 $0xFFFFE003, lr  }
0x1b: {  	s9 =	sadd.s32 $0xFFFFFEF7, lr;
	s5 =	simm.s32 $0xFFFFFFFF;
	p2 =	slt.u32 s8, $0xFFFFF086  }
0x1c: {  	p1 =	slt.u32 s9, $0xF7A;
	s5 =	simm.s32 @!p2 $0x0  }
0x1d: {  	s5 =	simm.s32 @p1 $0x1;
	p0 =	seq.s32 s7, s2  }
0x1e: {  	s7 =	smul.u32 @!p0 $0xF7A, s2;
	p2 =	seq.s32 @!p0 s5, $0x0  }
0x1f: {  	s9 =	smul.u32 $0xF7A, s1;
	s8 =	simm.s32 @!p0 $0x1BF5;
	p2 =	por !p2, p0  }
0x20: {  	[sflag:s8] =	ssyncset.s32 @!p0 $0xFFFFF086;
	s6 =	sadd.s32 @!p0 s3, s7;
	s7 =	simm.s32 @!p0 $0x108  }
0x21: {  	s3 =	sadd.s32 s3, s9;
	s6 =	sadd.s32 @!p0 $0x88, s6;
	s7 =	simm.s32 @p2 $0x1082  }
0x22: {  	[simem:s7], [sflag:s8] =	dma.local @!p0 [hbm:s6], $0xF7A  }
0x23: {  	s9 =	sor.u32 $0xD0000000, s2;
	s6 =	simm.s32 $0x108;
	_ =	swait.ge @!p0 [sflag:s8], $0x0  }
0x24: {  	s3 =	sadd.s32 $0x88, s3;
	s6 =	simm.s32 @!p1 $0x1082;
	[sflag:s4] =	ssyncset.s32 $0xFFFFF086  }
0x25: {  	[simem:s6], [sflag:s4] =	dma.local [hbm:s3], $0xF7A  }
0x26: {  	[smem:$0x3F8E] =	sst s1;
	(tag) =	ssettag s2;
	_ =	strace s9  }
0x27: {  	s1 =	sld [smem:$0x3F9E]  }
0x28: {  	s2 =	sld [smem:$0x3F9F]  }
0x29: {  	s4 =	sld [smem:$0x3FA1]  }
0x2a: {  	p0 =	seq.s32 s5, $0x0;
	s5 =	sld [smem:$0x3FA2]  }
0x2b: {  	s6 =	sld [smem:$0x3FA3]  }
0x2c: {  	s7 =	sld [smem:$0x3FA4]  }
0x2d: {  	s3 =	simm.s32 $0x108;
	s8 =	sld [smem:$0x3FA5]  }
0x2e: {  	s3 =	simm.s32 @!p0 $0x1082;
	s9 =	sld [smem:$0x3FA6]  }
0x2f: {  	lr =	sadd.s32 s0, s3;
	s0 =	sld [smem:$0x3F9D]  }
0x30: {  	s3 =	sld [smem:$0x3FA0]  }
0x31: {  	[smem:$0x3FA9] =	sst s10  }
0x32: {  	s10 =	sld [smem:$0x3FA7];
	_ =	sdelay $0x3  }
0x33: {  	p0 =	seq.s32 s10, $0x1;
	s10 =	sld [smem:$0x3FA9];
	_ =	sdelay $0x3  }
0x34: {  	[smem:$0x3FA9] =	sst s10  }
0x35: {  	s10 =	sld [smem:$0x3FA8];
	_ =	sdelay $0x3  }
0x36: {  	p1 =	seq.s32 s10, $0x1;
	s10 =	sld [smem:$0x3FA9];
	_ =	sdelay $0x3  }
0x37: {  	[smem:$0x3FA9] =	sst s10  }
0x38: {  	s10 =	sld [smem:$0x3FAA]  }
0x39: {  	_ = 	snop;
	(pc) =	sbr.ind lr, $3  }
0x3a: {  	_ = 	snop  }
0x3b: {  	_ = 	snop  }
0x3c: {  	p2 =	seq.s32 s10, $0x1;
	s10 =	sld [smem:$0x3FA9]  }
0x3d: {  	_ =	shalt  }
0x3e: {  	_ =	shalt  }
0x3f: {  	_ =	shalt  }
0x40: {  	_ =	shalt  }
0x41: {  	_ =	shalt  }
0x42: {  	_ =	shalt  }
0x43: {  	_ =	shalt  }
0x44: {  	_ =	shalt  }
0x45: {  	_ =	shalt  }
0x46: {  	_ =	shalt  }
0x47: {  	_ =	shalt  }
0x48: {  	_ =	shalt  }
0x49: {  	_ =	shalt  }
0x4a: {  	_ =	shalt  }
0x4b: {  	_ =	shalt  }
0x4c: {  	_ =	shalt  }
0x4d: {  	_ =	shalt  }
0x4e: {  	_ =	shalt  }
0x4f: {  	_ =	shalt  }
0x50: {  	_ =	shalt  }
0x51: {  	_ =	shalt  }
0x52: {  	_ =	shalt  }
0x53: {  	_ =	shalt  }
0x54: {  	_ =	shalt  }
0x55: {  	_ =	shalt  }
0x56: {  	_ =	shalt  }
0x57: {  	_ =	shalt  }
0x58: {  	_ =	shalt  }
0x59: {  	_ =	shalt  }
0x5a: {  	_ =	shalt  }
0x5b: {  	_ =	shalt  }
0x5c: {  	_ =	shalt  }
0x5d: {  	_ =	shalt  }
0x5e: {  	_ =	shalt  }
0x5f: {  	_ =	shalt  }
0x60: {  	_ =	shalt  }
0x61: {  	_ =	shalt  }
0x62: {  	_ =	shalt  }
0x63: {  	_ =	shalt  }
0x64: {  	_ =	shalt  }
0x65: {  	_ =	shalt  }
0x66: {  	_ =	shalt  }
0x67: {  	_ =	shalt  }
0x68: {  	_ =	shalt  }
0x69: {  	_ =	shalt  }
0x6a: {  	_ =	shalt  }
0x6b: {  	_ =	shalt  }
0x6c: {  	_ =	shalt  }
0x6d: {  	_ =	shalt  }
0x6e: {  	_ =	shalt  }
0x6f: {  	_ =	shalt  }
0x70: {  	_ =	shalt  }
0x71: {  	_ =	shalt  }
0x72: {  	_ =	shalt  }
0x73: {  	_ =	shalt  }
0x74: {  	_ =	shalt  }
0x75: {  	_ =	shalt  }
0x76: {  	_ =	shalt  }
0x77: {  	_ =	shalt  }
0x78: {  	_ =	shalt  }
0x79: {  	_ =	shalt  }
0x7a: {  	_ =	shalt  }
0x7b: {  	_ =	shalt  }
0x7c: {  	_ =	shalt  }
0x7d: {  	_ =	shalt  }
0x7e: {  	_ =	shalt  }
0x7f: {  	_ =	shalt  }
0x80: {  	_ =	shalt  }
0x81: {  	_ =	shalt  }
0x82: {  	_ =	shalt  }
0x83: {  	_ =	shalt  }
0x84: {  	_ =	shalt  }
0x85: {  	_ =	shalt  }
0x86: {  	_ =	shalt  }
0x87: {  	_ =	shalt  }
.Lfunc_end0:
.L_simem_size_0:
called_computation.2_lowered:
.L_overlay_start_0:
0x88: {  	s2 =	sld [smem:$0x3FD9]  }
0x89: {  	s3 =	sld [smem:$0x3FFE];
	_ =	sdelay $0x1  }
0x8a: {  	s1 =	srdreg.scid  }
0x8b: {  	s0 =	sand.u32 $0x1, s1  }
0x8c: {  	s17 =	sshll.u32 s0, $0xA;
	s2 =	sadd.s32 s3, s2  }
0x8d: {  	s2 =	sadd.s32 s2, s17  }
0x8e: {  	[smem:$0x3FB5] =	sst s2  }
0x8f: {  	_ = 	snop  }
0x90: {  	(tm) =	ssettm $0x1  }
0x91: {  	s18 =	sld [smem:$0x3FFB];
	_ =	sdelay $0x3  }
0x92: {  	_ =	strace s18  }
0x93: {  	s2 =	sld [smem:$0x3FFC];
	_ =	sdelay $0x3  }
0x94: {  	_ =	strace s2  }
0x95: {  	s2 =	sld [smem:$0x3FFD];
	_ =	sdelay $0x3  }
0x96: {  	_ =	strace s2  }
0x97: {  	_ =	strace $0x8FFFFFFF  }
0x98: {  	s19 =	sld [smem:$0x3FDB];
	_ =	sdelay $0x1  }
0x99: {  	s20 =	simm.s32 $_scs_section_size  }
0x9a: {  	s4 =	simm.s32 $_size__tile_overlayer_lowered;
	s5 =	simm.s32 $_tile_overlayer_lowered  }
0x9b: {  	s6 =	simm.s32 $0x1BFF;
	s21 =	sshll.u32 s5, $0x1;
	s3 =	sadd.s32 s20, s19  }
0x9c: {  	s22 =	simm.s32 $0x0;
	s4 =	sshll.u32 s4, $0x1;
	s5 =	sadd.s32 s21, s3  }
0x9d: {  	[timem:s22], [sflag:s6] =	dma.local [hbm:s5], s4  }
0x9e: {  	_ =	swait.ge [sflag:s6], s4  }
0x9f: {  	s4 =	ssub.s32 $0x0, s4;
	[sflag:s6] =	ssyncset.done $0x0  }
0xa0: {  	[sflag:s6] =	ssyncadd.s32 s4;
	_ =	sdelay $0x1  }
0xa1: {  	s23 =	simm.s32 $0x1B8B  }
0xa2: {  	_ =	swait.ge [sflag:s23], $0x1  }
0xa3: {  	[sflag:s23] =	ssyncset.done $0x0  }
0xa4: {  	[sflag:s23] =	ssyncadd.s32 $0xFFFFFFFF  }
0xa5: {  	s4 =	sld [smem:$0x0]  }
0xa6: {  	s5 =	sand.u32 $0xFFFFFFFE, s1  }
0xa7: {  	p0 =	sne.s32 s1, s5  }
0xa8: {  	s5 =	sshll.u32 @p0 s5, $0xE  }
0xa9: {  	s5 =	sadd.s32 @p0 $0x11B8D, s5;
	s6 =	sshll.u32 @p0 s4, $0x11  }
0xaa: {  	s5 =	sor.u32 @p0 s6, s5  }
0xab: {  	[sflag:s5] =	ssyncadd.remote.s32 @p0 $0x1;
	_ =	sdelay $0x1  }
0xac: {  	s5 =	simm.s32 @p0 $0x1B8D  }
0xad: {  	_ =	swait.eq @p0 [sflag:s5], $0x1  }
0xae: {  	[sflag:s5] =	ssyncadd.s32 @p0 $0xFFFFFFFF  }
0xaf: {  	s6 =	sshll.u32 @!p0 s1, $0xE  }
0xb0: {  	s6 =	sor.u32 @!p0 $0x4000, s6;
	s5 =	simm.s32 @!p0 $0x1B8D  }
0xb1: {  	s4 =	sshll.u32 @!p0 s4, $0x11;
	s6 =	sadd.s32 @!p0 $0x11B8D, s6;
	_ =	swait.eq @!p0 [sflag:s5], $0x1  }
0xb2: {  	s4 =	sor.u32 @!p0 s4, s6;
	[sflag:s5] =	ssyncadd.s32 @!p0 $0xFFFFFFFF  }
0xb3: {  	s25 =	simm.s32 $0x1B8E;
	s24 =	sld [smem:$0x3FFE];
	[sflag:s4] =	ssyncadd.remote.s32 @!p0 $0x1  }
0xb4: {  	s26 =	simm.s32 $execute0_lowered;
	[smem:$0x3FD2] =	sst s25  }
0xb5: {  	s5 =	sshll.u32 s26, $0x1;
	_ =	strace $0x80000052;
	[dreg:$0x1] =	wrdreg $0xFFFFFFFF  }
0xb6: {  	s28 =	simm.s32 $_size_execute0_lowered;
	s3 =	sadd.s32 s3, s5;
	[dreg:$0x0] =	wrdreg $0x0  }
0xb7: {  	s5 =	sshll.u32 s28, $0x1;
	[dreg:$0x2] =	wrdreg s3  }
0xb8: {  	[dreg:$0x3] =	wrdreg s5  }
0xb9: {  	[dreg:$0x4] =	wrdreg $0xC0  }
0xba: {  	_ =	task [dreg:s22], $0x5FFFF  }
0xbb: {  	[dreg:$0x1] =	wrdreg $0xFFFFFFFF  }
0xbc: {  	[dreg:$0x0] =	wrdreg $0x60  }
0xbd: {  	[dreg:$0x2] =	wrdreg s24  }
0xbe: {  	[dreg:$0x3] =	wrdreg $0x41000  }
0xbf: {  	[dreg:$0x4] =	wrdreg $0x9  }
0xc0: {  	_ =	task.clear_ibuf [dreg:s22], $0x5FFFF;
	_ =	strace $0x90000052  }
0xc1: {  	s29 =	simm.s32 $0x9;
	_ =	strace $0x80000054  }
0xc2: {  	_ =	swait.ge [sflag:s29], $0x1  }
0xc3: {  	[sflag:s29] =	ssyncadd.s32 $0xFFFFFFFF  }
0xc4: {  	_ =	strace $0x90000054  }
0xc5: {  	_ =	sfence  }
0xc6: {  	s30 =	sld [smem:$0x0];
	_ =	sdelay $0x2  }
0xc7: {  	s31 =	sshll.u32 s1, $0xD;
	s1 =	sshrl.u32 s1, $0x2  }
0xc8: {  	s4 =	sand.u32 $0x4000, s31;
	s1 =	sadd.s32 s1, s30  }
0xc9: {  	s0 =	sor.u32 s4, s0;
	s1 =	sshll.u32 s1, $0x11  }
0xca: {  	s0 =	sor.u32 s1, s0  }
0xcb: {  	s0 =	sadd.s32 $0x8F2B, s0  }
0xcc: {  	[sflag:s0] =	ssyncadd.remote.s32 $0x1  }
0xcd: {  	_ =	sfence.sel $0xFFFF  }
0xce: {  	[dreg:$0x0] =	wrdreg $0xFFFFFFFF;
	(pc) =	sbr.abs _section_cstart, $3  }
0xcf: {  	[dreg:$0x1] =	wrdreg $0xFFFFFFFF  }
0xd0: {  	_ =	task.clear_ibuf [dreg:s22], $0x2FFFF;
	_ =	strace $0x9FFFFFFF  }
0xd1: {  	(tm) =	ssettm $0x7FFFFFFF  }
tec
execute0_lowered:
.L_overlay_start_1:
0x0: {  	(tag) =	ssettag $0x1  }
0x1: {  	s6 =	rddreg [dreg:$0x0]  }
0x2: {  	s2 =	rddreg [dreg:$0x1]  }
0x3: {  	s0 =	rddreg [dreg:$0x2];
	s1 =	stileid.u32  }
0x4: {  	s3 =	simm.s32 $0x0;
	s4 =	srdreg.scid;
	s15 =	simm.s32 $0x2  }
0x5: {  	s16 =	simm.s32 $0x80;
	s17 =	simm.s32 $0x100;
	s18 =	simm.s32 $0x1  }
0x6: {  	s19 =	simm.s32 $0x0;
	s7 =	smul.u32 $0xA00, s1;
	[smem:$0x7FF] =	sst s3  }
0x7: {  	s8 =	smul.u32 $0x14000, s1;
	s9 =	sand.u32 $0x1, s4;
	s4 =	sadd.s32 $0x21A400, s6  }
0x8: {  	s5 =	sadd.s32 $0x242400, s6;
	s29 =	smul.u32 $0x50000, s1;
	s31 =	sshll.u32 s1, $0x6  }
0x9: {  	_ =	strace $0x80000053;
	s10 =	smul.u32 $0x140000, s9;
	s11 =	ssub.s32 $0x2, s9  }
0xa: {  	p0 =	seq.s32 s9, $0x1;
	s13 =	sadd.s32 s7, s6;
	s28 =	sshrl.u32 s8, $0x3  }
0xb: {  	s30 =	sshrl.u32 s11, $0x1;
	s8 =	sadd.s32 s8, s10;
	s7 =	sadd.s32 s28, s6  }
.Ltmp0:
0xc: {  	s10 =	sshrl.u32 s29, $0x2;
	s11 =	ssub.s32 s11, s30;
	(pc) =	sbr.rel .LBB2_1-.Ltmp0, $4  }
0xd: {  	s12 =	sadd.s32 $0x1C400, s13;
	s8 =	sshrl.u32 s8, $0x3;
	s14 =	sadd.s32 s10, s2  }
0xe: {  	s9 =	smax.u32 s11, $0x1;
	s10 =	sadd.s32 $0x1CA400, s13;
	s11 =	sadd.s32 $0x8600, s13  }
0xf: {  	s13 =	sadd.s32 $0x1D4400, s13;
	s8 =	sadd.s32 s8, s6;
	s6 =	sadd.s32 $0x152400, s7  }
0x10: {  	s7 =	sor.u32 $0x1C02, s31;
	s14 =	sshrl.u32 s14, $0x3;
	s8 =	sadd.s32 $0x26A400, s8  }
.LBB2_7:
0x11: {  	s21 =	sadd.s32 s20, s13;
	[sflag:s15] =	ssyncadd.s32 $0xFFFFC000  }
0x12: {  	[tilespmem:s3], [sflag:$0x2] =	stream.linear.gather [hbm4b:s21+s3], $0x80, $0x38;
	[tilespmem:$0x18100] =	vst v63  }
0x13: {  	_ =	swait.ge [sflag:s15], $0x80  }
0x14: {  	[sflag:s15] =	ssyncset.done $0x0  }
0x15: {  	s31 =	sadd.s32 s20, s12;
	[sflag:s15] =	ssyncadd.s32 $0xFFFFFF80  }
0x16: {  	[tilespmem:s16], [sflag:$0x2] =	stream.linear.gather [hbm4b:s31+s3], $0x80, $0x38;
	[tilespmem:$0x18100] =	vst v63  }
0x17: {  	_ =	swait.ge [sflag:s15], $0x80  }
0x18: {  	[sflag:s15] =	ssyncset.done $0x0  }
0x19: {  	[sflag:s15] =	ssyncadd.s32 $0xFFFFFF80  }
0x1a: {  	[tilespmem:s17], [sflag:$0x1] =	stream.indirect.gather [hbm4b:s5+s16], $0x80, s3, s16, $0xb8;
	[tilespmem:$0x18100] =	vst v63  }
0x1b: {  	_ =	swait.ge [sflag:s18], $0x4000  }
0x1c: {  	[sflag:s18] =	ssyncset.done $0x0  }
0x1d: {  	[sflag:s18] =	ssyncadd.s32 $0xFFFFC000  }
0x1e: {  	[spmem:s2] =	stream.indirect.scatter.add.f32 [tilespmem:s17], [sflag:$0x2], $0x80, s16, s16, $0xb8;
	[tilespmem:$0x18100] =	vst v63  }
0x1f: {  	_ =	swait.ge [sflag:s15], $0x4000  }
0x20: {  	[sflag:s15] =	ssyncset.done $0x0  }
0x21: {  	[sflag:s15] =	ssyncadd.s32 $0xFFFFC000  }
.LBB2_8:
0x22: {  	s19 =	sadd.s32 $0x1, s19  }
0x23: {  	p1 =	sne.s32 s19, s9  }
.Ltmp1:
0x24: {  	[bflag:$0x0] =	sbarrier.arrive $0xFFFF;
	(pc) =	sbr.rel @!p1 .LBB2_9-.Ltmp1, $4  }
0x25: {  	[hbm:s8], [sflag:s7] =	dma.local [spmem:s14], $0x2800  }
0x26: {  	_ =	swait.ge [sflag:s15], $0x2800  }
0x27: {  	[sflag:s15] =	ssyncset.done $0x0  }
0x28: {  	[sflag:s15] =	ssyncadd.s32 $0xFFFFD800  }
.LBB2_1:
0x29: {  	[spmem:s14], [sflag:s7] =	dma.local [hbm:s6], $0x2800  }
.Ltmp2:
0x2a: {  	_ =	swait.ge [sflag:s15], $0x2800;
	(pc) =	sbr.rel @!p0 .LBB2_2-.Ltmp2, $3  }
0x2b: {  	[sflag:s15] =	ssyncset.done $0x0  }
0x2c: {  	[sflag:s15] =	ssyncadd.s32 $0xFFFFD800  }
0x2d: {  	[bflag:$0x0] =	sbarrier.arrive $0xFFFF;
	_ =	sdelay $0x1  }
0x2e: {  	s20 =	sadd.s32 $0x0, s13  }
0x2f: {  	[tilespmem:s3], [sflag:$0x2] =	stream.linear.gather [hbm4b:s20+s3], $0x80, $0x38;
	[tilespmem:$0x18100] =	vst v63  }
0x30: {  	_ =	swait.ge [sflag:s15], $0x80  }
0x31: {  	[sflag:s15] =	ssyncset.done $0x0  }
0x32: {  	s31 =	sadd.s32 $0x0, s12;
	[sflag:s15] =	ssyncadd.s32 $0xFFFFFF80  }
0x33: {  	[tilespmem:s16], [sflag:$0x2] =	stream.linear.gather [hbm4b:s31+s3], $0x80, $0x38;
	[tilespmem:$0x18100] =	vst v63  }
0x34: {  	_ =	swait.ge [sflag:s15], $0x80  }
0x35: {  	[sflag:s15] =	ssyncset.done $0x0  }
0x36: {  	[sflag:s15] =	ssyncadd.s32 $0xFFFFFF80  }
0x37: {  	[tilespmem:s17], [sflag:$0x1] =	stream.indirect.gather [hbm4b:s5+s16], $0x80, s3, s16, $0xb8;
	[tilespmem:$0x18100] =	vst v63  }
0x38: {  	_ =	swait.ge [sflag:s18], $0x4000  }
0x39: {  	[sflag:s18] =	ssyncset.done $0x0  }
0x3a: {  	[sflag:s18] =	ssyncadd.s32 $0xFFFFC000  }
0x3b: {  	[spmem:s2] =	stream.indirect.scatter.add.f32 [tilespmem:s17], [sflag:$0x2], $0x80, s16, s16, $0xb8;
	[tilespmem:$0x18100] =	vst v63  }
0x3c: {  	_ =	swait.ge [sflag:s15], $0x4000  }
0x3d: {  	s21 =	simm.s32 $0x20;
	s20 =	simm.s32 $0x10;
	[sflag:s15] =	ssyncset.done $0x0  }
.LBB2_6:
0x3e: {  	s22 =	sadd.s32 s20, s13  }
0x3f: {  	[sflag:s15] =	ssyncadd.s32 $0xFFFFC000;
	s23 =	smov.u32 s21;
	s24 =	sadd.s32 $0x10, s21  }
0x40: {  	[tilespmem:s3], [sflag:$0x2] =	stream.linear.gather [hbm4b:s22+s3], $0x80, $0x38;
	[tilespmem:$0x18100] =	vst v63  }
0x41: {  	p1 =	sne.s32 s21, $0x9F0;
	_ =	swait.ge [sflag:s15], $0x80  }
0x42: {  	[sflag:s15] =	ssyncset.done $0x0  }
0x43: {  	s21 =	sadd.s32 s20, s12;
	s20 =	smov.u32 s23;
	[sflag:s15] =	ssyncadd.s32 $0xFFFFFF80  }
0x44: {  	[tilespmem:s16], [sflag:$0x2] =	stream.linear.gather [hbm4b:s21+s3], $0x80, $0x38;
	[tilespmem:$0x18100] =	vst v63  }
0x45: {  	_ =	swait.ge [sflag:s15], $0x80  }
0x46: {  	[sflag:s15] =	ssyncset.done $0x0  }
0x47: {  	[sflag:s15] =	ssyncadd.s32 $0xFFFFFF80  }
0x48: {  	[tilespmem:s17], [sflag:$0x1] =	stream.indirect.gather [hbm4b:s5+s16], $0x80, s3, s16, $0xb8;
	[tilespmem:$0x18100] =	vst v63  }
0x49: {  	_ =	swait.ge [sflag:s18], $0x4000  }
.Ltmp3:
0x4a: {  	[sflag:s18] =	ssyncset.done $0x0;
	(pc) =	sbr.rel @p1 .LBB2_6-.Ltmp3, $4  }
0x4b: {  	[sflag:s18] =	ssyncadd.s32 $0xFFFFC000  }
0x4c: {  	[spmem:s2] =	stream.indirect.scatter.add.f32 [tilespmem:s17], [sflag:$0x2], $0x80, s16, s16, $0xb8;
	[tilespmem:$0x18100] =	vst v63  }
0x4d: {  	_ =	swait.ge [sflag:s15], $0x4000  }
0x4e: {  	s21 =	smov.u32 s24;
	[sflag:s15] =	ssyncset.done $0x0  }
.Ltmp4:
0x4f: {  	_ = 	snop;
	(pc) =	sbr.rel .LBB2_7-.Ltmp4, $1  }
0x50: {  	_ =	sdelay $0x3  }
.LBB2_2:
0x51: {  	s20 =	sadd.s32 $0x0, s10  }
0x52: {  	[tilespmem:s3], [sflag:$0x2] =	stream.linear.gather [hbm4b:s20+s3], $0x80, $0x38;
	[tilespmem:$0x18100] =	vst v63  }
0x53: {  	_ =	swait.ge [sflag:s15], $0x80  }
0x54: {  	[sflag:s15] =	ssyncset.done $0x0  }
0x55: {  	s31 =	sadd.s32 $0x0, s11;
	[sflag:s15] =	ssyncadd.s32 $0xFFFFFF80  }
0x56: {  	[tilespmem:s16], [sflag:$0x2] =	stream.linear.gather [hbm4b:s31+s3], $0x80, $0x38;
	[tilespmem:$0x18100] =	vst v63  }
0x57: {  	_ =	swait.ge [sflag:s15], $0x80  }
0x58: {  	[sflag:s15] =	ssyncset.done $0x0  }
0x59: {  	[sflag:s15] =	ssyncadd.s32 $0xFFFFFF80  }
0x5a: {  	[tilespmem:s17], [sflag:$0x1] =	stream.indirect.gather [hbm4b:s4+s16], $0x80, s3, s16, $0xb8;
	[tilespmem:$0x18100] =	vst v63  }
0x5b: {  	_ =	swait.ge [sflag:s18], $0x4000  }
0x5c: {  	[sflag:s18] =	ssyncset.done $0x0  }
0x5d: {  	[sflag:s18] =	ssyncadd.s32 $0xFFFFC000  }
0x5e: {  	[spmem:s2] =	stream.indirect.scatter.add.f32 [tilespmem:s17], [sflag:$0x2], $0x80, s16, s16, $0xb8;
	[tilespmem:$0x18100] =	vst v63  }
0x5f: {  	_ =	swait.ge [sflag:s15], $0x4000  }
0x60: {  	s21 =	simm.s32 $0x20;
	s20 =	simm.s32 $0x10;
	[sflag:s15] =	ssyncset.done $0x0  }
.LBB2_3:
0x61: {  	s22 =	sadd.s32 s20, s10  }
0x62: {  	[sflag:s15] =	ssyncadd.s32 $0xFFFFC000;
	s23 =	smov.u32 s21;
	s24 =	sadd.s32 $0x10, s21  }
0x63: {  	[tilespmem:s3], [sflag:$0x2] =	stream.linear.gather [hbm4b:s22+s3], $0x80, $0x38;
	[tilespmem:$0x18100] =	vst v63  }
0x64: {  	p1 =	seq.s32 s21, $0x9F0;
	_ =	swait.ge [sflag:s15], $0x80  }
0x65: {  	[sflag:s15] =	ssyncset.done $0x0  }
0x66: {  	s21 =	sadd.s32 s20, s11;
	s20 =	smov.u32 s23;
	[sflag:s15] =	ssyncadd.s32 $0xFFFFFF80  }
0x67: {  	[tilespmem:s16], [sflag:$0x2] =	stream.linear.gather [hbm4b:s21+s3], $0x80, $0x38;
	[tilespmem:$0x18100] =	vst v63  }
0x68: {  	_ =	swait.ge [sflag:s15], $0x80  }
0x69: {  	[sflag:s15] =	ssyncset.done $0x0  }
0x6a: {  	[sflag:s15] =	ssyncadd.s32 $0xFFFFFF80  }
0x6b: {  	[tilespmem:s17], [sflag:$0x1] =	stream.indirect.gather [hbm4b:s4+s16], $0x80, s3, s16, $0xb8;
	[tilespmem:$0x18100] =	vst v63  }
0x6c: {  	_ =	swait.ge [sflag:s18], $0x4000  }
.Ltmp5:
0x6d: {  	[sflag:s18] =	ssyncset.done $0x0;
	(pc) =	sbr.rel @!p1 .LBB2_3-.Ltmp5, $4  }
0x6e: {  	[sflag:s18] =	ssyncadd.s32 $0xFFFFC000  }
0x6f: {  	[spmem:s2] =	stream.indirect.scatter.add.f32 [tilespmem:s17], [sflag:$0x2], $0x80, s16, s16, $0xb8;
	[tilespmem:$0x18100] =	vst v63  }
0x70: {  	_ =	swait.ge [sflag:s15], $0x4000  }
0x71: {  	s21 =	smov.u32 s24;
	[sflag:s15] =	ssyncset.done $0x0  }
0x72: {  	s21 =	sadd.s32 s20, s10;
	[sflag:s15] =	ssyncadd.s32 $0xFFFFC000  }
0x73: {  	[tilespmem:s3], [sflag:$0x2] =	stream.linear.gather [hbm4b:s21+s3], $0x80, $0x38;
	[tilespmem:$0x18100] =	vst v63  }
0x74: {  	_ =	swait.ge [sflag:s15], $0x80  }
0x75: {  	[sflag:s15] =	ssyncset.done $0x0  }
0x76: {  	s31 =	sadd.s32 s20, s11;
	[sflag:s15] =	ssyncadd.s32 $0xFFFFFF80  }
0x77: {  	[tilespmem:s16], [sflag:$0x2] =	stream.linear.gather [hbm4b:s31+s3], $0x80, $0x38;
	[tilespmem:$0x18100] =	vst v63  }
0x78: {  	_ =	swait.ge [sflag:s15], $0x80  }
0x79: {  	[sflag:s15] =	ssyncset.done $0x0  }
0x7a: {  	[sflag:s15] =	ssyncadd.s32 $0xFFFFFF80  }
0x7b: {  	[tilespmem:s17], [sflag:$0x1] =	stream.indirect.gather [hbm4b:s4+s16], $0x80, s3, s16, $0xb8;
	[tilespmem:$0x18100] =	vst v63  }
0x7c: {  	_ =	swait.ge [sflag:s18], $0x4000  }
0x7d: {  	[sflag:s18] =	ssyncset.done $0x0  }
.Ltmp6:
0x7e: {  	[sflag:s18] =	ssyncadd.s32 $0xFFFFC000;
	(pc) =	sbr.rel .LBB2_8-.Ltmp6, $4  }
0x7f: {  	[spmem:s2] =	stream.indirect.scatter.add.f32 [tilespmem:s17], [sflag:$0x2], $0x80, s16, s16, $0xb8;
	[tilespmem:$0x18100] =	vst v63  }
0x80: {  	_ =	swait.ge [sflag:s15], $0x4000  }
0x81: {  	[sflag:s15] =	ssyncset.done $0x0  }
0x82: {  	[sflag:s15] =	ssyncadd.s32 $0xFFFFC000  }
.LBB2_9:
0x83: {  	_ =	sfence.sel $0x180000  }
0x84: {  	[bflag:$0x0] =	sbarrier.arrive $0xFFFF  }
0x85: {  	p0 =	sne.s32 s1, $0x0;
	_ =	strace $0x90000053  }
0x86: {  	s0 =	sadd.s32 @!p0 $0x100000, s0;
	[bflag:$0x2] =	sbarrier.arrive $0xFFFF  }
0x87: {  	[sflag:s0] =	ssyncadd.tile.s32 @!p0 $0x1;
	_ =	shalt  }
.Lfunc_end2:
_tile_overlayer_lowered:
.L_overlay_start_2:
0x88: {  	(tag) =	ssettag $0x2  }
0x89: {  	s0 =	rddreg [dreg:$0x0];
	s2 =	stileid.u32  }
0x8a: {  	s1 =	rddreg [dreg:$0x1];
	p0 =	sne.s32 s2, $0x0  }
0x8b: {  	s3 =	rddreg [dreg:$0x2];
	[bflag:$0x3] =	sbarrier.arrive $0xFFFF;
	s2 =	simm.s32 @!p0 $0x1C02  }
0x8c: {  	[timem:s3], [sflag:s2] =	dma.local @!p0 [hbm:s0], s1  }
0x8d: {  	s0 =	simm.s32 @!p0 $0x2  }
0x8e: {  	_ =	swait.ge @!p0 [sflag:s0], s1  }
0x8f: {  	s1 =	ssub.s32 @!p0 $0x0, s1;
	[sflag:s0] =	ssyncset.done @!p0 $0x0  }
0x90: {  	[sflag:s0] =	ssyncadd.s32 @!p0 s1  }
0x91: {  	[bflag:$0x3] =	sbarrier.arrive $0xFFFF  }
0x92: {  	_ =	shalt  }

// kernel: kernel.23.cloned.1.call-start
scs
__scs_entry_jumppad:
0x0: {  	(pc) =	sbr.rel $0x88, $3  }
0x1: {  	(tag) =	ssettag $0x0;
	lr =	simm.s32 $0x1  }
0x2: {  	[smem:$0x3F8E] =	sst lr;
	_ =	strace $0xD0000000  }
0x3: {  	_ = 	snop  }
0x4: {  	_ = 	snop  }
0x5: {  	_ = 	snop  }
0x6: {  	_ = 	snop  }
0x7: {  	_ = 	snop  }
__scs_overlays_trampoline_lowered:
0x8: {  	[smem:$0x3F9D] =	sst s0  }
0x9: {  	[smem:$0x3F9E] =	sst s1  }
0xa: {  	[smem:$0x3F9F] =	sst s2  }
0xb: {  	[smem:$0x3FA0] =	sst s3  }
0xc: {  	[smem:$0x3FA1] =	sst s4  }
0xd: {  	[smem:$0x3FA2] =	sst s5  }
0xe: {  	[smem:$0x3FA3] =	sst s6  }
0xf: {  	[smem:$0x3FA4] =	sst s7  }
0x10: {  	[smem:$0x3FA5] =	sst s8  }
0x11: {  	[smem:$0x3FA6] =	sst s9;
	s0 =	simm.s32 @!p0 $0x0  }
0x12: {  	s1 =	sld [smem:$0x3F8C];
	s0 =	simm.s32 @p0 $0x1  }
0x13: {  	[smem:$0x3FA7] =	sst s0;
	s0 =	simm.s32 @!p1 $0x0  }
0x14: {  	s2 =	sld [smem:$0x3F8B];
	s0 =	simm.s32 @p1 $0x1  }
0x15: {  	[smem:$0x3FA8] =	sst s0;
	s0 =	simm.s32 @!p2 $0x0  }
0x16: {  	s3 =	sld [smem:$0x3FDB];
	s0 =	simm.s32 @p2 $0x1  }
0x17: {  	s4 =	simm.s32 $0x1BF5;
	[smem:$0x3FAA] =	sst s0  }
0x18: {  	s0 =	sld [smem:$0x3F8D];
	_ =	swait.ge [sflag:s4], $0x0  }
0x19: {  	s7 =	sld [smem:$0x3F8E]  }
0x1a: {  	s8 =	sadd.s32 $0xFFFFE003, lr  }
0x1b: {  	s9 =	sadd.s32 $0xFFFFFEF7, lr;
	s5 =	simm.s32 $0xFFFFFFFF;
	p2 =	slt.u32 s8, $0xFFFFF086  }
0x1c: {  	p1 =	slt.u32 s9, $0xF7A;
	s5 =	simm.s32 @!p2 $0x0  }
0x1d: {  	s5 =	simm.s32 @p1 $0x1;
	p0 =	seq.s32 s7, s2  }
0x1e: {  	s7 =	smul.u32 @!p0 $0xF7A, s2;
	p2 =	seq.s32 @!p0 s5, $0x0  }
0x1f: {  	s9 =	smul.u32 $0xF7A, s1;
	s8 =	simm.s32 @!p0 $0x1BF5;
	p2 =	por !p2, p0  }
0x20: {  	[sflag:s8] =	ssyncset.s32 @!p0 $0xFFFFF086;
	s6 =	sadd.s32 @!p0 s3, s7;
	s7 =	simm.s32 @!p0 $0x108  }
0x21: {  	s3 =	sadd.s32 s3, s9;
	s6 =	sadd.s32 @!p0 $0x88, s6;
	s7 =	simm.s32 @p2 $0x1082  }
0x22: {  	[simem:s7], [sflag:s8] =	dma.local @!p0 [hbm:s6], $0xF7A  }
0x23: {  	s9 =	sor.u32 $0xD0000000, s2;
	s6 =	simm.s32 $0x108;
	_ =	swait.ge @!p0 [sflag:s8], $0x0  }
0x24: {  	s3 =	sadd.s32 $0x88, s3;
	s6 =	simm.s32 @!p1 $0x1082;
	[sflag:s4] =	ssyncset.s32 $0xFFFFF086  }
0x25: {  	[simem:s6], [sflag:s4] =	dma.local [hbm:s3], $0xF7A  }
0x26: {  	[smem:$0x3F8E] =	sst s1;
	(tag) =	ssettag s2;
	_ =	strace s9  }
0x27: {  	s1 =	sld [smem:$0x3F9E]  }
0x28: {  	s2 =	sld [smem:$0x3F9F]  }
0x29: {  	s4 =	sld [smem:$0x3FA1]  }
0x2a: {  	p0 =	seq.s32 s5, $0x0;
	s5 =	sld [smem:$0x3FA2]  }
0x2b: {  	s6 =	sld [smem:$0x3FA3]  }
0x2c: {  	s7 =	sld [smem:$0x3FA4]  }
0x2d: {  	s3 =	simm.s32 $0x108;
	s8 =	sld [smem:$0x3FA5]  }
0x2e: {  	s3 =	simm.s32 @!p0 $0x1082;
	s9 =	sld [smem:$0x3FA6]  }
0x2f: {  	lr =	sadd.s32 s0, s3;
	s0 =	sld [smem:$0x3F9D]  }
0x30: {  	s3 =	sld [smem:$0x3FA0]  }
0x31: {  	[smem:$0x3FA9] =	sst s10  }
0x32: {  	s10 =	sld [smem:$0x3FA7];
	_ =	sdelay $0x3  }
0x33: {  	p0 =	seq.s32 s10, $0x1;
	s10 =	sld [smem:$0x3FA9];
	_ =	sdelay $0x3  }
0x34: {  	[smem:$0x3FA9] =	sst s10  }
0x35: {  	s10 =	sld [smem:$0x3FA8];
	_ =	sdelay $0x3  }
0x36: {  	p1 =	seq.s32 s10, $0x1;
	s10 =	sld [smem:$0x3FA9];
	_ =	sdelay $0x3  }
0x37: {  	[smem:$0x3FA9] =	sst s10  }
0x38: {  	s10 =	sld [smem:$0x3FAA]  }
0x39: {  	_ = 	snop;
	(pc) =	sbr.ind lr, $3  }
0x3a: {  	_ = 	snop  }
0x3b: {  	_ = 	snop  }
0x3c: {  	p2 =	seq.s32 s10, $0x1;
	s10 =	sld [smem:$0x3FA9]  }
0x3d: {  	_ =	shalt  }
0x3e: {  	_ =	shalt  }
0x3f: {  	_ =	shalt  }
0x40: {  	_ =	shalt  }
0x41: {  	_ =	shalt  }
0x42: {  	_ =	shalt  }
0x43: {  	_ =	shalt  }
0x44: {  	_ =	shalt  }
0x45: {  	_ =	shalt  }
0x46: {  	_ =	shalt  }
0x47: {  	_ =	shalt  }
0x48: {  	_ =	shalt  }
0x49: {  	_ =	shalt  }
0x4a: {  	_ =	shalt  }
0x4b: {  	_ =	shalt  }
0x4c: {  	_ =	shalt  }
0x4d: {  	_ =	shalt  }
0x4e: {  	_ =	shalt  }
0x4f: {  	_ =	shalt  }
0x50: {  	_ =	shalt  }
0x51: {  	_ =	shalt  }
0x52: {  	_ =	shalt  }
0x53: {  	_ =	shalt  }
0x54: {  	_ =	shalt  }
0x55: {  	_ =	shalt  }
0x56: {  	_ =	shalt  }
0x57: {  	_ =	shalt  }
0x58: {  	_ =	shalt  }
0x59: {  	_ =	shalt  }
0x5a: {  	_ =	shalt  }
0x5b: {  	_ =	shalt  }
0x5c: {  	_ =	shalt  }
0x5d: {  	_ =	shalt  }
0x5e: {  	_ =	shalt  }
0x5f: {  	_ =	shalt  }
0x60: {  	_ =	shalt  }
0x61: {  	_ =	shalt  }
0x62: {  	_ =	shalt  }
0x63: {  	_ =	shalt  }
0x64: {  	_ =	shalt  }
0x65: {  	_ =	shalt  }
0x66: {  	_ =	shalt  }
0x67: {  	_ =	shalt  }
0x68: {  	_ =	shalt  }
0x69: {  	_ =	shalt  }
0x6a: {  	_ =	shalt  }
0x6b: {  	_ =	shalt  }
0x6c: {  	_ =	shalt  }
0x6d: {  	_ =	shalt  }
0x6e: {  	_ =	shalt  }
0x6f: {  	_ =	shalt  }
0x70: {  	_ =	shalt  }
0x71: {  	_ =	shalt  }
0x72: {  	_ =	shalt  }
0x73: {  	_ =	shalt  }
0x74: {  	_ =	shalt  }
0x75: {  	_ =	shalt  }
0x76: {  	_ =	shalt  }
0x77: {  	_ =	shalt  }
0x78: {  	_ =	shalt  }
0x79: {  	_ =	shalt  }
0x7a: {  	_ =	shalt  }
0x7b: {  	_ =	shalt  }
0x7c: {  	_ =	shalt  }
0x7d: {  	_ =	shalt  }
0x7e: {  	_ =	shalt  }
0x7f: {  	_ =	shalt  }
0x80: {  	_ =	shalt  }
0x81: {  	_ =	shalt  }
0x82: {  	_ =	shalt  }
0x83: {  	_ =	shalt  }
0x84: {  	_ =	shalt  }
0x85: {  	_ =	shalt  }
0x86: {  	_ =	shalt  }
0x87: {  	_ =	shalt  }
.Lfunc_end0:
.L_simem_size_0:
called_computation.3_lowered:
.L_overlay_start_0:
0x88: {  	s2 =	sld [smem:$0x3FD9]  }
0x89: {  	s3 =	sld [smem:$0x3FFE];
	_ =	sdelay $0x1  }
0x8a: {  	s1 =	srdreg.scid  }
0x8b: {  	s0 =	sand.u32 $0x1, s1  }
0x8c: {  	s15 =	sshll.u32 s0, $0xA;
	s2 =	sadd.s32 s3, s2  }
0x8d: {  	s2 =	sadd.s32 s2, s15  }
0x8e: {  	[smem:$0x3FB5] =	sst s2  }
0x8f: {  	_ = 	snop  }
0x90: {  	s2 =	sld [smem:$0x3FD0];
	_ =	sdelay $0x2  }
0x91: {  	s4 =	simm.s32 $0xC;
	s16 =	simm.s32 $0x10  }
0x92: {  	[smem:s16], [sflag:s4] =	dma.local [hbm:s2], $0x1  }
0x93: {  	_ =	swait.eq [sflag:s4], $0x1  }
0x94: {  	[sflag:s4] =	ssyncset.done $0x0  }
0x95: {  	s17 =	sld [smem:$0x10];
	[sflag:s4] =	ssyncadd.s32 $0xFFFFFFFF  }
0x96: {  	s18 =	sld [smem:$0x12];
	(tm) =	ssettm $0x1  }
0x97: {  	s19 =	sld [smem:$0x3FFB];
	_ =	sdelay $0x3  }
0x98: {  	_ =	strace s19  }
0x99: {  	s2 =	sld [smem:$0x3FFC];
	_ =	sdelay $0x3  }
0x9a: {  	_ =	strace s2  }
0x9b: {  	s2 =	sld [smem:$0x3FFD];
	_ =	sdelay $0x3  }
0x9c: {  	_ =	strace s2  }
0x9d: {  	_ =	strace $0x8FFFFFFF  }
0x9e: {  	s20 =	sld [smem:$0x3FDB];
	_ =	sdelay $0x1  }
0x9f: {  	s5 =	simm.s32 $_scs_section_size  }
0xa0: {  	s6 =	simm.s32 $_size__tile_overlayer_lowered;
	s7 =	simm.s32 $_tile_overlayer_lowered  }
0xa1: {  	s8 =	simm.s32 $0x1BFF;
	s21 =	sshll.u32 s7, $0x1;
	s5 =	sadd.s32 s5, s20  }
0xa2: {  	s22 =	simm.s32 $0x0;
	s6 =	sshll.u32 s6, $0x1;
	s7 =	sadd.s32 s21, s5  }
0xa3: {  	[timem:s22], [sflag:s8] =	dma.local [hbm:s7], s6  }
0xa4: {  	_ =	swait.ge [sflag:s8], s6  }
0xa5: {  	s6 =	ssub.s32 $0x0, s6;
	[sflag:s8] =	ssyncset.done $0x0  }
0xa6: {  	[sflag:s8] =	ssyncadd.s32 s6;
	_ =	sdelay $0x1  }
0xa7: {  	s23 =	simm.s32 $0x1B8B  }
0xa8: {  	_ =	swait.ge [sflag:s23], $0x1  }
0xa9: {  	[sflag:s23] =	ssyncset.done $0x0  }
0xaa: {  	[sflag:s23] =	ssyncadd.s32 $0xFFFFFFFF  }
0xab: {  	s6 =	sld [smem:$0x0]  }
0xac: {  	s7 =	sand.u32 $0xFFFFFFFE, s1  }
0xad: {  	p0 =	sne.s32 s1, s7  }
0xae: {  	s7 =	sshll.u32 @p0 s7, $0xE  }
0xaf: {  	s7 =	sadd.s32 @p0 $0x11B8D, s7;
	s8 =	sshll.u32 @p0 s6, $0x11  }
0xb0: {  	s7 =	sor.u32 @p0 s8, s7  }
0xb1: {  	[sflag:s7] =	ssyncadd.remote.s32 @p0 $0x1;
	_ =	sdelay $0x1  }
0xb2: {  	s7 =	simm.s32 @p0 $0x1B8D  }
0xb3: {  	_ =	swait.eq @p0 [sflag:s7], $0x1  }
0xb4: {  	[sflag:s7] =	ssyncadd.s32 @p0 $0xFFFFFFFF  }
0xb5: {  	s8 =	sshll.u32 @!p0 s1, $0xE  }
0xb6: {  	s8 =	sor.u32 @!p0 $0x4000, s8;
	s7 =	simm.s32 @!p0 $0x1B8D  }
0xb7: {  	s6 =	sshll.u32 @!p0 s6, $0x11;
	s8 =	sadd.s32 @!p0 $0x11B8D, s8;
	_ =	swait.eq @!p0 [sflag:s7], $0x1  }
0xb8: {  	s6 =	sor.u32 @!p0 s6, s8;
	[sflag:s7] =	ssyncadd.s32 @!p0 $0xFFFFFFFF  }
0xb9: {  	s25 =	simm.s32 $0x1B8E;
	s24 =	sld [smem:$0x3FFE];
	[sflag:s6] =	ssyncadd.remote.s32 @!p0 $0x1  }
0xba: {  	s26 =	simm.s32 $execute0_lowered;
	[smem:$0x3FD2] =	sst s25  }
0xbb: {  	s7 =	sshll.u32 s26, $0x1;
	_ =	strace $0x8000004F;
	[dreg:$0x1] =	wrdreg $0xFFFFFFFF  }
0xbc: {  	s28 =	simm.s32 $_size_execute0_lowered;
	s5 =	sadd.s32 s5, s7;
	[dreg:$0x0] =	wrdreg $0x0  }
0xbd: {  	s7 =	sshll.u32 s28, $0x1;
	[dreg:$0x2] =	wrdreg s5  }
0xbe: {  	[dreg:$0x3] =	wrdreg s7  }
0xbf: {  	[dreg:$0x4] =	wrdreg $0xC0  }
0xc0: {  	_ =	task [dreg:s22], $0x5FFFF  }
0xc1: {  	[dreg:$0x1] =	wrdreg $0xFFFFFFFF  }
0xc2: {  	[dreg:$0x0] =	wrdreg $0x60  }
0xc3: {  	[dreg:$0x2] =	wrdreg s24  }
0xc4: {  	[dreg:$0x3] =	wrdreg s17  }
0xc5: {  	[dreg:$0x4] =	wrdreg s18  }
0xc6: {  	[dreg:$0x5] =	wrdreg $0x41000  }
0xc7: {  	[dreg:$0x6] =	wrdreg $0xA  }
0xc8: {  	_ =	task.clear_ibuf [dreg:s22], $0x7FFFF;
	_ =	strace $0x9000004F  }
0xc9: {  	s29 =	simm.s32 $0xA;
	_ =	strace $0x80000051  }
0xca: {  	_ =	swait.ge [sflag:s29], $0x1  }
0xcb: {  	[sflag:s29] =	ssyncadd.s32 $0xFFFFFFFF  }
0xcc: {  	_ =	strace $0x90000051  }
0xcd: {  	_ =	sfence  }
0xce: {  	s30 =	sld [smem:$0x0];
	_ =	sdelay $0x2  }
0xcf: {  	s31 =	sshll.u32 s1, $0xD;
	s1 =	sshrl.u32 s1, $0x2  }
0xd0: {  	s4 =	sand.u32 $0x4000, s31;
	s1 =	sadd.s32 s1, s30  }
0xd1: {  	s0 =	sor.u32 s4, s0;
	s1 =	sshll.u32 s1, $0x11  }
0xd2: {  	s0 =	sor.u32 s1, s0  }
0xd3: {  	s0 =	sadd.s32 $0x8F2B, s0  }
0xd4: {  	[sflag:s0] =	ssyncadd.remote.s32 $0x1  }
0xd5: {  	_ =	sfence.sel $0xFFFF  }
0xd6: {  	[dreg:$0x0] =	wrdreg $0xFFFFFFFF;
	(pc) =	sbr.abs _section_cstart, $3  }
0xd7: {  	[dreg:$0x1] =	wrdreg $0xFFFFFFFF  }
0xd8: {  	_ =	task.clear_ibuf [dreg:s22], $0x2FFFF;
	_ =	strace $0x9FFFFFFF  }
0xd9: {  	(tm) =	ssettm $0x7FFFFFFF  }
tec
execute0_lowered:
.L_overlay_start_1:
0x0: {  	(tag) =	ssettag $0x1  }
0x1: {  	s5 =	rddreg [dreg:$0x0]  }
0x2: {  	s8 =	rddreg [dreg:$0x1]  }
0x3: {  	s9 =	rddreg [dreg:$0x2]  }
0x4: {  	s2 =	rddreg [dreg:$0x3]  }
0x5: {  	s0 =	rddreg [dreg:$0x4];
	s1 =	stileid.u32  }
0x6: {  	s4 =	srdreg.scid;
	s3 =	simm.s32 $0x0;
	s6 =	smul.u32 $0x14000, s1  }
0x7: {  	s15 =	simm.s32 $0x1;
	s16 =	simm.s32 $0x0;
	s12 =	smul.u32 $0x50000, s1  }
0x8: {  	s7 =	sand.u32 $0x1, s4;
	[smem:$0x7FF] =	sst s3;
	s31 =	smul.u32 $0x500, s1  }
0x9: {  	s4 =	sadd.s32 $0x12A400, s5;
	s29 =	sshll.u32 s1, $0x6;
	s10 =	smul.u32 $0x140000, s7  }
0xa: {  	_ =	strace $0x80000050;
	s26 =	ssub.s32 $0x2, s7;
	s30 =	smul.u32 $0x5000, s7  }
0xb: {  	s11 =	sshrl.u32 s6, $0x3;
	s13 =	sshrl.u32 s26, $0x1;
	s28 =	sshrl.u32 s12, $0x2  }
0xc: {  	s6 =	sadd.s32 s6, s10;
	s11 =	sadd.s32 s11, s5;
	s10 =	ssub.s32 s26, s13  }
0xd: {  	s12 =	sadd.s32 s28, s2;
	s9 =	sadd.s32 s30, s9;
	s13 =	sadd.s32 s30, s8  }
0xe: {  	s6 =	sshrl.u32 s6, $0x3;
	s8 =	smax.u32 s10, $0x1;
	s9 =	sadd.s32 s31, s9  }
0xf: {  	s10 =	sadd.s32 s31, s13;
	s13 =	simm.s32 $0x80;
	s14 =	sadd.s32 s6, s5  }
0x10: {  	s5 =	sadd.s32 $0x152400, s11;
	s6 =	sor.u32 $0x1C02, s29;
	s11 =	sshrl.u32 s12, $0x3  }
0x11: {  	s12 =	simm.s32 $0x2;
	s7 =	sadd.s32 $0x17A400, s14;
	s14 =	simm.s32 $0x100  }
.LBB2_1:
0x12: {  	[spmem:s11], [sflag:s6] =	dma.local [hbm:s5], $0x2800  }
0x13: {  	_ =	swait.ge [sflag:s12], $0x2800  }
0x14: {  	[sflag:s12] =	ssyncset.done $0x0  }
0x15: {  	[sflag:s12] =	ssyncadd.s32 $0xFFFFD800  }
0x16: {  	s17 =	sadd.s32 $0x0, s10;
	[bflag:$0x0] =	sbarrier.arrive $0xFFFF  }
0x17: {  	[tilespmem:s3], [sflag:$0x2] =	stream.linear.gather [hbm4b:s17+s3], $0x80, $0x38;
	[tilespmem:$0x18100] =	vst v63  }
0x18: {  	_ =	swait.ge [sflag:s12], $0x80  }
0x19: {  	[sflag:s12] =	ssyncset.done $0x0  }
0x1a: {  	s31 =	sadd.s32 $0x0, s9;
	[sflag:s12] =	ssyncadd.s32 $0xFFFFFF80  }
0x1b: {  	[tilespmem:s13], [sflag:$0x2] =	stream.linear.gather [hbm4b:s31+s3], $0x80, $0x38;
	[tilespmem:$0x18100] =	vst v63  }
0x1c: {  	_ =	swait.ge [sflag:s12], $0x80  }
0x1d: {  	[sflag:s12] =	ssyncset.done $0x0  }
0x1e: {  	[sflag:s12] =	ssyncadd.s32 $0xFFFFFF80  }
0x1f: {  	[tilespmem:s14], [sflag:$0x1] =	stream.indirect.gather [hbm4b:s4+s13], $0x80, s3, s13, $0xb8;
	[tilespmem:$0x18100] =	vst v63  }
0x20: {  	_ =	swait.ge [sflag:s15], $0x4000  }
0x21: {  	[sflag:s15] =	ssyncset.done $0x0  }
0x22: {  	[sflag:s15] =	ssyncadd.s32 $0xFFFFC000  }
0x23: {  	[spmem:s2] =	stream.indirect.scatter.add.f32 [tilespmem:s14], [sflag:$0x2], $0x80, s13, s13, $0xb8;
	[tilespmem:$0x18100] =	vst v63  }
0x24: {  	_ =	swait.ge [sflag:s12], $0x4000  }
0x25: {  	s18 =	simm.s32 $0x20;
	s17 =	simm.s32 $0x10;
	[sflag:s12] =	ssyncset.done $0x0  }
.LBB2_2:
0x26: {  	s19 =	sadd.s32 s17, s10  }
0x27: {  	[sflag:s12] =	ssyncadd.s32 $0xFFFFC000;
	s20 =	smov.u32 s18;
	s21 =	sadd.s32 $0x10, s18  }
0x28: {  	[tilespmem:s3], [sflag:$0x2] =	stream.linear.gather [hbm4b:s19+s3], $0x80, $0x38;
	[tilespmem:$0x18100] =	vst v63  }
0x29: {  	p0 =	sne.s32 s18, $0x4F0;
	_ =	swait.ge [sflag:s12], $0x80  }
0x2a: {  	[sflag:s12] =	ssyncset.done $0x0  }
0x2b: {  	s18 =	sadd.s32 s17, s9;
	s17 =	smov.u32 s20;
	[sflag:s12] =	ssyncadd.s32 $0xFFFFFF80  }
0x2c: {  	[tilespmem:s13], [sflag:$0x2] =	stream.linear.gather [hbm4b:s18+s3], $0x80, $0x38;
	[tilespmem:$0x18100] =	vst v63  }
0x2d: {  	_ =	swait.ge [sflag:s12], $0x80  }
0x2e: {  	[sflag:s12] =	ssyncset.done $0x0  }
0x2f: {  	[sflag:s12] =	ssyncadd.s32 $0xFFFFFF80  }
0x30: {  	[tilespmem:s14], [sflag:$0x1] =	stream.indirect.gather [hbm4b:s4+s13], $0x80, s3, s13, $0xb8;
	[tilespmem:$0x18100] =	vst v63  }
0x31: {  	_ =	swait.ge [sflag:s15], $0x4000  }
.Ltmp0:
0x32: {  	[sflag:s15] =	ssyncset.done $0x0;
	(pc) =	sbr.rel @p0 .LBB2_2-.Ltmp0, $4  }
0x33: {  	[sflag:s15] =	ssyncadd.s32 $0xFFFFC000  }
0x34: {  	[spmem:s2] =	stream.indirect.scatter.add.f32 [tilespmem:s14], [sflag:$0x2], $0x80, s13, s13, $0xb8;
	[tilespmem:$0x18100] =	vst v63  }
0x35: {  	_ =	swait.ge [sflag:s12], $0x4000  }
0x36: {  	s18 =	smov.u32 s21;
	[sflag:s12] =	ssyncset.done $0x0  }
0x37: {  	s18 =	sadd.s32 s17, s10;
	[sflag:s12] =	ssyncadd.s32 $0xFFFFC000  }
0x38: {  	[tilespmem:s3], [sflag:$0x2] =	stream.linear.gather [hbm4b:s18+s3], $0x80, $0x38;
	[tilespmem:$0x18100] =	vst v63  }
0x39: {  	_ =	swait.ge [sflag:s12], $0x80  }
0x3a: {  	[sflag:s12] =	ssyncset.done $0x0  }
0x3b: {  	s31 =	sadd.s32 s17, s9;
	[sflag:s12] =	ssyncadd.s32 $0xFFFFFF80  }
0x3c: {  	[tilespmem:s13], [sflag:$0x2] =	stream.linear.gather [hbm4b:s31+s3], $0x80, $0x38;
	[tilespmem:$0x18100] =	vst v63  }
0x3d: {  	_ =	swait.ge [sflag:s12], $0x80  }
0x3e: {  	[sflag:s12] =	ssyncset.done $0x0  }
0x3f: {  	[sflag:s12] =	ssyncadd.s32 $0xFFFFFF80  }
0x40: {  	[tilespmem:s14], [sflag:$0x1] =	stream.indirect.gather [hbm4b:s4+s13], $0x80, s3, s13, $0xb8;
	[tilespmem:$0x18100] =	vst v63  }
0x41: {  	_ =	swait.ge [sflag:s15], $0x4000  }
0x42: {  	[sflag:s15] =	ssyncset.done $0x0  }
0x43: {  	[sflag:s15] =	ssyncadd.s32 $0xFFFFC000  }
0x44: {  	[spmem:s2] =	stream.indirect.scatter.add.f32 [tilespmem:s14], [sflag:$0x2], $0x80, s13, s13, $0xb8;
	[tilespmem:$0x18100] =	vst v63  }
0x45: {  	_ =	swait.ge [sflag:s12], $0x4000  }
0x46: {  	s16 =	sadd.s32 $0x1, s16;
	[sflag:s12] =	ssyncset.done $0x0  }
0x47: {  	p0 =	sne.s32 s16, s8;
	[sflag:s12] =	ssyncadd.s32 $0xFFFFC000  }
.Ltmp1:
0x48: {  	[bflag:$0x0] =	sbarrier.arrive $0xFFFF;
	(pc) =	sbr.rel @p0 .LBB2_1-.Ltmp1, $4  }
0x49: {  	[hbm:s7], [sflag:s6] =	dma.local [spmem:s11], $0x2800  }
0x4a: {  	_ =	swait.ge [sflag:s12], $0x2800  }
0x4b: {  	[sflag:s12] =	ssyncset.done $0x0  }
0x4c: {  	[sflag:s12] =	ssyncadd.s32 $0xFFFFD800  }
0x4d: {  	_ =	sfence.sel $0x180000  }
0x4e: {  	[bflag:$0x0] =	sbarrier.arrive $0xFFFF  }
0x4f: {  	p0 =	sne.s32 s1, $0x0;
	_ =	strace $0x90000050  }
0x50: {  	s0 =	sadd.s32 @!p0 $0x100000, s0;
	[bflag:$0x2] =	sbarrier.arrive $0xFFFF  }
0x51: {  	[sflag:s0] =	ssyncadd.tile.s32 @!p0 $0x1;
	_ =	shalt  }
.Lfunc_end2:
_tile_overlayer_lowered:
.L_overlay_start_2:
0x52: {  	(tag) =	ssettag $0x2  }
0x53: {  	s0 =	rddreg [dreg:$0x0];
	s2 =	stileid.u32  }
0x54: {  	s1 =	rddreg [dreg:$0x1];
	p0 =	sne.s32 s2, $0x0  }
0x55: {  	s3 =	rddreg [dreg:$0x2];
	[bflag:$0x3] =	sbarrier.arrive $0xFFFF;
	s2 =	simm.s32 @!p0 $0x1C02  }
0x56: {  	[timem:s3], [sflag:s2] =	dma.local @!p0 [hbm:s0], s1  }
0x57: {  	s0 =	simm.s32 @!p0 $0x2  }
0x58: {  	_ =	swait.ge @!p0 [sflag:s0], s1  }
0x59: {  	s1 =	ssub.s32 @!p0 $0x0, s1;
	[sflag:s0] =	ssyncset.done @!p0 $0x0  }
0x5a: {  	[sflag:s0] =	ssyncadd.s32 @!p0 s1  }
0x5b: {  	[bflag:$0x3] =	sbarrier.arrive $0xFFFF  }
0x5c: {  	_ =	shalt  }

// kernel: kernel.26.cloned.1.call-start
scs
__scs_entry_jumppad:
0x0: {  	(pc) =	sbr.rel $0x88, $3  }
0x1: {  	(tag) =	ssettag $0x0;
	lr =	simm.s32 $0x1  }
0x2: {  	[smem:$0x3F8E] =	sst lr;
	_ =	strace $0xD0000000  }
0x3: {  	_ = 	snop  }
0x4: {  	_ = 	snop  }
0x5: {  	_ = 	snop  }
0x6: {  	_ = 	snop  }
0x7: {  	_ = 	snop  }
__scs_overlays_trampoline_lowered:
0x8: {  	[smem:$0x3F9D] =	sst s0  }
0x9: {  	[smem:$0x3F9E] =	sst s1  }
0xa: {  	[smem:$0x3F9F] =	sst s2  }
0xb: {  	[smem:$0x3FA0] =	sst s3  }
0xc: {  	[smem:$0x3FA1] =	sst s4  }
0xd: {  	[smem:$0x3FA2] =	sst s5  }
0xe: {  	[smem:$0x3FA3] =	sst s6  }
0xf: {  	[smem:$0x3FA4] =	sst s7  }
0x10: {  	[smem:$0x3FA5] =	sst s8  }
0x11: {  	[smem:$0x3FA6] =	sst s9;
	s0 =	simm.s32 @!p0 $0x0  }
0x12: {  	s1 =	sld [smem:$0x3F8C];
	s0 =	simm.s32 @p0 $0x1  }
0x13: {  	[smem:$0x3FA7] =	sst s0;
	s0 =	simm.s32 @!p1 $0x0  }
0x14: {  	s2 =	sld [smem:$0x3F8B];
	s0 =	simm.s32 @p1 $0x1  }
0x15: {  	[smem:$0x3FA8] =	sst s0;
	s0 =	simm.s32 @!p2 $0x0  }
0x16: {  	s3 =	sld [smem:$0x3FDB];
	s0 =	simm.s32 @p2 $0x1  }
0x17: {  	s4 =	simm.s32 $0x1BF5;
	[smem:$0x3FAA] =	sst s0  }
0x18: {  	s0 =	sld [smem:$0x3F8D];
	_ =	swait.ge [sflag:s4], $0x0  }
0x19: {  	s7 =	sld [smem:$0x3F8E]  }
0x1a: {  	s8 =	sadd.s32 $0xFFFFE003, lr  }
0x1b: {  	s9 =	sadd.s32 $0xFFFFFEF7, lr;
	s5 =	simm.s32 $0xFFFFFFFF;
	p2 =	slt.u32 s8, $0xFFFFF086  }
0x1c: {  	p1 =	slt.u32 s9, $0xF7A;
	s5 =	simm.s32 @!p2 $0x0  }
0x1d: {  	s5 =	simm.s32 @p1 $0x1;
	p0 =	seq.s32 s7, s2  }
0x1e: {  	s7 =	smul.u32 @!p0 $0xF7A, s2;
	p2 =	seq.s32 @!p0 s5, $0x0  }
0x1f: {  	s9 =	smul.u32 $0xF7A, s1;
	s8 =	simm.s32 @!p0 $0x1BF5;
	p2 =	por !p2, p0  }
0x20: {  	[sflag:s8] =	ssyncset.s32 @!p0 $0xFFFFF086;
	s6 =	sadd.s32 @!p0 s3, s7;
	s7 =	simm.s32 @!p0 $0x108  }
0x21: {  	s3 =	sadd.s32 s3, s9;
	s6 =	sadd.s32 @!p0 $0x88, s6;
	s7 =	simm.s32 @p2 $0x1082  }
0x22: {  	[simem:s7], [sflag:s8] =	dma.local @!p0 [hbm:s6], $0xF7A  }
0x23: {  	s9 =	sor.u32 $0xD0000000, s2;
	s6 =	simm.s32 $0x108;
	_ =	swait.ge @!p0 [sflag:s8], $0x0  }
0x24: {  	s3 =	sadd.s32 $0x88, s3;
	s6 =	simm.s32 @!p1 $0x1082;
	[sflag:s4] =	ssyncset.s32 $0xFFFFF086  }
0x25: {  	[simem:s6], [sflag:s4] =	dma.local [hbm:s3], $0xF7A  }
0x26: {  	[smem:$0x3F8E] =	sst s1;
	(tag) =	ssettag s2;
	_ =	strace s9  }
0x27: {  	s1 =	sld [smem:$0x3F9E]  }
0x28: {  	s2 =	sld [smem:$0x3F9F]  }
0x29: {  	s4 =	sld [smem:$0x3FA1]  }
0x2a: {  	p0 =	seq.s32 s5, $0x0;
	s5 =	sld [smem:$0x3FA2]  }
0x2b: {  	s6 =	sld [smem:$0x3FA3]  }
0x2c: {  	s7 =	sld [smem:$0x3FA4]  }
0x2d: {  	s3 =	simm.s32 $0x108;
	s8 =	sld [smem:$0x3FA5]  }
0x2e: {  	s3 =	simm.s32 @!p0 $0x1082;
	s9 =	sld [smem:$0x3FA6]  }
0x2f: {  	lr =	sadd.s32 s0, s3;
	s0 =	sld [smem:$0x3F9D]  }
0x30: {  	s3 =	sld [smem:$0x3FA0]  }
0x31: {  	[smem:$0x3FA9] =	sst s10  }
0x32: {  	s10 =	sld [smem:$0x3FA7];
	_ =	sdelay $0x3  }
0x33: {  	p0 =	seq.s32 s10, $0x1;
	s10 =	sld [smem:$0x3FA9];
	_ =	sdelay $0x3  }
0x34: {  	[smem:$0x3FA9] =	sst s10  }
0x35: {  	s10 =	sld [smem:$0x3FA8];
	_ =	sdelay $0x3  }
0x36: {  	p1 =	seq.s32 s10, $0x1;
	s10 =	sld [smem:$0x3FA9];
	_ =	sdelay $0x3  }
0x37: {  	[smem:$0x3FA9] =	sst s10  }
0x38: {  	s10 =	sld [smem:$0x3FAA]  }
0x39: {  	_ = 	snop;
	(pc) =	sbr.ind lr, $3  }
0x3a: {  	_ = 	snop  }
0x3b: {  	_ = 	snop  }
0x3c: {  	p2 =	seq.s32 s10, $0x1;
	s10 =	sld [smem:$0x3FA9]  }
0x3d: {  	_ =	shalt  }
0x3e: {  	_ =	shalt  }
0x3f: {  	_ =	shalt  }
0x40: {  	_ =	shalt  }
0x41: {  	_ =	shalt  }
0x42: {  	_ =	shalt  }
0x43: {  	_ =	shalt  }
0x44: {  	_ =	shalt  }
0x45: {  	_ =	shalt  }
0x46: {  	_ =	shalt  }
0x47: {  	_ =	shalt  }
0x48: {  	_ =	shalt  }
0x49: {  	_ =	shalt  }
0x4a: {  	_ =	shalt  }
0x4b: {  	_ =	shalt  }
0x4c: {  	_ =	shalt  }
0x4d: {  	_ =	shalt  }
0x4e: {  	_ =	shalt  }
0x4f: {  	_ =	shalt  }
0x50: {  	_ =	shalt  }
0x51: {  	_ =	shalt  }
0x52: {  	_ =	shalt  }
0x53: {  	_ =	shalt  }
0x54: {  	_ =	shalt  }
0x55: {  	_ =	shalt  }
0x56: {  	_ =	shalt  }
0x57: {  	_ =	shalt  }
0x58: {  	_ =	shalt  }
0x59: {  	_ =	shalt  }
0x5a: {  	_ =	shalt  }
0x5b: {  	_ =	shalt  }
0x5c: {  	_ =	shalt  }
0x5d: {  	_ =	shalt  }
0x5e: {  	_ =	shalt  }
0x5f: {  	_ =	shalt  }
0x60: {  	_ =	shalt  }
0x61: {  	_ =	shalt  }
0x62: {  	_ =	shalt  }
0x63: {  	_ =	shalt  }
0x64: {  	_ =	shalt  }
0x65: {  	_ =	shalt  }
0x66: {  	_ =	shalt  }
0x67: {  	_ =	shalt  }
0x68: {  	_ =	shalt  }
0x69: {  	_ =	shalt  }
0x6a: {  	_ =	shalt  }
0x6b: {  	_ =	shalt  }
0x6c: {  	_ =	shalt  }
0x6d: {  	_ =	shalt  }
0x6e: {  	_ =	shalt  }
0x6f: {  	_ =	shalt  }
0x70: {  	_ =	shalt  }
0x71: {  	_ =	shalt  }
0x72: {  	_ =	shalt  }
0x73: {  	_ =	shalt  }
0x74: {  	_ =	shalt  }
0x75: {  	_ =	shalt  }
0x76: {  	_ =	shalt  }
0x77: {  	_ =	shalt  }
0x78: {  	_ =	shalt  }
0x79: {  	_ =	shalt  }
0x7a: {  	_ =	shalt  }
0x7b: {  	_ =	shalt  }
0x7c: {  	_ =	shalt  }
0x7d: {  	_ =	shalt  }
0x7e: {  	_ =	shalt  }
0x7f: {  	_ =	shalt  }
0x80: {  	_ =	shalt  }
0x81: {  	_ =	shalt  }
0x82: {  	_ =	shalt  }
0x83: {  	_ =	shalt  }
0x84: {  	_ =	shalt  }
0x85: {  	_ =	shalt  }
0x86: {  	_ =	shalt  }
0x87: {  	_ =	shalt  }
.Lfunc_end0:
.L_simem_size_0:
called_computation.4_lowered:
.L_overlay_start_0:
0x88: {  	s2 =	sld [smem:$0x3FD9]  }
0x89: {  	s3 =	sld [smem:$0x3FFE];
	_ =	sdelay $0x1  }
0x8a: {  	s1 =	srdreg.scid  }
0x8b: {  	s0 =	sand.u32 $0x1, s1  }
0x8c: {  	s14 =	sshll.u32 s0, $0xA;
	s2 =	sadd.s32 s3, s2  }
0x8d: {  	s2 =	sadd.s32 s2, s14  }
0x8e: {  	[smem:$0x3FB5] =	sst s2  }
0x8f: {  	_ = 	snop  }
0x90: {  	s2 =	sld [smem:$0x3FD0];
	_ =	sdelay $0x2  }
0x91: {  	s15 =	simm.s32 $0xC;
	s4 =	simm.s32 $0x10  }
0x92: {  	[smem:s4], [sflag:s15] =	dma.local [hbm:s2], $0x1  }
0x93: {  	_ =	swait.eq [sflag:s15], $0x1  }
0x94: {  	[sflag:s15] =	ssyncset.done $0x0  }
0x95: {  	s16 =	sld [smem:$0x10];
	[sflag:s15] =	ssyncadd.s32 $0xFFFFFFFF  }
0x96: {  	s17 =	sld [smem:$0x12];
	(tm) =	ssettm $0x1  }
0x97: {  	s18 =	sld [smem:$0x3FFB];
	_ =	sdelay $0x3  }
0x98: {  	_ =	strace s18  }
0x99: {  	s4 =	sld [smem:$0x3FFC];
	_ =	sdelay $0x3  }
0x9a: {  	_ =	strace s4  }
0x9b: {  	s4 =	sld [smem:$0x3FFD];
	_ =	sdelay $0x3  }
0x9c: {  	_ =	strace s4  }
0x9d: {  	_ =	strace $0x8FFFFFFF  }
0x9e: {  	s19 =	sld [smem:$0x3FDB];
	_ =	sdelay $0x1  }
0x9f: {  	s5 =	simm.s32 $_scs_section_size  }
0xa0: {  	s6 =	simm.s32 $_size__tile_overlayer_lowered;
	s7 =	simm.s32 $_tile_overlayer_lowered  }
0xa1: {  	s22 =	simm.s32 $0x1BFF;
	s21 =	sshll.u32 s7, $0x1;
	s4 =	sadd.s32 s5, s19  }
0xa2: {  	s8 =	simm.s32 $0x0;
	s20 =	sshll.u32 s6, $0x1;
	s6 =	sadd.s32 s21, s4  }
0xa3: {  	[timem:s8], [sflag:s22] =	dma.local [hbm:s6], s20  }
0xa4: {  	_ =	swait.ge [sflag:s22], s20  }
0xa5: {  	s5 =	ssub.s32 $0x0, s20;
	[sflag:s22] =	ssyncset.done $0x0  }
0xa6: {  	[sflag:s22] =	ssyncadd.s32 s5;
	_ =	sdelay $0x1  }
0xa7: {  	s23 =	simm.s32 $0x1B8B  }
0xa8: {  	_ =	swait.ge [sflag:s23], $0x1  }
0xa9: {  	[sflag:s23] =	ssyncset.done $0x0  }
0xaa: {  	s25 =	simm.s32 $0x1B8E;
	s24 =	sld [smem:$0x3FFE];
	[sflag:s23] =	ssyncadd.s32 $0xFFFFFFFF  }
0xab: {  	s26 =	simm.s32 $execute0_lowered;
	[smem:$0x3FD2] =	sst s25  }
0xac: {  	s6 =	sshll.u32 s26, $0x1;
	_ =	strace $0x8000004C;
	[dreg:$0x1] =	wrdreg $0xFFFFFFFF  }
0xad: {  	s28 =	simm.s32 $_size_execute0_lowered;
	s4 =	sadd.s32 s4, s6;
	[dreg:$0x0] =	wrdreg $0x0  }
0xae: {  	s6 =	sshll.u32 s28, $0x1;
	[dreg:$0x2] =	wrdreg s4  }
0xaf: {  	[dreg:$0x3] =	wrdreg s6  }
0xb0: {  	[dreg:$0x4] =	wrdreg $0xC0  }
0xb1: {  	_ =	task [dreg:s8], $0x5FFFF  }
0xb2: {  	[dreg:$0x1] =	wrdreg $0xFFFFFFFF  }
0xb3: {  	[dreg:$0x0] =	wrdreg $0x60  }
0xb4: {  	[dreg:$0x2] =	wrdreg s24  }
0xb5: {  	[dreg:$0x3] =	wrdreg s16  }
0xb6: {  	[dreg:$0x4] =	wrdreg s17  }
0xb7: {  	[dreg:$0x5] =	wrdreg $0x9000  }
0xb8: {  	[dreg:$0x6] =	wrdreg $0xB  }
0xb9: {  	_ =	task.clear_ibuf [dreg:s8], $0x7FFFF;
	_ =	strace $0x9000004C  }
0xba: {  	s29 =	simm.s32 $0xB;
	_ =	strace $0x8000004E  }
0xbb: {  	_ =	swait.ge [sflag:s29], $0x1  }
0xbc: {  	[sflag:s29] =	ssyncadd.s32 $0xFFFFFFFF  }
0xbd: {  	_ =	strace $0x9000004E  }
0xbe: {  	_ =	sfence  }
0xbf: {  	s30 =	sld [smem:$0x0];
	_ =	sdelay $0x2  }
0xc0: {  	s31 =	sshll.u32 s1, $0xD;
	s1 =	sshrl.u32 s1, $0x2  }
0xc1: {  	s3 =	sand.u32 $0x4000, s31;
	s1 =	sadd.s32 s1, s30  }
0xc2: {  	s0 =	sor.u32 s3, s0;
	s1 =	sshll.u32 s1, $0x11  }
0xc3: {  	s0 =	sor.u32 s1, s0  }
0xc4: {  	s0 =	sadd.s32 $0x8F2B, s0  }
0xc5: {  	[sflag:s0] =	ssyncadd.remote.s32 $0x1  }
0xc6: {  	_ =	sfence.sel $0xFFFF  }
0xc7: {  	[dreg:$0x0] =	wrdreg $0xFFFFFFFF;
	(pc) =	sbr.abs _section_cstart, $3  }
0xc8: {  	[dreg:$0x1] =	wrdreg $0xFFFFFFFF  }
0xc9: {  	_ =	task.clear_ibuf [dreg:s8], $0x2FFFF;
	_ =	strace $0x9FFFFFFF  }
0xca: {  	(tm) =	ssettm $0x7FFFFFFF  }
0xcb: {  	_ =	shalt  }
tec
execute0_lowered:
.L_overlay_start_1:
0x0: {  	(tag) =	ssettag $0x1  }
0x1: {  	s5 =	rddreg [dreg:$0x0]  }
0x2: {  	s10 =	rddreg [dreg:$0x1]  }
0x3: {  	s9 =	rddreg [dreg:$0x2];
	s0 =	stileid.u32  }
0x4: {  	s1 =	srdreg.scid;
	s2 =	rddreg [dreg:$0x3]  }
0x5: {  	s3 =	simm.s32 $0x0;
	s15 =	simm.s32 $0x1;
	s16 =	simm.s32 $0x0  }
0x6: {  	s6 =	smul.u32 $0x2800, s0;
	s7 =	sand.u32 $0x1, s1;
	s1 =	rddreg [dreg:$0x4]  }
0x7: {  	[smem:$0x7FF] =	sst s3;
	s4 =	sadd.s32 $0x26400, s5;
	s31 =	sshll.u32 s0, $0x6  }
0x8: {  	s8 =	smul.u32 $0x28000, s7;
	_ =	strace $0x8000004D;
	s7 =	ssub.s32 $0x2, s7  }
0x9: {  	s11 =	sshrl.u32 s6, $0x3;
	s30 =	sshrl.u32 s7, $0x1;
	s14 =	sadd.s32 s6, s2  }
0xa: {  	s8 =	sadd.s32 s6, s8;
	s28 =	sadd.s32 s11, s5;
	s13 =	ssub.s32 s7, s30  }
0xb: {  	s6 =	sor.u32 $0x1C02, s31;
	s11 =	sshrl.u32 s14, $0x3;
	s14 =	simm.s32 $0x100  }
0xc: {  	s12 =	sshrl.u32 s8, $0x3;
	s8 =	smax.u32 s13, $0x1;
	s13 =	simm.s32 $0x80  }
0xd: {  	s29 =	sadd.s32 s12, s5;
	s5 =	sadd.s32 $0x2B400, s28;
	s9 =	sadd.s32 s12, s9  }
0xe: {  	s10 =	sadd.s32 s12, s10;
	s12 =	simm.s32 $0x2;
	s7 =	sadd.s32 $0x30400, s29  }
.LBB2_1:
0xf: {  	[spmem:s11], [sflag:s6] =	dma.local [hbm:s5], $0x500  }
0x10: {  	_ =	swait.ge [sflag:s12], $0x500  }
0x11: {  	[sflag:s12] =	ssyncset.done $0x0  }
0x12: {  	[sflag:s12] =	ssyncadd.s32 $0xFFFFFB00  }
0x13: {  	s17 =	sadd.s32 $0x0, s10;
	[bflag:$0x0] =	sbarrier.arrive $0xFFFF  }
0x14: {  	[tilespmem:s3], [sflag:$0x2] =	stream.linear.gather [hbm4b:s17+s3], $0x80, $0x38;
	[tilespmem:$0x3100] =	vst v63  }
0x15: {  	_ =	swait.ge [sflag:s12], $0x80  }
0x16: {  	[sflag:s12] =	ssyncset.done $0x0  }
0x17: {  	s31 =	sadd.s32 $0x0, s9;
	[sflag:s12] =	ssyncadd.s32 $0xFFFFFF80  }
0x18: {  	[tilespmem:s13], [sflag:$0x2] =	stream.linear.gather [hbm4b:s31+s3], $0x80, $0x38;
	[tilespmem:$0x3100] =	vst v63  }
0x19: {  	_ =	swait.ge [sflag:s12], $0x80  }
0x1a: {  	[sflag:s12] =	ssyncset.done $0x0  }
0x1b: {  	[sflag:s12] =	ssyncadd.s32 $0xFFFFFF80  }
0x1c: {  	[tilespmem:s14], [sflag:$0x1] =	stream.indirect.gather [hbm4b:s4+s13], $0x10, s3, s13, $0xb8;
	[tilespmem:$0x3100] =	vst v63  }
0x1d: {  	_ =	swait.ge [sflag:s15], $0x800  }
0x1e: {  	[sflag:s15] =	ssyncset.done $0x0  }
0x1f: {  	[sflag:s15] =	ssyncadd.s32 $0xFFFFF800  }
0x20: {  	[spmem:s2] =	stream.indirect.scatter.add.f32 [tilespmem:s14], [sflag:$0x2], $0x10, s13, s13, $0xb8;
	[tilespmem:$0x3100] =	vst v63  }
0x21: {  	_ =	swait.ge [sflag:s12], $0x800  }
0x22: {  	s18 =	simm.s32 $0x20;
	s17 =	simm.s32 $0x10;
	[sflag:s12] =	ssyncset.done $0x0  }
.LBB2_2:
0x23: {  	s19 =	sadd.s32 s17, s10  }
0x24: {  	[sflag:s12] =	ssyncadd.s32 $0xFFFFF800;
	s20 =	smov.u32 s18;
	s21 =	sadd.s32 $0x10, s18  }
0x25: {  	[tilespmem:s3], [sflag:$0x2] =	stream.linear.gather [hbm4b:s19+s3], $0x80, $0x38;
	[tilespmem:$0x3100] =	vst v63  }
0x26: {  	p0 =	sne.s32 s18, $0x4F0;
	_ =	swait.ge [sflag:s12], $0x80  }
0x27: {  	[sflag:s12] =	ssyncset.done $0x0  }
0x28: {  	s18 =	sadd.s32 s17, s9;
	s17 =	smov.u32 s20;
	[sflag:s12] =	ssyncadd.s32 $0xFFFFFF80  }
0x29: {  	[tilespmem:s13], [sflag:$0x2] =	stream.linear.gather [hbm4b:s18+s3], $0x80, $0x38;
	[tilespmem:$0x3100] =	vst v63  }
0x2a: {  	_ =	swait.ge [sflag:s12], $0x80  }
0x2b: {  	[sflag:s12] =	ssyncset.done $0x0  }
0x2c: {  	[sflag:s12] =	ssyncadd.s32 $0xFFFFFF80  }
0x2d: {  	[tilespmem:s14], [sflag:$0x1] =	stream.indirect.gather [hbm4b:s4+s13], $0x10, s3, s13, $0xb8;
	[tilespmem:$0x3100] =	vst v63  }
0x2e: {  	_ =	swait.ge [sflag:s15], $0x800  }
.Ltmp0:
0x2f: {  	[sflag:s15] =	ssyncset.done $0x0;
	(pc) =	sbr.rel @p0 .LBB2_2-.Ltmp0, $4  }
0x30: {  	[sflag:s15] =	ssyncadd.s32 $0xFFFFF800  }
0x31: {  	[spmem:s2] =	stream.indirect.scatter.add.f32 [tilespmem:s14], [sflag:$0x2], $0x10, s13, s13, $0xb8;
	[tilespmem:$0x3100] =	vst v63  }
0x32: {  	_ =	swait.ge [sflag:s12], $0x800  }
0x33: {  	s18 =	smov.u32 s21;
	[sflag:s12] =	ssyncset.done $0x0  }
0x34: {  	s18 =	sadd.s32 s17, s10;
	[sflag:s12] =	ssyncadd.s32 $0xFFFFF800  }
0x35: {  	[tilespmem:s3], [sflag:$0x2] =	stream.linear.gather [hbm4b:s18+s3], $0x80, $0x38;
	[tilespmem:$0x3100] =	vst v63  }
0x36: {  	_ =	swait.ge [sflag:s12], $0x80  }
0x37: {  	[sflag:s12] =	ssyncset.done $0x0  }
0x38: {  	s31 =	sadd.s32 s17, s9;
	[sflag:s12] =	ssyncadd.s32 $0xFFFFFF80  }
0x39: {  	[tilespmem:s13], [sflag:$0x2] =	stream.linear.gather [hbm4b:s31+s3], $0x80, $0x38;
	[tilespmem:$0x3100] =	vst v63  }
0x3a: {  	_ =	swait.ge [sflag:s12], $0x80  }
0x3b: {  	[sflag:s12] =	ssyncset.done $0x0  }
0x3c: {  	[sflag:s12] =	ssyncadd.s32 $0xFFFFFF80  }
0x3d: {  	[tilespmem:s14], [sflag:$0x1] =	stream.indirect.gather [hbm4b:s4+s13], $0x10, s3, s13, $0xb8;
	[tilespmem:$0x3100] =	vst v63  }
0x3e: {  	_ =	swait.ge [sflag:s15], $0x800  }
0x3f: {  	[sflag:s15] =	ssyncset.done $0x0  }
0x40: {  	[sflag:s15] =	ssyncadd.s32 $0xFFFFF800  }
0x41: {  	[spmem:s2] =	stream.indirect.scatter.add.f32 [tilespmem:s14], [sflag:$0x2], $0x10, s13, s13, $0xb8;
	[tilespmem:$0x3100] =	vst v63  }
0x42: {  	_ =	swait.ge [sflag:s12], $0x800  }
0x43: {  	s16 =	sadd.s32 $0x1, s16;
	[sflag:s12] =	ssyncset.done $0x0  }
0x44: {  	p0 =	sne.s32 s16, s8;
	[sflag:s12] =	ssyncadd.s32 $0xFFFFF800  }
.Ltmp1:
0x45: {  	[bflag:$0x0] =	sbarrier.arrive $0xFFFF;
	(pc) =	sbr.rel @p0 .LBB2_1-.Ltmp1, $4  }
0x46: {  	[hbm:s7], [sflag:s6] =	dma.local [spmem:s11], $0x500  }
0x47: {  	_ =	swait.ge [sflag:s12], $0x500  }
0x48: {  	[sflag:s12] =	ssyncset.done $0x0  }
0x49: {  	[sflag:s12] =	ssyncadd.s32 $0xFFFFFB00  }
0x4a: {  	_ =	sfence.sel $0x180000  }
0x4b: {  	[bflag:$0x0] =	sbarrier.arrive $0xFFFF  }
0x4c: {  	p0 =	sne.s32 s0, $0x0;
	_ =	strace $0x9000004D  }
0x4d: {  	s0 =	sadd.s32 @!p0 $0x100000, s1;
	[bflag:$0x2] =	sbarrier.arrive $0xFFFF  }
0x4e: {  	[sflag:s0] =	ssyncadd.tile.s32 @!p0 $0x1;
	_ =	shalt  }
.Lfunc_end2:
_tile_overlayer_lowered:
.L_overlay_start_2:
0x4f: {  	(tag) =	ssettag $0x2  }
0x50: {  	s0 =	rddreg [dreg:$0x0];
	s2 =	stileid.u32  }
0x51: {  	s1 =	rddreg [dreg:$0x1];
	p0 =	sne.s32 s2, $0x0  }
0x52: {  	s3 =	rddreg [dreg:$0x2];
	[bflag:$0x3] =	sbarrier.arrive $0xFFFF;
	s2 =	simm.s32 @!p0 $0x1C02  }
0x53: {  	[timem:s3], [sflag:s2] =	dma.local @!p0 [hbm:s0], s1  }
0x54: {  	s0 =	simm.s32 @!p0 $0x2  }
0x55: {  	_ =	swait.ge @!p0 [sflag:s0], s1  }
0x56: {  	s1 =	ssub.s32 @!p0 $0x0, s1;
	[sflag:s0] =	ssyncset.done @!p0 $0x0  }
0x57: {  	[sflag:s0] =	ssyncadd.s32 @!p0 s1  }
0x58: {  	[bflag:$0x3] =	sbarrier.arrive $0xFFFF  }
0x59: {  	_ =	shalt  }

</sc_bundles>
